<compile_context>
chip_gen: v7x
topology: tpu7x:2x2x1
jax: 0.10.2.dev20260603
libtpu: 0.0.44.dev20260713+nightly
codegen_flags: <defaults>
</compile_context>

<pallas_src>
import functools

import jax
import jax.numpy as jnp
import numpy as np
from jax import lax
from jax.experimental import pallas as pl
from jax.experimental.pallas import tpu as pltpu
from jax.experimental.pallas import tpu_sc as plsc

_K = 8
_TOPK_MB = 256
_MLP_MC = 512



def _topk_body(n_points, g_ref, pt_ref, pn_ref, dist_ref, idx_ref):
    b = pl.program_id(0)
    g = g_ref[0]
    pt = pt_ref[0]
    gn = jnp.sum(g * g, axis=1, keepdims=True)
    pn = pn_ref[0]
    dgp = lax.dot_general(g, pt, (((1,), (0,)), ((), ())),
                          preferred_element_type=jnp.float32)
    d2 = gn + pn - 2.0 * dgp
    d = jnp.sqrt(jnp.maximum(d2, 1e-12))
    mb, n = d.shape
    iota = lax.broadcasted_iota(jnp.int32, (mb, n), 1).astype(jnp.float32)
    base = b * n_points
    nf = jnp.float32(n)
    for k in range(_K):
        m = jnp.min(d, axis=1, keepdims=True)
        idx = jnp.min(jnp.where(d == m, iota, nf), axis=1,
                      keepdims=True)
        dist_ref[0, :, k] = m[:, 0]
        idx_ref[0, :, k] = idx[:, 0].astype(jnp.int32) + base
        d = jnp.where(iota == idx, jnp.float32(jnp.inf), d)


def _topk_call(grid_coords, pt_t, pn):
    B, M, _ = grid_coords.shape
    N = pt_t.shape[2]
    grid = (B, M // _TOPK_MB)
    return pl.pallas_call(
        functools.partial(_topk_body, N),
        grid=grid,
        in_specs=[
            pl.BlockSpec((1, _TOPK_MB, 3), lambda b, i: (b, i, 0)),
            pl.BlockSpec((1, 3, N), lambda b, i: (b, 0, 0)),
            pl.BlockSpec((1, 1, N), lambda b, i: (b, 0, 0)),
        ],
        out_specs=[
            pl.BlockSpec((1, _TOPK_MB, _K), lambda b, i: (b, i, 0)),
            pl.BlockSpec((1, _TOPK_MB, _K), lambda b, i: (b, i, 0)),
        ],
        out_shape=[
            jax.ShapeDtypeStruct((B, M, _K), jnp.float32),
            jax.ShapeDtypeStruct((B, M, _K), jnp.int32),
        ],
    )(grid_coords, pt_t, pn)



def _make_gather(n_rows_total, width):
    info = plsc.get_sparse_core_info()
    nw = info.num_cores * info.num_subcores
    per_w = n_rows_total // nw
    ch = 128
    n_ch = per_w // ch
    mesh = plsc.VectorSubcoreMesh(core_axis_name="c", subcore_axis_name="s")

    @functools.partial(
        pl.kernel, mesh=mesh,
        out_type=[
            jax.ShapeDtypeStruct((n_rows_total, width), jnp.float32),
            jax.ShapeDtypeStruct((n_rows_total, width), jnp.float32),
        ],
        scratch_types=(
            [pltpu.VMEM((ch,), jnp.int32)] * 2
            + [pltpu.VMEM((ch, width), jnp.float32)] * 4
            + [pltpu.SemaphoreType.DMA] * 8
        ),
    )
    def gather_k(ft_hbm, ct_hbm, idx_hbm, outf_hbm, outc_hbm,
                 i0, i1, f0, f1, c0, c1,
                 sgf0, sgf1, sgc0, sgc1, swf0, swf1, swc0, swc1):
        wid = lax.axis_index("s") * info.num_cores + lax.axis_index("c")
        idxb, fb, cb = [i0, i1], [f0, f1], [c0, c1]
        sgf, sgc = [sgf0, sgf1], [sgc0, sgc1]
        swf, swc = [swf0, swf1], [swc0, swc1]
        gops = [None, None]
        wops = [None, None]
        for c in range(n_ch):
            s = c % 2
            if wops[s] is not None:
                for op in wops[s]:
                    op.wait()
                wops[s] = None
            base = wid * per_w + c * ch
            pltpu.sync_copy(idx_hbm.at[pl.ds(base, ch)], idxb[s])
            gops[s] = (
                pltpu.async_copy(ft_hbm.at[idxb[s]], fb[s], sgf[s]),
                pltpu.async_copy(ct_hbm.at[idxb[s]], cb[s], sgc[s]),
                base,
            )
            s1 = 1 - s
            if gops[s1] is not None:
                gf1, gc1, b1 = gops[s1]
                gf1.wait()
                gc1.wait()
                wops[s1] = (
                    pltpu.async_copy(fb[s1], outf_hbm.at[pl.ds(b1, ch)],
                                     swf[s1]),
                    pltpu.async_copy(cb[s1], outc_hbm.at[pl.ds(b1, ch)],
                                     swc[s1]),
                )
                gops[s1] = None
        s = (n_ch - 1) % 2
        gf, gc, b1 = gops[s]
        gf.wait()
        gc.wait()
        wops[s] = (
            pltpu.async_copy(fb[s], outf_hbm.at[pl.ds(b1, ch)], swf[s]),
            pltpu.async_copy(cb[s], outc_hbm.at[pl.ds(b1, ch)], swc[s]),
        )
        for s in (0, 1):
            if wops[s] is not None:
                for op in wops[s]:
                    op.wait()

    return gather_k



def _mlp_body(g_ref, rowsf_ref, rowsc_ref, dist_ref, w1_ref, b1_ref, w2_ref,
              b2_ref, gamma_ref, beta_ref, out_ref):
    mc = g_ref.shape[1]
    g = g_ref[0]
    feats = rowsf_ref[0]
    pc = rowsc_ref[0][:, 0:3].reshape(mc, _K, 3)
    w1 = w1_ref[...]
    dot = lambda a, b: lax.dot_general(
        a, b, (((1,), (0,)), ((), ())), preferred_element_type=jnp.float32)
    rel = (g[:, None, :] - pc).reshape(mc * _K, 3)
    pre = dot(rel, w1).reshape(mc, _K, 128) + b1_ref[...][None]
    h = 0.5 * pre * (1.0 + lax.erf(pre * np.float32(1.0 / np.sqrt(2.0))))
    kappa = (dot(h.reshape(mc * _K, 128), w2_ref[...]).reshape(mc, _K, 128)
             + b2_ref[...][None])
    dist = dist_ref[0]
    w = 1.0 / (dist + 1e-6)
    w = w / jnp.sum(w, axis=1, keepdims=True)
    msg = kappa * feats.reshape(mc, _K, 128) * w[:, :, None]
    out = jnp.sum(msg, axis=1)
    mu = jnp.mean(out, axis=1, keepdims=True)
    var = jnp.mean((out - mu) ** 2, axis=1, keepdims=True)
    out = (out - mu) / jnp.sqrt(var + 1e-5)
    out_ref[0] = out * gamma_ref[...] + beta_ref[...]


def _mlp_call(grid_coords, rowsf, rowsc, dist, w1, b1, w2, b2, gamma, beta):
    B, M, _ = grid_coords.shape
    grid = (B, M // _MLP_MC)
    return pl.pallas_call(
        _mlp_body,
        grid=grid,
        in_specs=[
            pl.BlockSpec((1, _MLP_MC, 3), lambda b, i: (b, i, 0)),
            pl.BlockSpec((1, _MLP_MC * _K, 128), lambda b, i: (b, i, 0)),
            pl.BlockSpec((1, _MLP_MC * _K, 128), lambda b, i: (b, i, 0)),
            pl.BlockSpec((1, _MLP_MC, _K), lambda b, i: (b, i, 0)),
            pl.BlockSpec((3, 128), lambda b, i: (0, 0)),
            pl.BlockSpec((1, 128), lambda b, i: (0, 0)),
            pl.BlockSpec((128, 128), lambda b, i: (0, 0)),
            pl.BlockSpec((1, 128), lambda b, i: (0, 0)),
            pl.BlockSpec((1, 128), lambda b, i: (0, 0)),
            pl.BlockSpec((1, 128), lambda b, i: (0, 0)),
        ],
        out_specs=pl.BlockSpec((1, _MLP_MC, 128), lambda b, i: (b, i, 0)),
        out_shape=jax.ShapeDtypeStruct((B, M, 128), jnp.float32),
    )(grid_coords, rowsf, rowsc, dist, w1, b1, w2, b2, gamma, beta)



_N_SLICES = 2


def kernel(grid_coords, point_coords, point_feats, W1, b1, W2, b2, gamma,
           beta):
    B, M, _ = grid_coords.shape
    N = point_coords.shape[1]
    D = point_feats.shape[2]
    pt_t = jnp.transpose(point_coords, (0, 2, 1))
    pn = jnp.sum(point_coords ** 2, axis=-1).reshape(B, 1, N)
    ft = point_feats.reshape(B * N, D)
    ct = jnp.concatenate(
        [point_coords, jnp.zeros((B, N, D - 3), jnp.float32)],
        axis=-1).reshape(B * N, D)
    ms = M // _N_SLICES
    gather = _make_gather(B * ms * _K, D)
    topk = [_topk_call(grid_coords[:, s * ms:(s + 1) * ms], pt_t, pn)
            for s in range(_N_SLICES)]
    outs = []
    for s in range(_N_SLICES):
        dist, idxf = topk[s]
        rowsf, rowsc = gather(ft, ct, idxf.reshape(-1))
        outs.append(_mlp_call(
            grid_coords[:, s * ms:(s + 1) * ms],
            rowsf.reshape(B, ms * _K, D), rowsc.reshape(B, ms * _K, D),
            dist, W1, b1.reshape(1, D), W2, b2.reshape(1, D),
            gamma.reshape(1, D), beta.reshape(1, D)))
    return jnp.concatenate(outs, axis=1)

# --- scband reference (transcript-rebuilt; emitter-appended) ---
"""Pipeline reference for scband-point-to-grid-gno-56839597195400 (READ-ONLY COPY).

The authoritative reference and input builder live on the scoring server;
editing this copy changes nothing except your own understanding.
"""

import jax, jax.numpy as jnp
import numpy as np

LATENT = 128
K = 8
CHUNK = 4096


def _forward(grid_coords, point_coords, point_feats, W1, b1, W2, b2, gamma, beta):
    B, M, _ = grid_coords.shape
    pn = jnp.sum(point_coords ** 2, axis=-1)
    dists = []
    idxs = []
    for i in range(0, M, CHUNK):
        g = grid_coords[:, i:i + CHUNK, :]
        gn = jnp.sum(g ** 2, axis=-1)
        d2 = gn[:, :, None] + pn[:, None, :] - 2.0 * jnp.einsum('bmd,bnd->bmn', g, point_coords)
        d = jnp.sqrt(jnp.maximum(d2, 1e-12))
        negv, idx = jax.lax.top_k(-d, K)
        dists.append(-negv)
        idxs.append(idx)
    dist_topk = jnp.concatenate(dists, axis=1)
    idx_topk = jnp.concatenate(idxs, axis=1)
    knn_pc = jax.vmap(lambda pc, ix: pc[ix])(point_coords, idx_topk)
    knn_f = jax.vmap(lambda pf, ix: pf[ix])(point_feats, idx_topk)
    rel_pos = grid_coords[:, :, None, :] - knn_pc
    h = jax.nn.gelu(rel_pos @ W1 + b1, approximate=False)
    kappa = h @ W2 + b2
    w = 1.0 / (dist_topk + 1e-6)
    w = w / jnp.sum(w, axis=-1, keepdims=True)
    msg = kappa * knn_f * w[..., None]
    out = jnp.sum(msg, axis=2)
    mu = jnp.mean(out, axis=-1, keepdims=True)
    var = jnp.var(out, axis=-1, keepdims=True)
    out = (out - mu) / jnp.sqrt(var + 1e-5)
    return out * gamma + beta


def setup_inputs(seed: int = 0) -> dict:
    key = jax.random.key(seed)
    ks = jax.random.split(key, 8)
    B, M, N, D = 2, 4096, 4096, LATENT
    grid_coords = jax.random.uniform(ks[0], (B, M, 3), dtype=jnp.float32)
    point_coords = jax.random.uniform(ks[1], (B, N, 3), dtype=jnp.float32)
    point_feats = jax.random.normal(ks[2], (B, N, D), dtype=jnp.float32)
    W1 = jax.random.normal(ks[3], (3, D), dtype=jnp.float32) * (1.0 / np.sqrt(3.0))
    b1 = jnp.zeros((D,), dtype=jnp.float32)
    W2 = jax.random.normal(ks[4], (D, D), dtype=jnp.float32) * (1.0 / np.sqrt(D))
    b2 = jnp.zeros((D,), dtype=jnp.float32)
    gamma = jnp.ones((D,), dtype=jnp.float32)
    beta = jnp.zeros((D,), dtype=jnp.float32)
    return {"grid_coords": grid_coords, "point_coords": point_coords, "point_feats": point_feats,
            "W1": W1, "b1": b1, "W2": W2, "b2": b2, "gamma": gamma, "beta": beta}


def reference(grid_coords, point_coords, point_feats, W1, b1, W2, b2, gamma, beta):
    return _forward(grid_coords, point_coords, point_feats, W1, b1, W2, b2, gamma, beta)

if __name__ == "__main__":
    import jax
    _d = setup_inputs()
    print(jax.jit(kernel)(*tuple(_d.values())))

</pallas_src>

<mosaic_0001>
#map = affine_map<(d0, d1) -> (0, 0)>
#map1 = affine_map<(d0, d1) -> (0)>
module attributes {stable_mosaic.version = 14 : i64} {
  func.func @gather_k(%arg0: i32, %arg1: i32, %arg2: memref<8192x128xf32, #tpu.memory_space<hbm>>, %arg3: memref<8192x128xf32, #tpu.memory_space<hbm>>, %arg4: memref<32768xi32, #tpu.memory_space<hbm>>, %arg5: memref<32768x128xf32, #tpu.memory_space<hbm>>, %arg6: memref<32768x128xf32, #tpu.memory_space<hbm>>, %arg7: memref<128xi32, #tpu.memory_space<vmem>>, %arg8: memref<128xi32, #tpu.memory_space<vmem>>, %arg9: memref<128x128xf32, #tpu.memory_space<vmem>>, %arg10: memref<128x128xf32, #tpu.memory_space<vmem>>, %arg11: memref<128x128xf32, #tpu.memory_space<vmem>>, %arg12: memref<128x128xf32, #tpu.memory_space<vmem>>, %arg13: memref<!tpu.dma_semaphore, #tpu.memory_space<semaphore_mem>>, %arg14: memref<!tpu.dma_semaphore, #tpu.memory_space<semaphore_mem>>, %arg15: memref<!tpu.dma_semaphore, #tpu.memory_space<semaphore_mem>>, %arg16: memref<!tpu.dma_semaphore, #tpu.memory_space<semaphore_mem>>, %arg17: memref<!tpu.dma_semaphore, #tpu.memory_space<semaphore_mem>>, %arg18: memref<!tpu.dma_semaphore, #tpu.memory_space<semaphore_mem>>, %arg19: memref<!tpu.dma_semaphore, #tpu.memory_space<semaphore_mem>>, %arg20: memref<!tpu.dma_semaphore, #tpu.memory_space<semaphore_mem>>) attributes {dimension_semantics = [#tpu.dimension_semantics<core_parallel>, #tpu.dimension_semantics<subcore_parallel>], iteration_bounds = array<i64: 2, 16>, scalar_prefetch = 0 : i64, scratch_operands = 14 : i64, tpu.core_type = #tpu.core_type<sc_vector_subcore>, window_params = [{transform_indices = #map}, {transform_indices = #map}, {transform_indices = #map1}, {transform_indices = #map}, {transform_indices = #map}]} {
    %mul3A = arith.constant 2 : i32
    %mul3A_0 = arith.muli %arg1, %mul3A : i32
    %add3A = arith.addi %mul3A_0, %arg0 : i32
    %mul3A_1 = arith.constant 1024 : i32
    %mul3A_2 = arith.muli %add3A, %mul3A_1 : i32
    %add3A_3 = arith.constant 0 : i32
    %add3A_4 = arith.addi %mul3A_2, %add3A_3 : i32
    "tpu.region"() ({
      %run_scoped3A = tpu.sem_alloc : memref<!tpu.dma_semaphore, #tpu.memory_space<semaphore_mem>>
      %dma_start3A_255 = tpu.memref_slice %arg4[%add3A_4] : memref<32768xi32, #tpu.memory_space<hbm>> -> memref<128xi32, #tpu.memory_space<hbm>>
      %dma_start3A_256 = tpu.memref_slice %arg4[%add3A_4] : memref<32768xi32, #tpu.memory_space<hbm>> -> memref<128xi32, #tpu.memory_space<hbm>>
      tpu.enqueue_dma source(%dma_start3A_256 : memref<128xi32, #tpu.memory_space<hbm>>) target(%arg7 : memref<128xi32, #tpu.memory_space<vmem>>) target_semaphore(%run_scoped3A : memref<!tpu.dma_semaphore, #tpu.memory_space<semaphore_mem>>)
      %dma_wait3A_257 = tpu.memref_slice %arg4[%add3A_4] : memref<32768xi32, #tpu.memory_space<hbm>> -> memref<128xi32, #tpu.memory_space<hbm>>
      %dma_wait3A_258 = tpu.memref_slice %arg4[%add3A_4] : memref<32768xi32, #tpu.memory_space<hbm>> -> memref<128xi32, #tpu.memory_space<hbm>>
      tpu.wait_dma2 semaphore(%run_scoped3A : memref<!tpu.dma_semaphore, #tpu.memory_space<semaphore_mem>>) src(%dma_wait3A_258 : memref<128xi32, #tpu.memory_space<hbm>>) dst(%arg7 : memref<128xi32, #tpu.memory_space<vmem>>)
      tpu.yield
    }) : () -> ()
    %dma_start3A = arith.constant 0 : i32
    %dma_start3A_5 = arith.constant 0 : i32
    %dma_start3A_6 = tpu.memref_slice %arg2[%dma_start3A, %dma_start3A_5] : memref<8192x128xf32, #tpu.memory_space<hbm>> -> memref<8192x128xf32, #tpu.memory_space<hbm>>
    tpu.enqueue_indirect_dma source(%dma_start3A_6 : memref<8192x128xf32, #tpu.memory_space<hbm>>) target(%arg9 : memref<128x128xf32, #tpu.memory_space<vmem>>) offsets(%arg7 : memref<128xi32, #tpu.memory_space<vmem>>) semaphore(%arg13 : memref<!tpu.dma_semaphore, #tpu.memory_space<semaphore_mem>>)
    %dma_start3A_7 = arith.constant 0 : i32
    %dma_start3A_8 = arith.constant 0 : i32
    %dma_start3A_9 = tpu.memref_slice %arg3[%dma_start3A_7, %dma_start3A_8] : memref<8192x128xf32, #tpu.memory_space<hbm>> -> memref<8192x128xf32, #tpu.memory_space<hbm>>
    tpu.enqueue_indirect_dma source(%dma_start3A_9 : memref<8192x128xf32, #tpu.memory_space<hbm>>) target(%arg11 : memref<128x128xf32, #tpu.memory_space<vmem>>) offsets(%arg7 : memref<128xi32, #tpu.memory_space<vmem>>) semaphore(%arg15 : memref<!tpu.dma_semaphore, #tpu.memory_space<semaphore_mem>>)
    %mul3A_10 = arith.constant 1024 : i32
    %mul3A_11 = arith.muli %add3A, %mul3A_10 : i32
    %add3A_12 = arith.constant 128 : i32
    %add3A_13 = arith.addi %mul3A_11, %add3A_12 : i32
    "tpu.region"() ({
      %run_scoped3A = tpu.sem_alloc : memref<!tpu.dma_semaphore, #tpu.memory_space<semaphore_mem>>
      %dma_start3A_255 = tpu.memref_slice %arg4[%add3A_13] : memref<32768xi32, #tpu.memory_space<hbm>> -> memref<128xi32, #tpu.memory_space<hbm>>
      %dma_start3A_256 = tpu.memref_slice %arg4[%add3A_13] : memref<32768xi32, #tpu.memory_space<hbm>> -> memref<128xi32, #tpu.memory_space<hbm>>
      tpu.enqueue_dma source(%dma_start3A_256 : memref<128xi32, #tpu.memory_space<hbm>>) target(%arg8 : memref<128xi32, #tpu.memory_space<vmem>>) target_semaphore(%run_scoped3A : memref<!tpu.dma_semaphore, #tpu.memory_space<semaphore_mem>>)
      %dma_wait3A_257 = tpu.memref_slice %arg4[%add3A_13] : memref<32768xi32, #tpu.memory_space<hbm>> -> memref<128xi32, #tpu.memory_space<hbm>>
      %dma_wait3A_258 = tpu.memref_slice %arg4[%add3A_13] : memref<32768xi32, #tpu.memory_space<hbm>> -> memref<128xi32, #tpu.memory_space<hbm>>
      tpu.wait_dma2 semaphore(%run_scoped3A : memref<!tpu.dma_semaphore, #tpu.memory_space<semaphore_mem>>) src(%dma_wait3A_258 : memref<128xi32, #tpu.memory_space<hbm>>) dst(%arg8 : memref<128xi32, #tpu.memory_space<vmem>>)
      tpu.yield
    }) : () -> ()
    %dma_start3A_14 = arith.constant 0 : i32
    %dma_start3A_15 = arith.constant 0 : i32
    %dma_start3A_16 = tpu.memref_slice %arg2[%dma_start3A_14, %dma_start3A_15] : memref<8192x128xf32, #tpu.memory_space<hbm>> -> memref<8192x128xf32, #tpu.memory_space<hbm>>
    tpu.enqueue_indirect_dma source(%dma_start3A_16 : memref<8192x128xf32, #tpu.memory_space<hbm>>) target(%arg10 : memref<128x128xf32, #tpu.memory_space<vmem>>) offsets(%arg8 : memref<128xi32, #tpu.memory_space<vmem>>) semaphore(%arg14 : memref<!tpu.dma_semaphore, #tpu.memory_space<semaphore_mem>>)
    %dma_start3A_17 = arith.constant 0 : i32
    %dma_start3A_18 = arith.constant 0 : i32
    %dma_start3A_19 = tpu.memref_slice %arg3[%dma_start3A_17, %dma_start3A_18] : memref<8192x128xf32, #tpu.memory_space<hbm>> -> memref<8192x128xf32, #tpu.memory_space<hbm>>
    tpu.enqueue_indirect_dma source(%dma_start3A_19 : memref<8192x128xf32, #tpu.memory_space<hbm>>) target(%arg12 : memref<128x128xf32, #tpu.memory_space<vmem>>) offsets(%arg8 : memref<128xi32, #tpu.memory_space<vmem>>) semaphore(%arg16 : memref<!tpu.dma_semaphore, #tpu.memory_space<semaphore_mem>>)
    %dma_wait3A = arith.constant 0 : i32
    %dma_wait3A_20 = arith.constant 0 : i32
    %dma_wait3A_21 = tpu.memref_slice %arg2[%dma_wait3A, %dma_wait3A_20] : memref<8192x128xf32, #tpu.memory_space<hbm>> -> memref<8192x128xf32, #tpu.memory_space<hbm>>
    tpu.wait_indirect_dma semaphore(%arg13 : memref<!tpu.dma_semaphore, #tpu.memory_space<semaphore_mem>>) src(%dma_wait3A_21 : memref<8192x128xf32, #tpu.memory_space<hbm>>) dst(%arg9 : memref<128x128xf32, #tpu.memory_space<vmem>>)
    %dma_wait3A_22 = arith.constant 0 : i32
    %dma_wait3A_23 = arith.constant 0 : i32
    %dma_wait3A_24 = tpu.memref_slice %arg3[%dma_wait3A_22, %dma_wait3A_23] : memref<8192x128xf32, #tpu.memory_space<hbm>> -> memref<8192x128xf32, #tpu.memory_space<hbm>>
    tpu.wait_indirect_dma semaphore(%arg15 : memref<!tpu.dma_semaphore, #tpu.memory_space<semaphore_mem>>) src(%dma_wait3A_24 : memref<8192x128xf32, #tpu.memory_space<hbm>>) dst(%arg11 : memref<128x128xf32, #tpu.memory_space<vmem>>)
    %dma_start3A_25 = arith.constant 0 : i32
    %dma_start3A_26 = tpu.memref_slice %arg5[%add3A_4, %dma_start3A_25] : memref<32768x128xf32, #tpu.memory_space<hbm>> -> memref<128x128xf32, #tpu.memory_space<hbm>>
    %dma_start3A_27 = arith.constant 0 : i32
    %dma_start3A_28 = tpu.memref_slice %arg5[%add3A_4, %dma_start3A_27] : memref<32768x128xf32, #tpu.memory_space<hbm>> -> memref<128x128xf32, #tpu.memory_space<hbm>>
    tpu.enqueue_dma source(%arg9 : memref<128x128xf32, #tpu.memory_space<vmem>>) target(%dma_start3A_28 : memref<128x128xf32, #tpu.memory_space<hbm>>) target_semaphore(%arg17 : memref<!tpu.dma_semaphore, #tpu.memory_space<semaphore_mem>>)
    %dma_start3A_29 = arith.constant 0 : i32
    %dma_start3A_30 = tpu.memref_slice %arg6[%add3A_4, %dma_start3A_29] : memref<32768x128xf32, #tpu.memory_space<hbm>> -> memref<128x128xf32, #tpu.memory_space<hbm>>
    %dma_start3A_31 = arith.constant 0 : i32
    %dma_start3A_32 = tpu.memref_slice %arg6[%add3A_4, %dma_start3A_31] : memref<32768x128xf32, #tpu.memory_space<hbm>> -> memref<128x128xf32, #tpu.memory_space<hbm>>
    tpu.enqueue_dma source(%arg11 : memref<128x128xf32, #tpu.memory_space<vmem>>) target(%dma_start3A_32 : memref<128x128xf32, #tpu.memory_space<hbm>>) target_semaphore(%arg19 : memref<!tpu.dma_semaphore, #tpu.memory_space<semaphore_mem>>)
    %dma_wait3A_33 = arith.constant 0 : i32
    %dma_wait3A_34 = tpu.memref_slice %arg5[%add3A_4, %dma_wait3A_33] : memref<32768x128xf32, #tpu.memory_space<hbm>> -> memref<128x128xf32, #tpu.memory_space<hbm>>
    %dma_wait3A_35 = arith.constant 0 : i32
    %dma_wait3A_36 = tpu.memref_slice %arg5[%add3A_4, %dma_wait3A_35] : memref<32768x128xf32, #tpu.memory_space<hbm>> -> memref<128x128xf32, #tpu.memory_space<hbm>>
    tpu.wait_dma2 semaphore(%arg17 : memref<!tpu.dma_semaphore, #tpu.memory_space<semaphore_mem>>) src(%arg9 : memref<128x128xf32, #tpu.memory_space<vmem>>) dst(%dma_wait3A_36 : memref<128x128xf32, #tpu.memory_space<hbm>>)
    %dma_wait3A_37 = arith.constant 0 : i32
    %dma_wait3A_38 = tpu.memref_slice %arg6[%add3A_4, %dma_wait3A_37] : memref<32768x128xf32, #tpu.memory_space<hbm>> -> memref<128x128xf32, #tpu.memory_space<hbm>>
    %dma_wait3A_39 = arith.constant 0 : i32
    %dma_wait3A_40 = tpu.memref_slice %arg6[%add3A_4, %dma_wait3A_39] : memref<32768x128xf32, #tpu.memory_space<hbm>> -> memref<128x128xf32, #tpu.memory_space<hbm>>
    tpu.wait_dma2 semaphore(%arg19 : memref<!tpu.dma_semaphore, #tpu.memory_space<semaphore_mem>>) src(%arg11 : memref<128x128xf32, #tpu.memory_space<vmem>>) dst(%dma_wait3A_40 : memref<128x128xf32, #tpu.memory_space<hbm>>)
    %mul3A_41 = arith.constant 1024 : i32
    %mul3A_42 = arith.muli %add3A, %mul3A_41 : i32
    %add3A_43 = arith.constant 256 : i32
    %add3A_44 = arith.addi %mul3A_42, %add3A_43 : i32
    "tpu.region"() ({
      %run_scoped3A = tpu.sem_alloc : memref<!tpu.dma_semaphore, #tpu.memory_space<semaphore_mem>>
      %dma_start3A_255 = tpu.memref_slice %arg4[%add3A_44] : memref<32768xi32, #tpu.memory_space<hbm>> -> memref<128xi32, #tpu.memory_space<hbm>>
      %dma_start3A_256 = tpu.memref_slice %arg4[%add3A_44] : memref<32768xi32, #tpu.memory_space<hbm>> -> memref<128xi32, #tpu.memory_space<hbm>>
      tpu.enqueue_dma source(%dma_start3A_256 : memref<128xi32, #tpu.memory_space<hbm>>) target(%arg7 : memref<128xi32, #tpu.memory_space<vmem>>) target_semaphore(%run_scoped3A : memref<!tpu.dma_semaphore, #tpu.memory_space<semaphore_mem>>)
      %dma_wait3A_257 = tpu.memref_slice %arg4[%add3A_44] : memref<32768xi32, #tpu.memory_space<hbm>> -> memref<128xi32, #tpu.memory_space<hbm>>
      %dma_wait3A_258 = tpu.memref_slice %arg4[%add3A_44] : memref<32768xi32, #tpu.memory_space<hbm>> -> memref<128xi32, #tpu.memory_space<hbm>>
      tpu.wait_dma2 semaphore(%run_scoped3A : memref<!tpu.dma_semaphore, #tpu.memory_space<semaphore_mem>>) src(%dma_wait3A_258 : memref<128xi32, #tpu.memory_space<hbm>>) dst(%arg7 : memref<128xi32, #tpu.memory_space<vmem>>)
      tpu.yield
    }) : () -> ()
    %dma_start3A_45 = arith.constant 0 : i32
    %dma_start3A_46 = arith.constant 0 : i32
    %dma_start3A_47 = tpu.memref_slice %arg2[%dma_start3A_45, %dma_start3A_46] : memref<8192x128xf32, #tpu.memory_space<hbm>> -> memref<8192x128xf32, #tpu.memory_space<hbm>>
    tpu.enqueue_indirect_dma source(%dma_start3A_47 : memref<8192x128xf32, #tpu.memory_space<hbm>>) target(%arg9 : memref<128x128xf32, #tpu.memory_space<vmem>>) offsets(%arg7 : memref<128xi32, #tpu.memory_space<vmem>>) semaphore(%arg13 : memref<!tpu.dma_semaphore, #tpu.memory_space<semaphore_mem>>)
    %dma_start3A_48 = arith.constant 0 : i32
    %dma_start3A_49 = arith.constant 0 : i32
    %dma_start3A_50 = tpu.memref_slice %arg3[%dma_start3A_48, %dma_start3A_49] : memref<8192x128xf32, #tpu.memory_space<hbm>> -> memref<8192x128xf32, #tpu.memory_space<hbm>>
    tpu.enqueue_indirect_dma source(%dma_start3A_50 : memref<8192x128xf32, #tpu.memory_space<hbm>>) target(%arg11 : memref<128x128xf32, #tpu.memory_space<vmem>>) offsets(%arg7 : memref<128xi32, #tpu.memory_space<vmem>>) semaphore(%arg15 : memref<!tpu.dma_semaphore, #tpu.memory_space<semaphore_mem>>)
    %dma_wait3A_51 = arith.constant 0 : i32
    %dma_wait3A_52 = arith.constant 0 : i32
    %dma_wait3A_53 = tpu.memref_slice %arg2[%dma_wait3A_51, %dma_wait3A_52] : memref<8192x128xf32, #tpu.memory_space<hbm>> -> memref<8192x128xf32, #tpu.memory_space<hbm>>
    tpu.wait_indirect_dma semaphore(%arg14 : memref<!tpu.dma_semaphore, #tpu.memory_space<semaphore_mem>>) src(%dma_wait3A_53 : memref<8192x128xf32, #tpu.memory_space<hbm>>) dst(%arg10 : memref<128x128xf32, #tpu.memory_space<vmem>>)
    %dma_wait3A_54 = arith.constant 0 : i32
    %dma_wait3A_55 = arith.constant 0 : i32
    %dma_wait3A_56 = tpu.memref_slice %arg3[%dma_wait3A_54, %dma_wait3A_55] : memref<8192x128xf32, #tpu.memory_space<hbm>> -> memref<8192x128xf32, #tpu.memory_space<hbm>>
    tpu.wait_indirect_dma semaphore(%arg16 : memref<!tpu.dma_semaphore, #tpu.memory_space<semaphore_mem>>) src(%dma_wait3A_56 : memref<8192x128xf32, #tpu.memory_space<hbm>>) dst(%arg12 : memref<128x128xf32, #tpu.memory_space<vmem>>)
    %dma_start3A_57 = arith.constant 0 : i32
    %dma_start3A_58 = tpu.memref_slice %arg5[%add3A_13, %dma_start3A_57] : memref<32768x128xf32, #tpu.memory_space<hbm>> -> memref<128x128xf32, #tpu.memory_space<hbm>>
    %dma_start3A_59 = arith.constant 0 : i32
    %dma_start3A_60 = tpu.memref_slice %arg5[%add3A_13, %dma_start3A_59] : memref<32768x128xf32, #tpu.memory_space<hbm>> -> memref<128x128xf32, #tpu.memory_space<hbm>>
    tpu.enqueue_dma source(%arg10 : memref<128x128xf32, #tpu.memory_space<vmem>>) target(%dma_start3A_60 : memref<128x128xf32, #tpu.memory_space<hbm>>) target_semaphore(%arg18 : memref<!tpu.dma_semaphore, #tpu.memory_space<semaphore_mem>>)
    %dma_start3A_61 = arith.constant 0 : i32
    %dma_start3A_62 = tpu.memref_slice %arg6[%add3A_13, %dma_start3A_61] : memref<32768x128xf32, #tpu.memory_space<hbm>> -> memref<128x128xf32, #tpu.memory_space<hbm>>
    %dma_start3A_63 = arith.constant 0 : i32
    %dma_start3A_64 = tpu.memref_slice %arg6[%add3A_13, %dma_start3A_63] : memref<32768x128xf32, #tpu.memory_space<hbm>> -> memref<128x128xf32, #tpu.memory_space<hbm>>
    tpu.enqueue_dma source(%arg12 : memref<128x128xf32, #tpu.memory_space<vmem>>) target(%dma_start3A_64 : memref<128x128xf32, #tpu.memory_space<hbm>>) target_semaphore(%arg20 : memref<!tpu.dma_semaphore, #tpu.memory_space<semaphore_mem>>)
    %dma_wait3A_65 = arith.constant 0 : i32
    %dma_wait3A_66 = tpu.memref_slice %arg5[%add3A_13, %dma_wait3A_65] : memref<32768x128xf32, #tpu.memory_space<hbm>> -> memref<128x128xf32, #tpu.memory_space<hbm>>
    %dma_wait3A_67 = arith.constant 0 : i32
    %dma_wait3A_68 = tpu.memref_slice %arg5[%add3A_13, %dma_wait3A_67] : memref<32768x128xf32, #tpu.memory_space<hbm>> -> memref<128x128xf32, #tpu.memory_space<hbm>>
    tpu.wait_dma2 semaphore(%arg18 : memref<!tpu.dma_semaphore, #tpu.memory_space<semaphore_mem>>) src(%arg10 : memref<128x128xf32, #tpu.memory_space<vmem>>) dst(%dma_wait3A_68 : memref<128x128xf32, #tpu.memory_space<hbm>>)
    %dma_wait3A_69 = arith.constant 0 : i32
    %dma_wait3A_70 = tpu.memref_slice %arg6[%add3A_13, %dma_wait3A_69] : memref<32768x128xf32, #tpu.memory_space<hbm>> -> memref<128x128xf32, #tpu.memory_space<hbm>>
    %dma_wait3A_71 = arith.constant 0 : i32
    %dma_wait3A_72 = tpu.memref_slice %arg6[%add3A_13, %dma_wait3A_71] : memref<32768x128xf32, #tpu.memory_space<hbm>> -> memref<128x128xf32, #tpu.memory_space<hbm>>
    tpu.wait_dma2 semaphore(%arg20 : memref<!tpu.dma_semaphore, #tpu.memory_space<semaphore_mem>>) src(%arg12 : memref<128x128xf32, #tpu.memory_space<vmem>>) dst(%dma_wait3A_72 : memref<128x128xf32, #tpu.memory_space<hbm>>)
    %mul3A_73 = arith.constant 1024 : i32
    %mul3A_74 = arith.muli %add3A, %mul3A_73 : i32
    %add3A_75 = arith.constant 384 : i32
    %add3A_76 = arith.addi %mul3A_74, %add3A_75 : i32
    "tpu.region"() ({
      %run_scoped3A = tpu.sem_alloc : memref<!tpu.dma_semaphore, #tpu.memory_space<semaphore_mem>>
      %dma_start3A_255 = tpu.memref_slice %arg4[%add3A_76] : memref<32768xi32, #tpu.memory_space<hbm>> -> memref<128xi32, #tpu.memory_space<hbm>>
      %dma_start3A_256 = tpu.memref_slice %arg4[%add3A_76] : memref<32768xi32, #tpu.memory_space<hbm>> -> memref<128xi32, #tpu.memory_space<hbm>>
      tpu.enqueue_dma source(%dma_start3A_256 : memref<128xi32, #tpu.memory_space<hbm>>) target(%arg8 : memref<128xi32, #tpu.memory_space<vmem>>) target_semaphore(%run_scoped3A : memref<!tpu.dma_semaphore, #tpu.memory_space<semaphore_mem>>)
      %dma_wait3A_257 = tpu.memref_slice %arg4[%add3A_76] : memref<32768xi32, #tpu.memory_space<hbm>> -> memref<128xi32, #tpu.memory_space<hbm>>
      %dma_wait3A_258 = tpu.memref_slice %arg4[%add3A_76] : memref<32768xi32, #tpu.memory_space<hbm>> -> memref<128xi32, #tpu.memory_space<hbm>>
      tpu.wait_dma2 semaphore(%run_scoped3A : memref<!tpu.dma_semaphore, #tpu.memory_space<semaphore_mem>>) src(%dma_wait3A_258 : memref<128xi32, #tpu.memory_space<hbm>>) dst(%arg8 : memref<128xi32, #tpu.memory_space<vmem>>)
      tpu.yield
    }) : () -> ()
    %dma_start3A_77 = arith.constant 0 : i32
    %dma_start3A_78 = arith.constant 0 : i32
    %dma_start3A_79 = tpu.memref_slice %arg2[%dma_start3A_77, %dma_start3A_78] : memref<8192x128xf32, #tpu.memory_space<hbm>> -> memref<8192x128xf32, #tpu.memory_space<hbm>>
    tpu.enqueue_indirect_dma source(%dma_start3A_79 : memref<8192x128xf32, #tpu.memory_space<hbm>>) target(%arg10 : memref<128x128xf32, #tpu.memory_space<vmem>>) offsets(%arg8 : memref<128xi32, #tpu.memory_space<vmem>>) semaphore(%arg14 : memref<!tpu.dma_semaphore, #tpu.memory_space<semaphore_mem>>)
    %dma_start3A_80 = arith.constant 0 : i32
    %dma_start3A_81 = arith.constant 0 : i32
    %dma_start3A_82 = tpu.memref_slice %arg3[%dma_start3A_80, %dma_start3A_81] : memref<8192x128xf32, #tpu.memory_space<hbm>> -> memref<8192x128xf32, #tpu.memory_space<hbm>>
    tpu.enqueue_indirect_dma source(%dma_start3A_82 : memref<8192x128xf32, #tpu.memory_space<hbm>>) target(%arg12 : memref<128x128xf32, #tpu.memory_space<vmem>>) offsets(%arg8 : memref<128xi32, #tpu.memory_space<vmem>>) semaphore(%arg16 : memref<!tpu.dma_semaphore, #tpu.memory_space<semaphore_mem>>)
    %dma_wait3A_83 = arith.constant 0 : i32
    %dma_wait3A_84 = arith.constant 0 : i32
    %dma_wait3A_85 = tpu.memref_slice %arg2[%dma_wait3A_83, %dma_wait3A_84] : memref<8192x128xf32, #tpu.memory_space<hbm>> -> memref<8192x128xf32, #tpu.memory_space<hbm>>
    tpu.wait_indirect_dma semaphore(%arg13 : memref<!tpu.dma_semaphore, #tpu.memory_space<semaphore_mem>>) src(%dma_wait3A_85 : memref<8192x128xf32, #tpu.memory_space<hbm>>) dst(%arg9 : memref<128x128xf32, #tpu.memory_space<vmem>>)
    %dma_wait3A_86 = arith.constant 0 : i32
    %dma_wait3A_87 = arith.constant 0 : i32
    %dma_wait3A_88 = tpu.memref_slice %arg3[%dma_wait3A_86, %dma_wait3A_87] : memref<8192x128xf32, #tpu.memory_space<hbm>> -> memref<8192x128xf32, #tpu.memory_space<hbm>>
    tpu.wait_indirect_dma semaphore(%arg15 : memref<!tpu.dma_semaphore, #tpu.memory_space<semaphore_mem>>) src(%dma_wait3A_88 : memref<8192x128xf32, #tpu.memory_space<hbm>>) dst(%arg11 : memref<128x128xf32, #tpu.memory_space<vmem>>)
    %dma_start3A_89 = arith.constant 0 : i32
    %dma_start3A_90 = tpu.memref_slice %arg5[%add3A_44, %dma_start3A_89] : memref<32768x128xf32, #tpu.memory_space<hbm>> -> memref<128x128xf32, #tpu.memory_space<hbm>>
    %dma_start3A_91 = arith.constant 0 : i32
    %dma_start3A_92 = tpu.memref_slice %arg5[%add3A_44, %dma_start3A_91] : memref<32768x128xf32, #tpu.memory_space<hbm>> -> memref<128x128xf32, #tpu.memory_space<hbm>>
    tpu.enqueue_dma source(%arg9 : memref<128x128xf32, #tpu.memory_space<vmem>>) target(%dma_start3A_92 : memref<128x128xf32, #tpu.memory_space<hbm>>) target_semaphore(%arg17 : memref<!tpu.dma_semaphore, #tpu.memory_space<semaphore_mem>>)
    %dma_start3A_93 = arith.constant 0 : i32
    %dma_start3A_94 = tpu.memref_slice %arg6[%add3A_44, %dma_start3A_93] : memref<32768x128xf32, #tpu.memory_space<hbm>> -> memref<128x128xf32, #tpu.memory_space<hbm>>
    %dma_start3A_95 = arith.constant 0 : i32
    %dma_start3A_96 = tpu.memref_slice %arg6[%add3A_44, %dma_start3A_95] : memref<32768x128xf32, #tpu.memory_space<hbm>> -> memref<128x128xf32, #tpu.memory_space<hbm>>
    tpu.enqueue_dma source(%arg11 : memref<128x128xf32, #tpu.memory_space<vmem>>) target(%dma_start3A_96 : memref<128x128xf32, #tpu.memory_space<hbm>>) target_semaphore(%arg19 : memref<!tpu.dma_semaphore, #tpu.memory_space<semaphore_mem>>)
    %dma_wait3A_97 = arith.constant 0 : i32
    %dma_wait3A_98 = tpu.memref_slice %arg5[%add3A_44, %dma_wait3A_97] : memref<32768x128xf32, #tpu.memory_space<hbm>> -> memref<128x128xf32, #tpu.memory_space<hbm>>
    %dma_wait3A_99 = arith.constant 0 : i32
    %dma_wait3A_100 = tpu.memref_slice %arg5[%add3A_44, %dma_wait3A_99] : memref<32768x128xf32, #tpu.memory_space<hbm>> -> memref<128x128xf32, #tpu.memory_space<hbm>>
    tpu.wait_dma2 semaphore(%arg17 : memref<!tpu.dma_semaphore, #tpu.memory_space<semaphore_mem>>) src(%arg9 : memref<128x128xf32, #tpu.memory_space<vmem>>) dst(%dma_wait3A_100 : memref<128x128xf32, #tpu.memory_space<hbm>>)
    %dma_wait3A_101 = arith.constant 0 : i32
    %dma_wait3A_102 = tpu.memref_slice %arg6[%add3A_44, %dma_wait3A_101] : memref<32768x128xf32, #tpu.memory_space<hbm>> -> memref<128x128xf32, #tpu.memory_space<hbm>>
    %dma_wait3A_103 = arith.constant 0 : i32
    %dma_wait3A_104 = tpu.memref_slice %arg6[%add3A_44, %dma_wait3A_103] : memref<32768x128xf32, #tpu.memory_space<hbm>> -> memref<128x128xf32, #tpu.memory_space<hbm>>
    tpu.wait_dma2 semaphore(%arg19 : memref<!tpu.dma_semaphore, #tpu.memory_space<semaphore_mem>>) src(%arg11 : memref<128x128xf32, #tpu.memory_space<vmem>>) dst(%dma_wait3A_104 : memref<128x128xf32, #tpu.memory_space<hbm>>)
    %mul3A_105 = arith.constant 1024 : i32
    %mul3A_106 = arith.muli %add3A, %mul3A_105 : i32
    %add3A_107 = arith.constant 512 : i32
    %add3A_108 = arith.addi %mul3A_106, %add3A_107 : i32
    "tpu.region"() ({
      %run_scoped3A = tpu.sem_alloc : memref<!tpu.dma_semaphore, #tpu.memory_space<semaphore_mem>>
      %dma_start3A_255 = tpu.memref_slice %arg4[%add3A_108] : memref<32768xi32, #tpu.memory_space<hbm>> -> memref<128xi32, #tpu.memory_space<hbm>>
      %dma_start3A_256 = tpu.memref_slice %arg4[%add3A_108] : memref<32768xi32, #tpu.memory_space<hbm>> -> memref<128xi32, #tpu.memory_space<hbm>>
      tpu.enqueue_dma source(%dma_start3A_256 : memref<128xi32, #tpu.memory_space<hbm>>) target(%arg7 : memref<128xi32, #tpu.memory_space<vmem>>) target_semaphore(%run_scoped3A : memref<!tpu.dma_semaphore, #tpu.memory_space<semaphore_mem>>)
      %dma_wait3A_257 = tpu.memref_slice %arg4[%add3A_108] : memref<32768xi32, #tpu.memory_space<hbm>> -> memref<128xi32, #tpu.memory_space<hbm>>
      %dma_wait3A_258 = tpu.memref_slice %arg4[%add3A_108] : memref<32768xi32, #tpu.memory_space<hbm>> -> memref<128xi32, #tpu.memory_space<hbm>>
      tpu.wait_dma2 semaphore(%run_scoped3A : memref<!tpu.dma_semaphore, #tpu.memory_space<semaphore_mem>>) src(%dma_wait3A_258 : memref<128xi32, #tpu.memory_space<hbm>>) dst(%arg7 : memref<128xi32, #tpu.memory_space<vmem>>)
      tpu.yield
    }) : () -> ()
    %dma_start3A_109 = arith.constant 0 : i32
    %dma_start3A_110 = arith.constant 0 : i32
    %dma_start3A_111 = tpu.memref_slice %arg2[%dma_start3A_109, %dma_start3A_110] : memref<8192x128xf32, #tpu.memory_space<hbm>> -> memref<8192x128xf32, #tpu.memory_space<hbm>>
    tpu.enqueue_indirect_dma source(%dma_start3A_111 : memref<8192x128xf32, #tpu.memory_space<hbm>>) target(%arg9 : memref<128x128xf32, #tpu.memory_space<vmem>>) offsets(%arg7 : memref<128xi32, #tpu.memory_space<vmem>>) semaphore(%arg13 : memref<!tpu.dma_semaphore, #tpu.memory_space<semaphore_mem>>)
    %dma_start3A_112 = arith.constant 0 : i32
    %dma_start3A_113 = arith.constant 0 : i32
    %dma_start3A_114 = tpu.memref_slice %arg3[%dma_start3A_112, %dma_start3A_113] : memref<8192x128xf32, #tpu.memory_space<hbm>> -> memref<8192x128xf32, #tpu.memory_space<hbm>>
    tpu.enqueue_indirect_dma source(%dma_start3A_114 : memref<8192x128xf32, #tpu.memory_space<hbm>>) target(%arg11 : memref<128x128xf32, #tpu.memory_space<vmem>>) offsets(%arg7 : memref<128xi32, #tpu.memory_space<vmem>>) semaphore(%arg15 : memref<!tpu.dma_semaphore, #tpu.memory_space<semaphore_mem>>)
    %dma_wait3A_115 = arith.constant 0 : i32
    %dma_wait3A_116 = arith.constant 0 : i32
    %dma_wait3A_117 = tpu.memref_slice %arg2[%dma_wait3A_115, %dma_wait3A_116] : memref<8192x128xf32, #tpu.memory_space<hbm>> -> memref<8192x128xf32, #tpu.memory_space<hbm>>
    tpu.wait_indirect_dma semaphore(%arg14 : memref<!tpu.dma_semaphore, #tpu.memory_space<semaphore_mem>>) src(%dma_wait3A_117 : memref<8192x128xf32, #tpu.memory_space<hbm>>) dst(%arg10 : memref<128x128xf32, #tpu.memory_space<vmem>>)
    %dma_wait3A_118 = arith.constant 0 : i32
    %dma_wait3A_119 = arith.constant 0 : i32
    %dma_wait3A_120 = tpu.memref_slice %arg3[%dma_wait3A_118, %dma_wait3A_119] : memref<8192x128xf32, #tpu.memory_space<hbm>> -> memref<8192x128xf32, #tpu.memory_space<hbm>>
    tpu.wait_indirect_dma semaphore(%arg16 : memref<!tpu.dma_semaphore, #tpu.memory_space<semaphore_mem>>) src(%dma_wait3A_120 : memref<8192x128xf32, #tpu.memory_space<hbm>>) dst(%arg12 : memref<128x128xf32, #tpu.memory_space<vmem>>)
    %dma_start3A_121 = arith.constant 0 : i32
    %dma_start3A_122 = tpu.memref_slice %arg5[%add3A_76, %dma_start3A_121] : memref<32768x128xf32, #tpu.memory_space<hbm>> -> memref<128x128xf32, #tpu.memory_space<hbm>>
    %dma_start3A_123 = arith.constant 0 : i32
    %dma_start3A_124 = tpu.memref_slice %arg5[%add3A_76, %dma_start3A_123] : memref<32768x128xf32, #tpu.memory_space<hbm>> -> memref<128x128xf32, #tpu.memory_space<hbm>>
    tpu.enqueue_dma source(%arg10 : memref<128x128xf32, #tpu.memory_space<vmem>>) target(%dma_start3A_124 : memref<128x128xf32, #tpu.memory_space<hbm>>) target_semaphore(%arg18 : memref<!tpu.dma_semaphore, #tpu.memory_space<semaphore_mem>>)
    %dma_start3A_125 = arith.constant 0 : i32
    %dma_start3A_126 = tpu.memref_slice %arg6[%add3A_76, %dma_start3A_125] : memref<32768x128xf32, #tpu.memory_space<hbm>> -> memref<128x128xf32, #tpu.memory_space<hbm>>
    %dma_start3A_127 = arith.constant 0 : i32
    %dma_start3A_128 = tpu.memref_slice %arg6[%add3A_76, %dma_start3A_127] : memref<32768x128xf32, #tpu.memory_space<hbm>> -> memref<128x128xf32, #tpu.memory_space<hbm>>
    tpu.enqueue_dma source(%arg12 : memref<128x128xf32, #tpu.memory_space<vmem>>) target(%dma_start3A_128 : memref<128x128xf32, #tpu.memory_space<hbm>>) target_semaphore(%arg20 : memref<!tpu.dma_semaphore, #tpu.memory_space<semaphore_mem>>)
    %dma_wait3A_129 = arith.constant 0 : i32
    %dma_wait3A_130 = tpu.memref_slice %arg5[%add3A_76, %dma_wait3A_129] : memref<32768x128xf32, #tpu.memory_space<hbm>> -> memref<128x128xf32, #tpu.memory_space<hbm>>
    %dma_wait3A_131 = arith.constant 0 : i32
    %dma_wait3A_132 = tpu.memref_slice %arg5[%add3A_76, %dma_wait3A_131] : memref<32768x128xf32, #tpu.memory_space<hbm>> -> memref<128x128xf32, #tpu.memory_space<hbm>>
    tpu.wait_dma2 semaphore(%arg18 : memref<!tpu.dma_semaphore, #tpu.memory_space<semaphore_mem>>) src(%arg10 : memref<128x128xf32, #tpu.memory_space<vmem>>) dst(%dma_wait3A_132 : memref<128x128xf32, #tpu.memory_space<hbm>>)
    %dma_wait3A_133 = arith.constant 0 : i32
    %dma_wait3A_134 = tpu.memref_slice %arg6[%add3A_76, %dma_wait3A_133] : memref<32768x128xf32, #tpu.memory_space<hbm>> -> memref<128x128xf32, #tpu.memory_space<hbm>>
    %dma_wait3A_135 = arith.constant 0 : i32
    %dma_wait3A_136 = tpu.memref_slice %arg6[%add3A_76, %dma_wait3A_135] : memref<32768x128xf32, #tpu.memory_space<hbm>> -> memref<128x128xf32, #tpu.memory_space<hbm>>
    tpu.wait_dma2 semaphore(%arg20 : memref<!tpu.dma_semaphore, #tpu.memory_space<semaphore_mem>>) src(%arg12 : memref<128x128xf32, #tpu.memory_space<vmem>>) dst(%dma_wait3A_136 : memref<128x128xf32, #tpu.memory_space<hbm>>)
    %mul3A_137 = arith.constant 1024 : i32
    %mul3A_138 = arith.muli %add3A, %mul3A_137 : i32
    %add3A_139 = arith.constant 640 : i32
    %add3A_140 = arith.addi %mul3A_138, %add3A_139 : i32
    "tpu.region"() ({
      %run_scoped3A = tpu.sem_alloc : memref<!tpu.dma_semaphore, #tpu.memory_space<semaphore_mem>>
      %dma_start3A_255 = tpu.memref_slice %arg4[%add3A_140] : memref<32768xi32, #tpu.memory_space<hbm>> -> memref<128xi32, #tpu.memory_space<hbm>>
      %dma_start3A_256 = tpu.memref_slice %arg4[%add3A_140] : memref<32768xi32, #tpu.memory_space<hbm>> -> memref<128xi32, #tpu.memory_space<hbm>>
      tpu.enqueue_dma source(%dma_start3A_256 : memref<128xi32, #tpu.memory_space<hbm>>) target(%arg8 : memref<128xi32, #tpu.memory_space<vmem>>) target_semaphore(%run_scoped3A : memref<!tpu.dma_semaphore, #tpu.memory_space<semaphore_mem>>)
      %dma_wait3A_257 = tpu.memref_slice %arg4[%add3A_140] : memref<32768xi32, #tpu.memory_space<hbm>> -> memref<128xi32, #tpu.memory_space<hbm>>
      %dma_wait3A_258 = tpu.memref_slice %arg4[%add3A_140] : memref<32768xi32, #tpu.memory_space<hbm>> -> memref<128xi32, #tpu.memory_space<hbm>>
      tpu.wait_dma2 semaphore(%run_scoped3A : memref<!tpu.dma_semaphore, #tpu.memory_space<semaphore_mem>>) src(%dma_wait3A_258 : memref<128xi32, #tpu.memory_space<hbm>>) dst(%arg8 : memref<128xi32, #tpu.memory_space<vmem>>)
      tpu.yield
    }) : () -> ()
    %dma_start3A_141 = arith.constant 0 : i32
    %dma_start3A_142 = arith.constant 0 : i32
    %dma_start3A_143 = tpu.memref_slice %arg2[%dma_start3A_141, %dma_start3A_142] : memref<8192x128xf32, #tpu.memory_space<hbm>> -> memref<8192x128xf32, #tpu.memory_space<hbm>>
    tpu.enqueue_indirect_dma source(%dma_start3A_143 : memref<8192x128xf32, #tpu.memory_space<hbm>>) target(%arg10 : memref<128x128xf32, #tpu.memory_space<vmem>>) offsets(%arg8 : memref<128xi32, #tpu.memory_space<vmem>>) semaphore(%arg14 : memref<!tpu.dma_semaphore, #tpu.memory_space<semaphore_mem>>)
    %dma_start3A_144 = arith.constant 0 : i32
    %dma_start3A_145 = arith.constant 0 : i32
    %dma_start3A_146 = tpu.memref_slice %arg3[%dma_start3A_144, %dma_start3A_145] : memref<8192x128xf32, #tpu.memory_space<hbm>> -> memref<8192x128xf32, #tpu.memory_space<hbm>>
    tpu.enqueue_indirect_dma source(%dma_start3A_146 : memref<8192x128xf32, #tpu.memory_space<hbm>>) target(%arg12 : memref<128x128xf32, #tpu.memory_space<vmem>>) offsets(%arg8 : memref<128xi32, #tpu.memory_space<vmem>>) semaphore(%arg16 : memref<!tpu.dma_semaphore, #tpu.memory_space<semaphore_mem>>)
    %dma_wait3A_147 = arith.constant 0 : i32
    %dma_wait3A_148 = arith.constant 0 : i32
    %dma_wait3A_149 = tpu.memref_slice %arg2[%dma_wait3A_147, %dma_wait3A_148] : memref<8192x128xf32, #tpu.memory_space<hbm>> -> memref<8192x128xf32, #tpu.memory_space<hbm>>
    tpu.wait_indirect_dma semaphore(%arg13 : memref<!tpu.dma_semaphore, #tpu.memory_space<semaphore_mem>>) src(%dma_wait3A_149 : memref<8192x128xf32, #tpu.memory_space<hbm>>) dst(%arg9 : memref<128x128xf32, #tpu.memory_space<vmem>>)
    %dma_wait3A_150 = arith.constant 0 : i32
    %dma_wait3A_151 = arith.constant 0 : i32
    %dma_wait3A_152 = tpu.memref_slice %arg3[%dma_wait3A_150, %dma_wait3A_151] : memref<8192x128xf32, #tpu.memory_space<hbm>> -> memref<8192x128xf32, #tpu.memory_space<hbm>>
    tpu.wait_indirect_dma semaphore(%arg15 : memref<!tpu.dma_semaphore, #tpu.memory_space<semaphore_mem>>) src(%dma_wait3A_152 : memref<8192x128xf32, #tpu.memory_space<hbm>>) dst(%arg11 : memref<128x128xf32, #tpu.memory_space<vmem>>)
    %dma_start3A_153 = arith.constant 0 : i32
    %dma_start3A_154 = tpu.memref_slice %arg5[%add3A_108, %dma_start3A_153] : memref<32768x128xf32, #tpu.memory_space<hbm>> -> memref<128x128xf32, #tpu.memory_space<hbm>>
    %dma_start3A_155 = arith.constant 0 : i32
    %dma_start3A_156 = tpu.memref_slice %arg5[%add3A_108, %dma_start3A_155] : memref<32768x128xf32, #tpu.memory_space<hbm>> -> memref<128x128xf32, #tpu.memory_space<hbm>>
    tpu.enqueue_dma source(%arg9 : memref<128x128xf32, #tpu.memory_space<vmem>>) target(%dma_start3A_156 : memref<128x128xf32, #tpu.memory_space<hbm>>) target_semaphore(%arg17 : memref<!tpu.dma_semaphore, #tpu.memory_space<semaphore_mem>>)
    %dma_start3A_157 = arith.constant 0 : i32
    %dma_start3A_158 = tpu.memref_slice %arg6[%add3A_108, %dma_start3A_157] : memref<32768x128xf32, #tpu.memory_space<hbm>> -> memref<128x128xf32, #tpu.memory_space<hbm>>
    %dma_start3A_159 = arith.constant 0 : i32
    %dma_start3A_160 = tpu.memref_slice %arg6[%add3A_108, %dma_start3A_159] : memref<32768x128xf32, #tpu.memory_space<hbm>> -> memref<128x128xf32, #tpu.memory_space<hbm>>
    tpu.enqueue_dma source(%arg11 : memref<128x128xf32, #tpu.memory_space<vmem>>) target(%dma_start3A_160 : memref<128x128xf32, #tpu.memory_space<hbm>>) target_semaphore(%arg19 : memref<!tpu.dma_semaphore, #tpu.memory_space<semaphore_mem>>)
    %dma_wait3A_161 = arith.constant 0 : i32
    %dma_wait3A_162 = tpu.memref_slice %arg5[%add3A_108, %dma_wait3A_161] : memref<32768x128xf32, #tpu.memory_space<hbm>> -> memref<128x128xf32, #tpu.memory_space<hbm>>
    %dma_wait3A_163 = arith.constant 0 : i32
    %dma_wait3A_164 = tpu.memref_slice %arg5[%add3A_108, %dma_wait3A_163] : memref<32768x128xf32, #tpu.memory_space<hbm>> -> memref<128x128xf32, #tpu.memory_space<hbm>>
    tpu.wait_dma2 semaphore(%arg17 : memref<!tpu.dma_semaphore, #tpu.memory_space<semaphore_mem>>) src(%arg9 : memref<128x128xf32, #tpu.memory_space<vmem>>) dst(%dma_wait3A_164 : memref<128x128xf32, #tpu.memory_space<hbm>>)
    %dma_wait3A_165 = arith.constant 0 : i32
    %dma_wait3A_166 = tpu.memref_slice %arg6[%add3A_108, %dma_wait3A_165] : memref<32768x128xf32, #tpu.memory_space<hbm>> -> memref<128x128xf32, #tpu.memory_space<hbm>>
    %dma_wait3A_167 = arith.constant 0 : i32
    %dma_wait3A_168 = tpu.memref_slice %arg6[%add3A_108, %dma_wait3A_167] : memref<32768x128xf32, #tpu.memory_space<hbm>> -> memref<128x128xf32, #tpu.memory_space<hbm>>
    tpu.wait_dma2 semaphore(%arg19 : memref<!tpu.dma_semaphore, #tpu.memory_space<semaphore_mem>>) src(%arg11 : memref<128x128xf32, #tpu.memory_space<vmem>>) dst(%dma_wait3A_168 : memref<128x128xf32, #tpu.memory_space<hbm>>)
    %mul3A_169 = arith.constant 1024 : i32
    %mul3A_170 = arith.muli %add3A, %mul3A_169 : i32
    %add3A_171 = arith.constant 768 : i32
    %add3A_172 = arith.addi %mul3A_170, %add3A_171 : i32
    "tpu.region"() ({
      %run_scoped3A = tpu.sem_alloc : memref<!tpu.dma_semaphore, #tpu.memory_space<semaphore_mem>>
      %dma_start3A_255 = tpu.memref_slice %arg4[%add3A_172] : memref<32768xi32, #tpu.memory_space<hbm>> -> memref<128xi32, #tpu.memory_space<hbm>>
      %dma_start3A_256 = tpu.memref_slice %arg4[%add3A_172] : memref<32768xi32, #tpu.memory_space<hbm>> -> memref<128xi32, #tpu.memory_space<hbm>>
      tpu.enqueue_dma source(%dma_start3A_256 : memref<128xi32, #tpu.memory_space<hbm>>) target(%arg7 : memref<128xi32, #tpu.memory_space<vmem>>) target_semaphore(%run_scoped3A : memref<!tpu.dma_semaphore, #tpu.memory_space<semaphore_mem>>)
      %dma_wait3A_257 = tpu.memref_slice %arg4[%add3A_172] : memref<32768xi32, #tpu.memory_space<hbm>> -> memref<128xi32, #tpu.memory_space<hbm>>
      %dma_wait3A_258 = tpu.memref_slice %arg4[%add3A_172] : memref<32768xi32, #tpu.memory_space<hbm>> -> memref<128xi32, #tpu.memory_space<hbm>>
      tpu.wait_dma2 semaphore(%run_scoped3A : memref<!tpu.dma_semaphore, #tpu.memory_space<semaphore_mem>>) src(%dma_wait3A_258 : memref<128xi32, #tpu.memory_space<hbm>>) dst(%arg7 : memref<128xi32, #tpu.memory_space<vmem>>)
      tpu.yield
    }) : () -> ()
    %dma_start3A_173 = arith.constant 0 : i32
    %dma_start3A_174 = arith.constant 0 : i32
    %dma_start3A_175 = tpu.memref_slice %arg2[%dma_start3A_173, %dma_start3A_174] : memref<8192x128xf32, #tpu.memory_space<hbm>> -> memref<8192x128xf32, #tpu.memory_space<hbm>>
    tpu.enqueue_indirect_dma source(%dma_start3A_175 : memref<8192x128xf32, #tpu.memory_space<hbm>>) target(%arg9 : memref<128x128xf32, #tpu.memory_space<vmem>>) offsets(%arg7 : memref<128xi32, #tpu.memory_space<vmem>>) semaphore(%arg13 : memref<!tpu.dma_semaphore, #tpu.memory_space<semaphore_mem>>)
    %dma_start3A_176 = arith.constant 0 : i32
    %dma_start3A_177 = arith.constant 0 : i32
    %dma_start3A_178 = tpu.memref_slice %arg3[%dma_start3A_176, %dma_start3A_177] : memref<8192x128xf32, #tpu.memory_space<hbm>> -> memref<8192x128xf32, #tpu.memory_space<hbm>>
    tpu.enqueue_indirect_dma source(%dma_start3A_178 : memref<8192x128xf32, #tpu.memory_space<hbm>>) target(%arg11 : memref<128x128xf32, #tpu.memory_space<vmem>>) offsets(%arg7 : memref<128xi32, #tpu.memory_space<vmem>>) semaphore(%arg15 : memref<!tpu.dma_semaphore, #tpu.memory_space<semaphore_mem>>)
    %dma_wait3A_179 = arith.constant 0 : i32
    %dma_wait3A_180 = arith.constant 0 : i32
    %dma_wait3A_181 = tpu.memref_slice %arg2[%dma_wait3A_179, %dma_wait3A_180] : memref<8192x128xf32, #tpu.memory_space<hbm>> -> memref<8192x128xf32, #tpu.memory_space<hbm>>
    tpu.wait_indirect_dma semaphore(%arg14 : memref<!tpu.dma_semaphore, #tpu.memory_space<semaphore_mem>>) src(%dma_wait3A_181 : memref<8192x128xf32, #tpu.memory_space<hbm>>) dst(%arg10 : memref<128x128xf32, #tpu.memory_space<vmem>>)
    %dma_wait3A_182 = arith.constant 0 : i32
    %dma_wait3A_183 = arith.constant 0 : i32
    %dma_wait3A_184 = tpu.memref_slice %arg3[%dma_wait3A_182, %dma_wait3A_183] : memref<8192x128xf32, #tpu.memory_space<hbm>> -> memref<8192x128xf32, #tpu.memory_space<hbm>>
    tpu.wait_indirect_dma semaphore(%arg16 : memref<!tpu.dma_semaphore, #tpu.memory_space<semaphore_mem>>) src(%dma_wait3A_184 : memref<8192x128xf32, #tpu.memory_space<hbm>>) dst(%arg12 : memref<128x128xf32, #tpu.memory_space<vmem>>)
    %dma_start3A_185 = arith.constant 0 : i32
    %dma_start3A_186 = tpu.memref_slice %arg5[%add3A_140, %dma_start3A_185] : memref<32768x128xf32, #tpu.memory_space<hbm>> -> memref<128x128xf32, #tpu.memory_space<hbm>>
    %dma_start3A_187 = arith.constant 0 : i32
    %dma_start3A_188 = tpu.memref_slice %arg5[%add3A_140, %dma_start3A_187] : memref<32768x128xf32, #tpu.memory_space<hbm>> -> memref<128x128xf32, #tpu.memory_space<hbm>>
    tpu.enqueue_dma source(%arg10 : memref<128x128xf32, #tpu.memory_space<vmem>>) target(%dma_start3A_188 : memref<128x128xf32, #tpu.memory_space<hbm>>) target_semaphore(%arg18 : memref<!tpu.dma_semaphore, #tpu.memory_space<semaphore_mem>>)
    %dma_start3A_189 = arith.constant 0 : i32
    %dma_start3A_190 = tpu.memref_slice %arg6[%add3A_140, %dma_start3A_189] : memref<32768x128xf32, #tpu.memory_space<hbm>> -> memref<128x128xf32, #tpu.memory_space<hbm>>
    %dma_start3A_191 = arith.constant 0 : i32
    %dma_start3A_192 = tpu.memref_slice %arg6[%add3A_140, %dma_start3A_191] : memref<32768x128xf32, #tpu.memory_space<hbm>> -> memref<128x128xf32, #tpu.memory_space<hbm>>
    tpu.enqueue_dma source(%arg12 : memref<128x128xf32, #tpu.memory_space<vmem>>) target(%dma_start3A_192 : memref<128x128xf32, #tpu.memory_space<hbm>>) target_semaphore(%arg20 : memref<!tpu.dma_semaphore, #tpu.memory_space<semaphore_mem>>)
    %dma_wait3A_193 = arith.constant 0 : i32
    %dma_wait3A_194 = tpu.memref_slice %arg5[%add3A_140, %dma_wait3A_193] : memref<32768x128xf32, #tpu.memory_space<hbm>> -> memref<128x128xf32, #tpu.memory_space<hbm>>
    %dma_wait3A_195 = arith.constant 0 : i32
    %dma_wait3A_196 = tpu.memref_slice %arg5[%add3A_140, %dma_wait3A_195] : memref<32768x128xf32, #tpu.memory_space<hbm>> -> memref<128x128xf32, #tpu.memory_space<hbm>>
    tpu.wait_dma2 semaphore(%arg18 : memref<!tpu.dma_semaphore, #tpu.memory_space<semaphore_mem>>) src(%arg10 : memref<128x128xf32, #tpu.memory_space<vmem>>) dst(%dma_wait3A_196 : memref<128x128xf32, #tpu.memory_space<hbm>>)
    %dma_wait3A_197 = arith.constant 0 : i32
    %dma_wait3A_198 = tpu.memref_slice %arg6[%add3A_140, %dma_wait3A_197] : memref<32768x128xf32, #tpu.memory_space<hbm>> -> memref<128x128xf32, #tpu.memory_space<hbm>>
    %dma_wait3A_199 = arith.constant 0 : i32
    %dma_wait3A_200 = tpu.memref_slice %arg6[%add3A_140, %dma_wait3A_199] : memref<32768x128xf32, #tpu.memory_space<hbm>> -> memref<128x128xf32, #tpu.memory_space<hbm>>
    tpu.wait_dma2 semaphore(%arg20 : memref<!tpu.dma_semaphore, #tpu.memory_space<semaphore_mem>>) src(%arg12 : memref<128x128xf32, #tpu.memory_space<vmem>>) dst(%dma_wait3A_200 : memref<128x128xf32, #tpu.memory_space<hbm>>)
    %mul3A_201 = arith.constant 1024 : i32
    %mul3A_202 = arith.muli %add3A, %mul3A_201 : i32
    %add3A_203 = arith.constant 896 : i32
    %add3A_204 = arith.addi %mul3A_202, %add3A_203 : i32
    "tpu.region"() ({
      %run_scoped3A = tpu.sem_alloc : memref<!tpu.dma_semaphore, #tpu.memory_space<semaphore_mem>>
      %dma_start3A_255 = tpu.memref_slice %arg4[%add3A_204] : memref<32768xi32, #tpu.memory_space<hbm>> -> memref<128xi32, #tpu.memory_space<hbm>>
      %dma_start3A_256 = tpu.memref_slice %arg4[%add3A_204] : memref<32768xi32, #tpu.memory_space<hbm>> -> memref<128xi32, #tpu.memory_space<hbm>>
      tpu.enqueue_dma source(%dma_start3A_256 : memref<128xi32, #tpu.memory_space<hbm>>) target(%arg8 : memref<128xi32, #tpu.memory_space<vmem>>) target_semaphore(%run_scoped3A : memref<!tpu.dma_semaphore, #tpu.memory_space<semaphore_mem>>)
      %dma_wait3A_257 = tpu.memref_slice %arg4[%add3A_204] : memref<32768xi32, #tpu.memory_space<hbm>> -> memref<128xi32, #tpu.memory_space<hbm>>
      %dma_wait3A_258 = tpu.memref_slice %arg4[%add3A_204] : memref<32768xi32, #tpu.memory_space<hbm>> -> memref<128xi32, #tpu.memory_space<hbm>>
      tpu.wait_dma2 semaphore(%run_scoped3A : memref<!tpu.dma_semaphore, #tpu.memory_space<semaphore_mem>>) src(%dma_wait3A_258 : memref<128xi32, #tpu.memory_space<hbm>>) dst(%arg8 : memref<128xi32, #tpu.memory_space<vmem>>)
      tpu.yield
    }) : () -> ()
    %dma_start3A_205 = arith.constant 0 : i32
    %dma_start3A_206 = arith.constant 0 : i32
    %dma_start3A_207 = tpu.memref_slice %arg2[%dma_start3A_205, %dma_start3A_206] : memref<8192x128xf32, #tpu.memory_space<hbm>> -> memref<8192x128xf32, #tpu.memory_space<hbm>>
    tpu.enqueue_indirect_dma source(%dma_start3A_207 : memref<8192x128xf32, #tpu.memory_space<hbm>>) target(%arg10 : memref<128x128xf32, #tpu.memory_space<vmem>>) offsets(%arg8 : memref<128xi32, #tpu.memory_space<vmem>>) semaphore(%arg14 : memref<!tpu.dma_semaphore, #tpu.memory_space<semaphore_mem>>)
    %dma_start3A_208 = arith.constant 0 : i32
    %dma_start3A_209 = arith.constant 0 : i32
    %dma_start3A_210 = tpu.memref_slice %arg3[%dma_start3A_208, %dma_start3A_209] : memref<8192x128xf32, #tpu.memory_space<hbm>> -> memref<8192x128xf32, #tpu.memory_space<hbm>>
    tpu.enqueue_indirect_dma source(%dma_start3A_210 : memref<8192x128xf32, #tpu.memory_space<hbm>>) target(%arg12 : memref<128x128xf32, #tpu.memory_space<vmem>>) offsets(%arg8 : memref<128xi32, #tpu.memory_space<vmem>>) semaphore(%arg16 : memref<!tpu.dma_semaphore, #tpu.memory_space<semaphore_mem>>)
    %dma_wait3A_211 = arith.constant 0 : i32
    %dma_wait3A_212 = arith.constant 0 : i32
    %dma_wait3A_213 = tpu.memref_slice %arg2[%dma_wait3A_211, %dma_wait3A_212] : memref<8192x128xf32, #tpu.memory_space<hbm>> -> memref<8192x128xf32, #tpu.memory_space<hbm>>
    tpu.wait_indirect_dma semaphore(%arg13 : memref<!tpu.dma_semaphore, #tpu.memory_space<semaphore_mem>>) src(%dma_wait3A_213 : memref<8192x128xf32, #tpu.memory_space<hbm>>) dst(%arg9 : memref<128x128xf32, #tpu.memory_space<vmem>>)
    %dma_wait3A_214 = arith.constant 0 : i32
    %dma_wait3A_215 = arith.constant 0 : i32
    %dma_wait3A_216 = tpu.memref_slice %arg3[%dma_wait3A_214, %dma_wait3A_215] : memref<8192x128xf32, #tpu.memory_space<hbm>> -> memref<8192x128xf32, #tpu.memory_space<hbm>>
    tpu.wait_indirect_dma semaphore(%arg15 : memref<!tpu.dma_semaphore, #tpu.memory_space<semaphore_mem>>) src(%dma_wait3A_216 : memref<8192x128xf32, #tpu.memory_space<hbm>>) dst(%arg11 : memref<128x128xf32, #tpu.memory_space<vmem>>)
    %dma_start3A_217 = arith.constant 0 : i32
    %dma_start3A_218 = tpu.memref_slice %arg5[%add3A_172, %dma_start3A_217] : memref<32768x128xf32, #tpu.memory_space<hbm>> -> memref<128x128xf32, #tpu.memory_space<hbm>>
    %dma_start3A_219 = arith.constant 0 : i32
    %dma_start3A_220 = tpu.memref_slice %arg5[%add3A_172, %dma_start3A_219] : memref<32768x128xf32, #tpu.memory_space<hbm>> -> memref<128x128xf32, #tpu.memory_space<hbm>>
    tpu.enqueue_dma source(%arg9 : memref<128x128xf32, #tpu.memory_space<vmem>>) target(%dma_start3A_220 : memref<128x128xf32, #tpu.memory_space<hbm>>) target_semaphore(%arg17 : memref<!tpu.dma_semaphore, #tpu.memory_space<semaphore_mem>>)
    %dma_start3A_221 = arith.constant 0 : i32
    %dma_start3A_222 = tpu.memref_slice %arg6[%add3A_172, %dma_start3A_221] : memref<32768x128xf32, #tpu.memory_space<hbm>> -> memref<128x128xf32, #tpu.memory_space<hbm>>
    %dma_start3A_223 = arith.constant 0 : i32
    %dma_start3A_224 = tpu.memref_slice %arg6[%add3A_172, %dma_start3A_223] : memref<32768x128xf32, #tpu.memory_space<hbm>> -> memref<128x128xf32, #tpu.memory_space<hbm>>
    tpu.enqueue_dma source(%arg11 : memref<128x128xf32, #tpu.memory_space<vmem>>) target(%dma_start3A_224 : memref<128x128xf32, #tpu.memory_space<hbm>>) target_semaphore(%arg19 : memref<!tpu.dma_semaphore, #tpu.memory_space<semaphore_mem>>)
    %dma_wait3A_225 = arith.constant 0 : i32
    %dma_wait3A_226 = arith.constant 0 : i32
    %dma_wait3A_227 = tpu.memref_slice %arg2[%dma_wait3A_225, %dma_wait3A_226] : memref<8192x128xf32, #tpu.memory_space<hbm>> -> memref<8192x128xf32, #tpu.memory_space<hbm>>
    tpu.wait_indirect_dma semaphore(%arg14 : memref<!tpu.dma_semaphore, #tpu.memory_space<semaphore_mem>>) src(%dma_wait3A_227 : memref<8192x128xf32, #tpu.memory_space<hbm>>) dst(%arg10 : memref<128x128xf32, #tpu.memory_space<vmem>>)
    %dma_wait3A_228 = arith.constant 0 : i32
    %dma_wait3A_229 = arith.constant 0 : i32
    %dma_wait3A_230 = tpu.memref_slice %arg3[%dma_wait3A_228, %dma_wait3A_229] : memref<8192x128xf32, #tpu.memory_space<hbm>> -> memref<8192x128xf32, #tpu.memory_space<hbm>>
    tpu.wait_indirect_dma semaphore(%arg16 : memref<!tpu.dma_semaphore, #tpu.memory_space<semaphore_mem>>) src(%dma_wait3A_230 : memref<8192x128xf32, #tpu.memory_space<hbm>>) dst(%arg12 : memref<128x128xf32, #tpu.memory_space<vmem>>)
    %dma_start3A_231 = arith.constant 0 : i32
    %dma_start3A_232 = tpu.memref_slice %arg5[%add3A_204, %dma_start3A_231] : memref<32768x128xf32, #tpu.memory_space<hbm>> -> memref<128x128xf32, #tpu.memory_space<hbm>>
    %dma_start3A_233 = arith.constant 0 : i32
    %dma_start3A_234 = tpu.memref_slice %arg5[%add3A_204, %dma_start3A_233] : memref<32768x128xf32, #tpu.memory_space<hbm>> -> memref<128x128xf32, #tpu.memory_space<hbm>>
    tpu.enqueue_dma source(%arg10 : memref<128x128xf32, #tpu.memory_space<vmem>>) target(%dma_start3A_234 : memref<128x128xf32, #tpu.memory_space<hbm>>) target_semaphore(%arg18 : memref<!tpu.dma_semaphore, #tpu.memory_space<semaphore_mem>>)
    %dma_start3A_235 = arith.constant 0 : i32
    %dma_start3A_236 = tpu.memref_slice %arg6[%add3A_204, %dma_start3A_235] : memref<32768x128xf32, #tpu.memory_space<hbm>> -> memref<128x128xf32, #tpu.memory_space<hbm>>
    %dma_start3A_237 = arith.constant 0 : i32
    %dma_start3A_238 = tpu.memref_slice %arg6[%add3A_204, %dma_start3A_237] : memref<32768x128xf32, #tpu.memory_space<hbm>> -> memref<128x128xf32, #tpu.memory_space<hbm>>
    tpu.enqueue_dma source(%arg12 : memref<128x128xf32, #tpu.memory_space<vmem>>) target(%dma_start3A_238 : memref<128x128xf32, #tpu.memory_space<hbm>>) target_semaphore(%arg20 : memref<!tpu.dma_semaphore, #tpu.memory_space<semaphore_mem>>)
    %dma_wait3A_239 = arith.constant 0 : i32
    %dma_wait3A_240 = tpu.memref_slice %arg5[%add3A_172, %dma_wait3A_239] : memref<32768x128xf32, #tpu.memory_space<hbm>> -> memref<128x128xf32, #tpu.memory_space<hbm>>
    %dma_wait3A_241 = arith.constant 0 : i32
    %dma_wait3A_242 = tpu.memref_slice %arg5[%add3A_172, %dma_wait3A_241] : memref<32768x128xf32, #tpu.memory_space<hbm>> -> memref<128x128xf32, #tpu.memory_space<hbm>>
    tpu.wait_dma2 semaphore(%arg17 : memref<!tpu.dma_semaphore, #tpu.memory_space<semaphore_mem>>) src(%arg9 : memref<128x128xf32, #tpu.memory_space<vmem>>) dst(%dma_wait3A_242 : memref<128x128xf32, #tpu.memory_space<hbm>>)
    %dma_wait3A_243 = arith.constant 0 : i32
    %dma_wait3A_244 = tpu.memref_slice %arg6[%add3A_172, %dma_wait3A_243] : memref<32768x128xf32, #tpu.memory_space<hbm>> -> memref<128x128xf32, #tpu.memory_space<hbm>>
    %dma_wait3A_245 = arith.constant 0 : i32
    %dma_wait3A_246 = tpu.memref_slice %arg6[%add3A_172, %dma_wait3A_245] : memref<32768x128xf32, #tpu.memory_space<hbm>> -> memref<128x128xf32, #tpu.memory_space<hbm>>
    tpu.wait_dma2 semaphore(%arg19 : memref<!tpu.dma_semaphore, #tpu.memory_space<semaphore_mem>>) src(%arg11 : memref<128x128xf32, #tpu.memory_space<vmem>>) dst(%dma_wait3A_246 : memref<128x128xf32, #tpu.memory_space<hbm>>)
    %dma_wait3A_247 = arith.constant 0 : i32
    %dma_wait3A_248 = tpu.memref_slice %arg5[%add3A_204, %dma_wait3A_247] : memref<32768x128xf32, #tpu.memory_space<hbm>> -> memref<128x128xf32, #tpu.memory_space<hbm>>
    %dma_wait3A_249 = arith.constant 0 : i32
    %dma_wait3A_250 = tpu.memref_slice %arg5[%add3A_204, %dma_wait3A_249] : memref<32768x128xf32, #tpu.memory_space<hbm>> -> memref<128x128xf32, #tpu.memory_space<hbm>>
    tpu.wait_dma2 semaphore(%arg18 : memref<!tpu.dma_semaphore, #tpu.memory_space<semaphore_mem>>) src(%arg10 : memref<128x128xf32, #tpu.memory_space<vmem>>) dst(%dma_wait3A_250 : memref<128x128xf32, #tpu.memory_space<hbm>>)
    %dma_wait3A_251 = arith.constant 0 : i32
    %dma_wait3A_252 = tpu.memref_slice %arg6[%add3A_204, %dma_wait3A_251] : memref<32768x128xf32, #tpu.memory_space<hbm>> -> memref<128x128xf32, #tpu.memory_space<hbm>>
    %dma_wait3A_253 = arith.constant 0 : i32
    %dma_wait3A_254 = tpu.memref_slice %arg6[%add3A_204, %dma_wait3A_253] : memref<32768x128xf32, #tpu.memory_space<hbm>> -> memref<128x128xf32, #tpu.memory_space<hbm>>
    tpu.wait_dma2 semaphore(%arg20 : memref<!tpu.dma_semaphore, #tpu.memory_space<semaphore_mem>>) src(%arg12 : memref<128x128xf32, #tpu.memory_space<vmem>>) dst(%dma_wait3A_254 : memref<128x128xf32, #tpu.memory_space<hbm>>)
    return
  }
}

#map = affine_map<(d0, d1) -> (0, 0)>
#map1 = affine_map<(d0, d1) -> (0)>
module attributes {stable_mosaic.version = 14 : i64} {
  func.func @gather_k(%arg0: i32, %arg1: i32, %arg2: memref<8192x128xf32, #tpu.memory_space<hbm>>, %arg3: memref<8192x128xf32, #tpu.memory_space<hbm>>, %arg4: memref<32768xi32, #tpu.memory_space<hbm>>, %arg5: memref<32768x128xf32, #tpu.memory_space<hbm>>, %arg6: memref<32768x128xf32, #tpu.memory_space<hbm>>, %arg7: memref<128xi32, #tpu.memory_space<vmem>>, %arg8: memref<128xi32, #tpu.memory_space<vmem>>, %arg9: memref<128x128xf32, #tpu.memory_space<vmem>>, %arg10: memref<128x128xf32, #tpu.memory_space<vmem>>, %arg11: memref<128x128xf32, #tpu.memory_space<vmem>>, %arg12: memref<128x128xf32, #tpu.memory_space<vmem>>, %arg13: memref<!tpu.dma_semaphore, #tpu.memory_space<semaphore_mem>>, %arg14: memref<!tpu.dma_semaphore, #tpu.memory_space<semaphore_mem>>, %arg15: memref<!tpu.dma_semaphore, #tpu.memory_space<semaphore_mem>>, %arg16: memref<!tpu.dma_semaphore, #tpu.memory_space<semaphore_mem>>, %arg17: memref<!tpu.dma_semaphore, #tpu.memory_space<semaphore_mem>>, %arg18: memref<!tpu.dma_semaphore, #tpu.memory_space<semaphore_mem>>, %arg19: memref<!tpu.dma_semaphore, #tpu.memory_space<semaphore_mem>>, %arg20: memref<!tpu.dma_semaphore, #tpu.memory_space<semaphore_mem>>) attributes {dimension_semantics = [#tpu.dimension_semantics<core_parallel>, #tpu.dimension_semantics<subcore_parallel>], iteration_bounds = array<i64: 2, 16>, scalar_prefetch = 0 : i64, scratch_operands = 14 : i64, tpu.core_type = #tpu.core_type<sc_vector_subcore>, window_params = [{transform_indices = #map}, {transform_indices = #map}, {transform_indices = #map1}, {transform_indices = #map}, {transform_indices = #map}]} {
    %mul3A = arith.constant 2 : i32
    %mul3A_0 = arith.muli %arg1, %mul3A : i32
    %add3A = arith.addi %mul3A_0, %arg0 : i32
    %mul3A_1 = arith.constant 1024 : i32
    %mul3A_2 = arith.muli %add3A, %mul3A_1 : i32
    %add3A_3 = arith.constant 0 : i32
    %add3A_4 = arith.addi %mul3A_2, %add3A_3 : i32
    "tpu.region"() ({
      %run_scoped3A = tpu.sem_alloc : memref<!tpu.dma_semaphore, #tpu.memory_space<semaphore_mem>>
      %dma_start3A_255 = tpu.memref_slice %arg4[%add3A_4] : memref<32768xi32, #tpu.memory_space<hbm>> -> memref<128xi32, #tpu.memory_space<hbm>>
      %dma_start3A_256 = tpu.memref_slice %arg4[%add3A_4] : memref<32768xi32, #tpu.memory_space<hbm>> -> memref<128xi32, #tpu.memory_space<hbm>>
      tpu.enqueue_dma source(%dma_start3A_256 : memref<128xi32, #tpu.memory_space<hbm>>) target(%arg7 : memref<128xi32, #tpu.memory_space<vmem>>) target_semaphore(%run_scoped3A : memref<!tpu.dma_semaphore, #tpu.memory_space<semaphore_mem>>)
      %dma_wait3A_257 = tpu.memref_slice %arg4[%add3A_4] : memref<32768xi32, #tpu.memory_space<hbm>> -> memref<128xi32, #tpu.memory_space<hbm>>
      %dma_wait3A_258 = tpu.memref_slice %arg4[%add3A_4] : memref<32768xi32, #tpu.memory_space<hbm>> -> memref<128xi32, #tpu.memory_space<hbm>>
      tpu.wait_dma2 semaphore(%run_scoped3A : memref<!tpu.dma_semaphore, #tpu.memory_space<semaphore_mem>>) src(%dma_wait3A_258 : memref<128xi32, #tpu.memory_space<hbm>>) dst(%arg7 : memref<128xi32, #tpu.memory_space<vmem>>)
      tpu.yield
    }) : () -> ()
    %dma_start3A = arith.constant 0 : i32
    %dma_start3A_5 = arith.constant 0 : i32
    %dma_start3A_6 = tpu.memref_slice %arg2[%dma_start3A, %dma_start3A_5] : memref<8192x128xf32, #tpu.memory_space<hbm>> -> memref<8192x128xf32, #tpu.memory_space<hbm>>
    tpu.enqueue_indirect_dma source(%dma_start3A_6 : memref<8192x128xf32, #tpu.memory_space<hbm>>) target(%arg9 : memref<128x128xf32, #tpu.memory_space<vmem>>) offsets(%arg7 : memref<128xi32, #tpu.memory_space<vmem>>) semaphore(%arg13 : memref<!tpu.dma_semaphore, #tpu.memory_space<semaphore_mem>>)
    %dma_start3A_7 = arith.constant 0 : i32
    %dma_start3A_8 = arith.constant 0 : i32
    %dma_start3A_9 = tpu.memref_slice %arg3[%dma_start3A_7, %dma_start3A_8] : memref<8192x128xf32, #tpu.memory_space<hbm>> -> memref<8192x128xf32, #tpu.memory_space<hbm>>
    tpu.enqueue_indirect_dma source(%dma_start3A_9 : memref<8192x128xf32, #tpu.memory_space<hbm>>) target(%arg11 : memref<128x128xf32, #tpu.memory_space<vmem>>) offsets(%arg7 : memref<128xi32, #tpu.memory_space<vmem>>) semaphore(%arg15 : memref<!tpu.dma_semaphore, #tpu.memory_space<semaphore_mem>>)
    %mul3A_10 = arith.constant 1024 : i32
    %mul3A_11 = arith.muli %add3A, %mul3A_10 : i32
    %add3A_12 = arith.constant 128 : i32
    %add3A_13 = arith.addi %mul3A_11, %add3A_12 : i32
    "tpu.region"() ({
      %run_scoped3A = tpu.sem_alloc : memref<!tpu.dma_semaphore, #tpu.memory_space<semaphore_mem>>
      %dma_start3A_255 = tpu.memref_slice %arg4[%add3A_13] : memref<32768xi32, #tpu.memory_space<hbm>> -> memref<128xi32, #tpu.memory_space<hbm>>
      %dma_start3A_256 = tpu.memref_slice %arg4[%add3A_13] : memref<32768xi32, #tpu.memory_space<hbm>> -> memref<128xi32, #tpu.memory_space<hbm>>
      tpu.enqueue_dma source(%dma_start3A_256 : memref<128xi32, #tpu.memory_space<hbm>>) target(%arg8 : memref<128xi32, #tpu.memory_space<vmem>>) target_semaphore(%run_scoped3A : memref<!tpu.dma_semaphore, #tpu.memory_space<semaphore_mem>>)
      %dma_wait3A_257 = tpu.memref_slice %arg4[%add3A_13] : memref<32768xi32, #tpu.memory_space<hbm>> -> memref<128xi32, #tpu.memory_space<hbm>>
      %dma_wait3A_258 = tpu.memref_slice %arg4[%add3A_13] : memref<32768xi32, #tpu.memory_space<hbm>> -> memref<128xi32, #tpu.memory_space<hbm>>
      tpu.wait_dma2 semaphore(%run_scoped3A : memref<!tpu.dma_semaphore, #tpu.memory_space<semaphore_mem>>) src(%dma_wait3A_258 : memref<128xi32, #tpu.memory_space<hbm>>) dst(%arg8 : memref<128xi32, #tpu.memory_space<vmem>>)
      tpu.yield
    }) : () -> ()
    %dma_start3A_14 = arith.constant 0 : i32
    %dma_start3A_15 = arith.constant 0 : i32
    %dma_start3A_16 = tpu.memref_slice %arg2[%dma_start3A_14, %dma_start3A_15] : memref<8192x128xf32, #tpu.memory_space<hbm>> -> memref<8192x128xf32, #tpu.memory_space<hbm>>
    tpu.enqueue_indirect_dma source(%dma_start3A_16 : memref<8192x128xf32, #tpu.memory_space<hbm>>) target(%arg10 : memref<128x128xf32, #tpu.memory_space<vmem>>) offsets(%arg8 : memref<128xi32, #tpu.memory_space<vmem>>) semaphore(%arg14 : memref<!tpu.dma_semaphore, #tpu.memory_space<semaphore_mem>>)
    %dma_start3A_17 = arith.constant 0 : i32
    %dma_start3A_18 = arith.constant 0 : i32
    %dma_start3A_19 = tpu.memref_slice %arg3[%dma_start3A_17, %dma_start3A_18] : memref<8192x128xf32, #tpu.memory_space<hbm>> -> memref<8192x128xf32, #tpu.memory_space<hbm>>
    tpu.enqueue_indirect_dma source(%dma_start3A_19 : memref<8192x128xf32, #tpu.memory_space<hbm>>) target(%arg12 : memref<128x128xf32, #tpu.memory_space<vmem>>) offsets(%arg8 : memref<128xi32, #tpu.memory_space<vmem>>) semaphore(%arg16 : memref<!tpu.dma_semaphore, #tpu.memory_space<semaphore_mem>>)
    %dma_wait3A = arith.constant 0 : i32
    %dma_wait3A_20 = arith.constant 0 : i32
    %dma_wait3A_21 = tpu.memref_slice %arg2[%dma_wait3A, %dma_wait3A_20] : memref<8192x128xf32, #tpu.memory_space<hbm>> -> memref<8192x128xf32, #tpu.memory_space<hbm>>
    tpu.wait_indirect_dma semaphore(%arg13 : memref<!tpu.dma_semaphore, #tpu.memory_space<semaphore_mem>>) src(%dma_wait3A_21 : memref<8192x128xf32, #tpu.memory_space<hbm>>) dst(%arg9 : memref<128x128xf32, #tpu.memory_space<vmem>>)
    %dma_wait3A_22 = arith.constant 0 : i32
    %dma_wait3A_23 = arith.constant 0 : i32
    %dma_wait3A_24 = tpu.memref_slice %arg3[%dma_wait3A_22, %dma_wait3A_23] : memref<8192x128xf32, #tpu.memory_space<hbm>> -> memref<8192x128xf32, #tpu.memory_space<hbm>>
    tpu.wait_indirect_dma semaphore(%arg15 : memref<!tpu.dma_semaphore, #tpu.memory_space<semaphore_mem>>) src(%dma_wait3A_24 : memref<8192x128xf32, #tpu.memory_space<hbm>>) dst(%arg11 : memref<128x128xf32, #tpu.memory_space<vmem>>)
    %dma_start3A_25 = arith.constant 0 : i32
    %dma_start3A_26 = tpu.memref_slice %arg5[%add3A_4, %dma_start3A_25] : memref<32768x128xf32, #tpu.memory_space<hbm>> -> memref<128x128xf32, #tpu.memory_space<hbm>>
    %dma_start3A_27 = arith.constant 0 : i32
    %dma_start3A_28 = tpu.memref_slice %arg5[%add3A_4, %dma_start3A_27] : memref<32768x128xf32, #tpu.memory_space<hbm>> -> memref<128x128xf32, #tpu.memory_space<hbm>>
    tpu.enqueue_dma source(%arg9 : memref<128x128xf32, #tpu.memory_space<vmem>>) target(%dma_start3A_28 : memref<128x128xf32, #tpu.memory_space<hbm>>) target_semaphore(%arg17 : memref<!tpu.dma_semaphore, #tpu.memory_space<semaphore_mem>>)
    %dma_start3A_29 = arith.constant 0 : i32
    %dma_start3A_30 = tpu.memref_slice %arg6[%add3A_4, %dma_start3A_29] : memref<32768x128xf32, #tpu.memory_space<hbm>> -> memref<128x128xf32, #tpu.memory_space<hbm>>
    %dma_start3A_31 = arith.constant 0 : i32
    %dma_start3A_32 = tpu.memref_slice %arg6[%add3A_4, %dma_start3A_31] : memref<32768x128xf32, #tpu.memory_space<hbm>> -> memref<128x128xf32, #tpu.memory_space<hbm>>
    tpu.enqueue_dma source(%arg11 : memref<128x128xf32, #tpu.memory_space<vmem>>) target(%dma_start3A_32 : memref<128x128xf32, #tpu.memory_space<hbm>>) target_semaphore(%arg19 : memref<!tpu.dma_semaphore, #tpu.memory_space<semaphore_mem>>)
    %dma_wait3A_33 = arith.constant 0 : i32
    %dma_wait3A_34 = tpu.memref_slice %arg5[%add3A_4, %dma_wait3A_33] : memref<32768x128xf32, #tpu.memory_space<hbm>> -> memref<128x128xf32, #tpu.memory_space<hbm>>
    %dma_wait3A_35 = arith.constant 0 : i32
    %dma_wait3A_36 = tpu.memref_slice %arg5[%add3A_4, %dma_wait3A_35] : memref<32768x128xf32, #tpu.memory_space<hbm>> -> memref<128x128xf32, #tpu.memory_space<hbm>>
    tpu.wait_dma2 semaphore(%arg17 : memref<!tpu.dma_semaphore, #tpu.memory_space<semaphore_mem>>) src(%arg9 : memref<128x128xf32, #tpu.memory_space<vmem>>) dst(%dma_wait3A_36 : memref<128x128xf32, #tpu.memory_space<hbm>>)
    %dma_wait3A_37 = arith.constant 0 : i32
    %dma_wait3A_38 = tpu.memref_slice %arg6[%add3A_4, %dma_wait3A_37] : memref<32768x128xf32, #tpu.memory_space<hbm>> -> memref<128x128xf32, #tpu.memory_space<hbm>>
    %dma_wait3A_39 = arith.constant 0 : i32
    %dma_wait3A_40 = tpu.memref_slice %arg6[%add3A_4, %dma_wait3A_39] : memref<32768x128xf32, #tpu.memory_space<hbm>> -> memref<128x128xf32, #tpu.memory_space<hbm>>
    tpu.wait_dma2 semaphore(%arg19 : memref<!tpu.dma_semaphore, #tpu.memory_space<semaphore_mem>>) src(%arg11 : memref<128x128xf32, #tpu.memory_space<vmem>>) dst(%dma_wait3A_40 : memref<128x128xf32, #tpu.memory_space<hbm>>)
    %mul3A_41 = arith.constant 1024 : i32
    %mul3A_42 = arith.muli %add3A, %mul3A_41 : i32
    %add3A_43 = arith.constant 256 : i32
    %add3A_44 = arith.addi %mul3A_42, %add3A_43 : i32
    "tpu.region"() ({
      %run_scoped3A = tpu.sem_alloc : memref<!tpu.dma_semaphore, #tpu.memory_space<semaphore_mem>>
      %dma_start3A_255 = tpu.memref_slice %arg4[%add3A_44] : memref<32768xi32, #tpu.memory_space<hbm>> -> memref<128xi32, #tpu.memory_space<hbm>>
      %dma_start3A_256 = tpu.memref_slice %arg4[%add3A_44] : memref<32768xi32, #tpu.memory_space<hbm>> -> memref<128xi32, #tpu.memory_space<hbm>>
      tpu.enqueue_dma source(%dma_start3A_256 : memref<128xi32, #tpu.memory_space<hbm>>) target(%arg7 : memref<128xi32, #tpu.memory_space<vmem>>) target_semaphore(%run_scoped3A : memref<!tpu.dma_semaphore, #tpu.memory_space<semaphore_mem>>)
      %dma_wait3A_257 = tpu.memref_slice %arg4[%add3A_44] : memref<32768xi32, #tpu.memory_space<hbm>> -> memref<128xi32, #tpu.memory_space<hbm>>
      %dma_wait3A_258 = tpu.memref_slice %arg4[%add3A_44] : memref<32768xi32, #tpu.memory_space<hbm>> -> memref<128xi32, #tpu.memory_space<hbm>>
      tpu.wait_dma2 semaphore(%run_scoped3A : memref<!tpu.dma_semaphore, #tpu.memory_space<semaphore_mem>>) src(%dma_wait3A_258 : memref<128xi32, #tpu.memory_space<hbm>>) dst(%arg7 : memref<128xi32, #tpu.memory_space<vmem>>)
      tpu.yield
    }) : () -> ()
    %dma_start3A_45 = arith.constant 0 : i32
    %dma_start3A_46 = arith.constant 0 : i32
    %dma_start3A_47 = tpu.memref_slice %arg2[%dma_start3A_45, %dma_start3A_46] : memref<8192x128xf32, #tpu.memory_space<hbm>> -> memref<8192x128xf32, #tpu.memory_space<hbm>>
    tpu.enqueue_indirect_dma source(%dma_start3A_47 : memref<8192x128xf32, #tpu.memory_space<hbm>>) target(%arg9 : memref<128x128xf32, #tpu.memory_space<vmem>>) offsets(%arg7 : memref<128xi32, #tpu.memory_space<vmem>>) semaphore(%arg13 : memref<!tpu.dma_semaphore, #tpu.memory_space<semaphore_mem>>)
    %dma_start3A_48 = arith.constant 0 : i32
    %dma_start3A_49 = arith.constant 0 : i32
    %dma_start3A_50 = tpu.memref_slice %arg3[%dma_start3A_48, %dma_start3A_49] : memref<8192x128xf32, #tpu.memory_space<hbm>> -> memref<8192x128xf32, #tpu.memory_space<hbm>>
    tpu.enqueue_indirect_dma source(%dma_start3A_50 : memref<8192x128xf32, #tpu.memory_space<hbm>>) target(%arg11 : memref<128x128xf32, #tpu.memory_space<vmem>>) offsets(%arg7 : memref<128xi32, #tpu.memory_space<vmem>>) semaphore(%arg15 : memref<!tpu.dma_semaphore, #tpu.memory_space<semaphore_mem>>)
    %dma_wait3A_51 = arith.constant 0 : i32
    %dma_wait3A_52 = arith.constant 0 : i32
    %dma_wait3A_53 = tpu.memref_slice %arg2[%dma_wait3A_51, %dma_wait3A_52] : memref<8192x128xf32, #tpu.memory_space<hbm>> -> memref<8192x128xf32, #tpu.memory_space<hbm>>
    tpu.wait_indirect_dma semaphore(%arg14 : memref<!tpu.dma_semaphore, #tpu.memory_space<semaphore_mem>>) src(%dma_wait3A_53 : memref<8192x128xf32, #tpu.memory_space<hbm>>) dst(%arg10 : memref<128x128xf32, #tpu.memory_space<vmem>>)
    %dma_wait3A_54 = arith.constant 0 : i32
    %dma_wait3A_55 = arith.constant 0 : i32
    %dma_wait3A_56 = tpu.memref_slice %arg3[%dma_wait3A_54, %dma_wait3A_55] : memref<8192x128xf32, #tpu.memory_space<hbm>> -> memref<8192x128xf32, #tpu.memory_space<hbm>>
    tpu.wait_indirect_dma semaphore(%arg16 : memref<!tpu.dma_semaphore, #tpu.memory_space<semaphore_mem>>) src(%dma_wait3A_56 : memref<8192x128xf32, #tpu.memory_space<hbm>>) dst(%arg12 : memref<128x128xf32, #tpu.memory_space<vmem>>)
    %dma_start3A_57 = arith.constant 0 : i32
    %dma_start3A_58 = tpu.memref_slice %arg5[%add3A_13, %dma_start3A_57] : memref<32768x128xf32, #tpu.memory_space<hbm>> -> memref<128x128xf32, #tpu.memory_space<hbm>>
    %dma_start3A_59 = arith.constant 0 : i32
    %dma_start3A_60 = tpu.memref_slice %arg5[%add3A_13, %dma_start3A_59] : memref<32768x128xf32, #tpu.memory_space<hbm>> -> memref<128x128xf32, #tpu.memory_space<hbm>>
    tpu.enqueue_dma source(%arg10 : memref<128x128xf32, #tpu.memory_space<vmem>>) target(%dma_start3A_60 : memref<128x128xf32, #tpu.memory_space<hbm>>) target_semaphore(%arg18 : memref<!tpu.dma_semaphore, #tpu.memory_space<semaphore_mem>>)
    %dma_start3A_61 = arith.constant 0 : i32
    %dma_start3A_62 = tpu.memref_slice %arg6[%add3A_13, %dma_start3A_61] : memref<32768x128xf32, #tpu.memory_space<hbm>> -> memref<128x128xf32, #tpu.memory_space<hbm>>
    %dma_start3A_63 = arith.constant 0 : i32
    %dma_start3A_64 = tpu.memref_slice %arg6[%add3A_13, %dma_start3A_63] : memref<32768x128xf32, #tpu.memory_space<hbm>> -> memref<128x128xf32, #tpu.memory_space<hbm>>
    tpu.enqueue_dma source(%arg12 : memref<128x128xf32, #tpu.memory_space<vmem>>) target(%dma_start3A_64 : memref<128x128xf32, #tpu.memory_space<hbm>>) target_semaphore(%arg20 : memref<!tpu.dma_semaphore, #tpu.memory_space<semaphore_mem>>)
    %dma_wait3A_65 = arith.constant 0 : i32
    %dma_wait3A_66 = tpu.memref_slice %arg5[%add3A_13, %dma_wait3A_65] : memref<32768x128xf32, #tpu.memory_space<hbm>> -> memref<128x128xf32, #tpu.memory_space<hbm>>
    %dma_wait3A_67 = arith.constant 0 : i32
    %dma_wait3A_68 = tpu.memref_slice %arg5[%add3A_13, %dma_wait3A_67] : memref<32768x128xf32, #tpu.memory_space<hbm>> -> memref<128x128xf32, #tpu.memory_space<hbm>>
    tpu.wait_dma2 semaphore(%arg18 : memref<!tpu.dma_semaphore, #tpu.memory_space<semaphore_mem>>) src(%arg10 : memref<128x128xf32, #tpu.memory_space<vmem>>) dst(%dma_wait3A_68 : memref<128x128xf32, #tpu.memory_space<hbm>>)
    %dma_wait3A_69 = arith.constant 0 : i32
    %dma_wait3A_70 = tpu.memref_slice %arg6[%add3A_13, %dma_wait3A_69] : memref<32768x128xf32, #tpu.memory_space<hbm>> -> memref<128x128xf32, #tpu.memory_space<hbm>>
    %dma_wait3A_71 = arith.constant 0 : i32
    %dma_wait3A_72 = tpu.memref_slice %arg6[%add3A_13, %dma_wait3A_71] : memref<32768x128xf32, #tpu.memory_space<hbm>> -> memref<128x128xf32, #tpu.memory_space<hbm>>
    tpu.wait_dma2 semaphore(%arg20 : memref<!tpu.dma_semaphore, #tpu.memory_space<semaphore_mem>>) src(%arg12 : memref<128x128xf32, #tpu.memory_space<vmem>>) dst(%dma_wait3A_72 : memref<128x128xf32, #tpu.memory_space<hbm>>)
    %mul3A_73 = arith.constant 1024 : i32
    %mul3A_74 = arith.muli %add3A, %mul3A_73 : i32
    %add3A_75 = arith.constant 384 : i32
    %add3A_76 = arith.addi %mul3A_74, %add3A_75 : i32
    "tpu.region"() ({
      %run_scoped3A = tpu.sem_alloc : memref<!tpu.dma_semaphore, #tpu.memory_space<semaphore_mem>>
      %dma_start3A_255 = tpu.memref_slice %arg4[%add3A_76] : memref<32768xi32, #tpu.memory_space<hbm>> -> memref<128xi32, #tpu.memory_space<hbm>>
      %dma_start3A_256 = tpu.memref_slice %arg4[%add3A_76] : memref<32768xi32, #tpu.memory_space<hbm>> -> memref<128xi32, #tpu.memory_space<hbm>>
      tpu.enqueue_dma source(%dma_start3A_256 : memref<128xi32, #tpu.memory_space<hbm>>) target(%arg8 : memref<128xi32, #tpu.memory_space<vmem>>) target_semaphore(%run_scoped3A : memref<!tpu.dma_semaphore, #tpu.memory_space<semaphore_mem>>)
      %dma_wait3A_257 = tpu.memref_slice %arg4[%add3A_76] : memref<32768xi32, #tpu.memory_space<hbm>> -> memref<128xi32, #tpu.memory_space<hbm>>
      %dma_wait3A_258 = tpu.memref_slice %arg4[%add3A_76] : memref<32768xi32, #tpu.memory_space<hbm>> -> memref<128xi32, #tpu.memory_space<hbm>>
      tpu.wait_dma2 semaphore(%run_scoped3A : memref<!tpu.dma_semaphore, #tpu.memory_space<semaphore_mem>>) src(%dma_wait3A_258 : memref<128xi32, #tpu.memory_space<hbm>>) dst(%arg8 : memref<128xi32, #tpu.memory_space<vmem>>)
      tpu.yield
    }) : () -> ()
    %dma_start3A_77 = arith.constant 0 : i32
    %dma_start3A_78 = arith.constant 0 : i32
    %dma_start3A_79 = tpu.memref_slice %arg2[%dma_start3A_77, %dma_start3A_78] : memref<8192x128xf32, #tpu.memory_space<hbm>> -> memref<8192x128xf32, #tpu.memory_space<hbm>>
    tpu.enqueue_indirect_dma source(%dma_start3A_79 : memref<8192x128xf32, #tpu.memory_space<hbm>>) target(%arg10 : memref<128x128xf32, #tpu.memory_space<vmem>>) offsets(%arg8 : memref<128xi32, #tpu.memory_space<vmem>>) semaphore(%arg14 : memref<!tpu.dma_semaphore, #tpu.memory_space<semaphore_mem>>)
    %dma_start3A_80 = arith.constant 0 : i32
    %dma_start3A_81 = arith.constant 0 : i32
    %dma_start3A_82 = tpu.memref_slice %arg3[%dma_start3A_80, %dma_start3A_81] : memref<8192x128xf32, #tpu.memory_space<hbm>> -> memref<8192x128xf32, #tpu.memory_space<hbm>>
    tpu.enqueue_indirect_dma source(%dma_start3A_82 : memref<8192x128xf32, #tpu.memory_space<hbm>>) target(%arg12 : memref<128x128xf32, #tpu.memory_space<vmem>>) offsets(%arg8 : memref<128xi32, #tpu.memory_space<vmem>>) semaphore(%arg16 : memref<!tpu.dma_semaphore, #tpu.memory_space<semaphore_mem>>)
    %dma_wait3A_83 = arith.constant 0 : i32
    %dma_wait3A_84 = arith.constant 0 : i32
    %dma_wait3A_85 = tpu.memref_slice %arg2[%dma_wait3A_83, %dma_wait3A_84] : memref<8192x128xf32, #tpu.memory_space<hbm>> -> memref<8192x128xf32, #tpu.memory_space<hbm>>
    tpu.wait_indirect_dma semaphore(%arg13 : memref<!tpu.dma_semaphore, #tpu.memory_space<semaphore_mem>>) src(%dma_wait3A_85 : memref<8192x128xf32, #tpu.memory_space<hbm>>) dst(%arg9 : memref<128x128xf32, #tpu.memory_space<vmem>>)
    %dma_wait3A_86 = arith.constant 0 : i32
    %dma_wait3A_87 = arith.constant 0 : i32
    %dma_wait3A_88 = tpu.memref_slice %arg3[%dma_wait3A_86, %dma_wait3A_87] : memref<8192x128xf32, #tpu.memory_space<hbm>> -> memref<8192x128xf32, #tpu.memory_space<hbm>>
    tpu.wait_indirect_dma semaphore(%arg15 : memref<!tpu.dma_semaphore, #tpu.memory_space<semaphore_mem>>) src(%dma_wait3A_88 : memref<8192x128xf32, #tpu.memory_space<hbm>>) dst(%arg11 : memref<128x128xf32, #tpu.memory_space<vmem>>)
    %dma_start3A_89 = arith.constant 0 : i32
    %dma_start3A_90 = tpu.memref_slice %arg5[%add3A_44, %dma_start3A_89] : memref<32768x128xf32, #tpu.memory_space<hbm>> -> memref<128x128xf32, #tpu.memory_space<hbm>>
    %dma_start3A_91 = arith.constant 0 : i32
    %dma_start3A_92 = tpu.memref_slice %arg5[%add3A_44, %dma_start3A_91] : memref<32768x128xf32, #tpu.memory_space<hbm>> -> memref<128x128xf32, #tpu.memory_space<hbm>>
    tpu.enqueue_dma source(%arg9 : memref<128x128xf32, #tpu.memory_space<vmem>>) target(%dma_start3A_92 : memref<128x128xf32, #tpu.memory_space<hbm>>) target_semaphore(%arg17 : memref<!tpu.dma_semaphore, #tpu.memory_space<semaphore_mem>>)
    %dma_start3A_93 = arith.constant 0 : i32
    %dma_start3A_94 = tpu.memref_slice %arg6[%add3A_44, %dma_start3A_93] : memref<32768x128xf32, #tpu.memory_space<hbm>> -> memref<128x128xf32, #tpu.memory_space<hbm>>
    %dma_start3A_95 = arith.constant 0 : i32
    %dma_start3A_96 = tpu.memref_slice %arg6[%add3A_44, %dma_start3A_95] : memref<32768x128xf32, #tpu.memory_space<hbm>> -> memref<128x128xf32, #tpu.memory_space<hbm>>
    tpu.enqueue_dma source(%arg11 : memref<128x128xf32, #tpu.memory_space<vmem>>) target(%dma_start3A_96 : memref<128x128xf32, #tpu.memory_space<hbm>>) target_semaphore(%arg19 : memref<!tpu.dma_semaphore, #tpu.memory_space<semaphore_mem>>)
    %dma_wait3A_97 = arith.constant 0 : i32
    %dma_wait3A_98 = tpu.memref_slice %arg5[%add3A_44, %dma_wait3A_97] : memref<32768x128xf32, #tpu.memory_space<hbm>> -> memref<128x128xf32, #tpu.memory_space<hbm>>
    %dma_wait3A_99 = arith.constant 0 : i32
    %dma_wait3A_100 = tpu.memref_slice %arg5[%add3A_44, %dma_wait3A_99] : memref<32768x128xf32, #tpu.memory_space<hbm>> -> memref<128x128xf32, #tpu.memory_space<hbm>>
    tpu.wait_dma2 semaphore(%arg17 : memref<!tpu.dma_semaphore, #tpu.memory_space<semaphore_mem>>) src(%arg9 : memref<128x128xf32, #tpu.memory_space<vmem>>) dst(%dma_wait3A_100 : memref<128x128xf32, #tpu.memory_space<hbm>>)
    %dma_wait3A_101 = arith.constant 0 : i32
    %dma_wait3A_102 = tpu.memref_slice %arg6[%add3A_44, %dma_wait3A_101] : memref<32768x128xf32, #tpu.memory_space<hbm>> -> memref<128x128xf32, #tpu.memory_space<hbm>>
    %dma_wait3A_103 = arith.constant 0 : i32
    %dma_wait3A_104 = tpu.memref_slice %arg6[%add3A_44, %dma_wait3A_103] : memref<32768x128xf32, #tpu.memory_space<hbm>> -> memref<128x128xf32, #tpu.memory_space<hbm>>
    tpu.wait_dma2 semaphore(%arg19 : memref<!tpu.dma_semaphore, #tpu.memory_space<semaphore_mem>>) src(%arg11 : memref<128x128xf32, #tpu.memory_space<vmem>>) dst(%dma_wait3A_104 : memref<128x128xf32, #tpu.memory_space<hbm>>)
    %mul3A_105 = arith.constant 1024 : i32
    %mul3A_106 = arith.muli %add3A, %mul3A_105 : i32
    %add3A_107 = arith.constant 512 : i32
    %add3A_108 = arith.addi %mul3A_106, %add3A_107 : i32
    "tpu.region"() ({
      %run_scoped3A = tpu.sem_alloc : memref<!tpu.dma_semaphore, #tpu.memory_space<semaphore_mem>>
      %dma_start3A_255 = tpu.memref_slice %arg4[%add3A_108] : memref<32768xi32, #tpu.memory_space<hbm>> -> memref<128xi32, #tpu.memory_space<hbm>>
      %dma_start3A_256 = tpu.memref_slice %arg4[%add3A_108] : memref<32768xi32, #tpu.memory_space<hbm>> -> memref<128xi32, #tpu.memory_space<hbm>>
      tpu.enqueue_dma source(%dma_start3A_256 : memref<128xi32, #tpu.memory_space<hbm>>) target(%arg7 : memref<128xi32, #tpu.memory_space<vmem>>) target_semaphore(%run_scoped3A : memref<!tpu.dma_semaphore, #tpu.memory_space<semaphore_mem>>)
      %dma_wait3A_257 = tpu.memref_slice %arg4[%add3A_108] : memref<32768xi32, #tpu.memory_space<hbm>> -> memref<128xi32, #tpu.memory_space<hbm>>
      %dma_wait3A_258 = tpu.memref_slice %arg4[%add3A_108] : memref<32768xi32, #tpu.memory_space<hbm>> -> memref<128xi32, #tpu.memory_space<hbm>>
      tpu.wait_dma2 semaphore(%run_scoped3A : memref<!tpu.dma_semaphore, #tpu.memory_space<semaphore_mem>>) src(%dma_wait3A_258 : memref<128xi32, #tpu.memory_space<hbm>>) dst(%arg7 : memref<128xi32, #tpu.memory_space<vmem>>)
      tpu.yield
    }) : () -> ()
    %dma_start3A_109 = arith.constant 0 : i32
    %dma_start3A_110 = arith.constant 0 : i32
    %dma_start3A_111 = tpu.memref_slice %arg2[%dma_start3A_109, %dma_start3A_110] : memref<8192x128xf32, #tpu.memory_space<hbm>> -> memref<8192x128xf32, #tpu.memory_space<hbm>>
    tpu.enqueue_indirect_dma source(%dma_start3A_111 : memref<8192x128xf32, #tpu.memory_space<hbm>>) target(%arg9 : memref<128x128xf32, #tpu.memory_space<vmem>>) offsets(%arg7 : memref<128xi32, #tpu.memory_space<vmem>>) semaphore(%arg13 : memref<!tpu.dma_semaphore, #tpu.memory_space<semaphore_mem>>)
    %dma_start3A_112 = arith.constant 0 : i32
    %dma_start3A_113 = arith.constant 0 : i32
    %dma_start3A_114 = tpu.memref_slice %arg3[%dma_start3A_112, %dma_start3A_113] : memref<8192x128xf32, #tpu.memory_space<hbm>> -> memref<8192x128xf32, #tpu.memory_space<hbm>>
    tpu.enqueue_indirect_dma source(%dma_start3A_114 : memref<8192x128xf32, #tpu.memory_space<hbm>>) target(%arg11 : memref<128x128xf32, #tpu.memory_space<vmem>>) offsets(%arg7 : memref<128xi32, #tpu.memory_space<vmem>>) semaphore(%arg15 : memref<!tpu.dma_semaphore, #tpu.memory_space<semaphore_mem>>)
    %dma_wait3A_115 = arith.constant 0 : i32
    %dma_wait3A_116 = arith.constant 0 : i32
    %dma_wait3A_117 = tpu.memref_slice %arg2[%dma_wait3A_115, %dma_wait3A_116] : memref<8192x128xf32, #tpu.memory_space<hbm>> -> memref<8192x128xf32, #tpu.memory_space<hbm>>
    tpu.wait_indirect_dma semaphore(%arg14 : memref<!tpu.dma_semaphore, #tpu.memory_space<semaphore_mem>>) src(%dma_wait3A_117 : memref<8192x128xf32, #tpu.memory_space<hbm>>) dst(%arg10 : memref<128x128xf32, #tpu.memory_space<vmem>>)
    %dma_wait3A_118 = arith.constant 0 : i32
    %dma_wait3A_119 = arith.constant 0 : i32
    %dma_wait3A_120 = tpu.memref_slice %arg3[%dma_wait3A_118, %dma_wait3A_119] : memref<8192x128xf32, #tpu.memory_space<hbm>> -> memref<8192x128xf32, #tpu.memory_space<hbm>>
    tpu.wait_indirect_dma semaphore(%arg16 : memref<!tpu.dma_semaphore, #tpu.memory_space<semaphore_mem>>) src(%dma_wait3A_120 : memref<8192x128xf32, #tpu.memory_space<hbm>>) dst(%arg12 : memref<128x128xf32, #tpu.memory_space<vmem>>)
    %dma_start3A_121 = arith.constant 0 : i32
    %dma_start3A_122 = tpu.memref_slice %arg5[%add3A_76, %dma_start3A_121] : memref<32768x128xf32, #tpu.memory_space<hbm>> -> memref<128x128xf32, #tpu.memory_space<hbm>>
    %dma_start3A_123 = arith.constant 0 : i32
    %dma_start3A_124 = tpu.memref_slice %arg5[%add3A_76, %dma_start3A_123] : memref<32768x128xf32, #tpu.memory_space<hbm>> -> memref<128x128xf32, #tpu.memory_space<hbm>>
    tpu.enqueue_dma source(%arg10 : memref<128x128xf32, #tpu.memory_space<vmem>>) target(%dma_start3A_124 : memref<128x128xf32, #tpu.memory_space<hbm>>) target_semaphore(%arg18 : memref<!tpu.dma_semaphore, #tpu.memory_space<semaphore_mem>>)
    %dma_start3A_125 = arith.constant 0 : i32
    %dma_start3A_126 = tpu.memref_slice %arg6[%add3A_76, %dma_start3A_125] : memref<32768x128xf32, #tpu.memory_space<hbm>> -> memref<128x128xf32, #tpu.memory_space<hbm>>
    %dma_start3A_127 = arith.constant 0 : i32
    %dma_start3A_128 = tpu.memref_slice %arg6[%add3A_76, %dma_start3A_127] : memref<32768x128xf32, #tpu.memory_space<hbm>> -> memref<128x128xf32, #tpu.memory_space<hbm>>
    tpu.enqueue_dma source(%arg12 : memref<128x128xf32, #tpu.memory_space<vmem>>) target(%dma_start3A_128 : memref<128x128xf32, #tpu.memory_space<hbm>>) target_semaphore(%arg20 : memref<!tpu.dma_semaphore, #tpu.memory_space<semaphore_mem>>)
    %dma_wait3A_129 = arith.constant 0 : i32
    %dma_wait3A_130 = tpu.memref_slice %arg5[%add3A_76, %dma_wait3A_129] : memref<32768x128xf32, #tpu.memory_space<hbm>> -> memref<128x128xf32, #tpu.memory_space<hbm>>
    %dma_wait3A_131 = arith.constant 0 : i32
    %dma_wait3A_132 = tpu.memref_slice %arg5[%add3A_76, %dma_wait3A_131] : memref<32768x128xf32, #tpu.memory_space<hbm>> -> memref<128x128xf32, #tpu.memory_space<hbm>>
    tpu.wait_dma2 semaphore(%arg18 : memref<!tpu.dma_semaphore, #tpu.memory_space<semaphore_mem>>) src(%arg10 : memref<128x128xf32, #tpu.memory_space<vmem>>) dst(%dma_wait3A_132 : memref<128x128xf32, #tpu.memory_space<hbm>>)
    %dma_wait3A_133 = arith.constant 0 : i32
    %dma_wait3A_134 = tpu.memref_slice %arg6[%add3A_76, %dma_wait3A_133] : memref<32768x128xf32, #tpu.memory_space<hbm>> -> memref<128x128xf32, #tpu.memory_space<hbm>>
    %dma_wait3A_135 = arith.constant 0 : i32
    %dma_wait3A_136 = tpu.memref_slice %arg6[%add3A_76, %dma_wait3A_135] : memref<32768x128xf32, #tpu.memory_space<hbm>> -> memref<128x128xf32, #tpu.memory_space<hbm>>
    tpu.wait_dma2 semaphore(%arg20 : memref<!tpu.dma_semaphore, #tpu.memory_space<semaphore_mem>>) src(%arg12 : memref<128x128xf32, #tpu.memory_space<vmem>>) dst(%dma_wait3A_136 : memref<128x128xf32, #tpu.memory_space<hbm>>)
    %mul3A_137 = arith.constant 1024 : i32
    %mul3A_138 = arith.muli %add3A, %mul3A_137 : i32
    %add3A_139 = arith.constant 640 : i32
    %add3A_140 = arith.addi %mul3A_138, %add3A_139 : i32
    "tpu.region"() ({
      %run_scoped3A = tpu.sem_alloc : memref<!tpu.dma_semaphore, #tpu.memory_space<semaphore_mem>>
      %dma_start3A_255 = tpu.memref_slice %arg4[%add3A_140] : memref<32768xi32, #tpu.memory_space<hbm>> -> memref<128xi32, #tpu.memory_space<hbm>>
      %dma_start3A_256 = tpu.memref_slice %arg4[%add3A_140] : memref<32768xi32, #tpu.memory_space<hbm>> -> memref<128xi32, #tpu.memory_space<hbm>>
      tpu.enqueue_dma source(%dma_start3A_256 : memref<128xi32, #tpu.memory_space<hbm>>) target(%arg8 : memref<128xi32, #tpu.memory_space<vmem>>) target_semaphore(%run_scoped3A : memref<!tpu.dma_semaphore, #tpu.memory_space<semaphore_mem>>)
      %dma_wait3A_257 = tpu.memref_slice %arg4[%add3A_140] : memref<32768xi32, #tpu.memory_space<hbm>> -> memref<128xi32, #tpu.memory_space<hbm>>
      %dma_wait3A_258 = tpu.memref_slice %arg4[%add3A_140] : memref<32768xi32, #tpu.memory_space<hbm>> -> memref<128xi32, #tpu.memory_space<hbm>>
      tpu.wait_dma2 semaphore(%run_scoped3A : memref<!tpu.dma_semaphore, #tpu.memory_space<semaphore_mem>>) src(%dma_wait3A_258 : memref<128xi32, #tpu.memory_space<hbm>>) dst(%arg8 : memref<128xi32, #tpu.memory_space<vmem>>)
      tpu.yield
    }) : () -> ()
    %dma_start3A_141 = arith.constant 0 : i32
    %dma_start3A_142 = arith.constant 0 : i32
    %dma_start3A_143 = tpu.memref_slice %arg2[%dma_start3A_141, %dma_start3A_142] : memref<8192x128xf32, #tpu.memory_space<hbm>> -> memref<8192x128xf32, #tpu.memory_space<hbm>>
    tpu.enqueue_indirect_dma source(%dma_start3A_143 : memref<8192x128xf32, #tpu.memory_space<hbm>>) target(%arg10 : memref<128x128xf32, #tpu.memory_space<vmem>>) offsets(%arg8 : memref<128xi32, #tpu.memory_space<vmem>>) semaphore(%arg14 : memref<!tpu.dma_semaphore, #tpu.memory_space<semaphore_mem>>)
    %dma_start3A_144 = arith.constant 0 : i32
    %dma_start3A_145 = arith.constant 0 : i32
    %dma_start3A_146 = tpu.memref_slice %arg3[%dma_start3A_144, %dma_start3A_145] : memref<8192x128xf32, #tpu.memory_space<hbm>> -> memref<8192x128xf32, #tpu.memory_space<hbm>>
    tpu.enqueue_indirect_dma source(%dma_start3A_146 : memref<8192x128xf32, #tpu.memory_space<hbm>>) target(%arg12 : memref<128x128xf32, #tpu.memory_space<vmem>>) offsets(%arg8 : memref<128xi32, #tpu.memory_space<vmem>>) semaphore(%arg16 : memref<!tpu.dma_semaphore, #tpu.memory_space<semaphore_mem>>)
    %dma_wait3A_147 = arith.constant 0 : i32
    %dma_wait3A_148 = arith.constant 0 : i32
    %dma_wait3A_149 = tpu.memref_slice %arg2[%dma_wait3A_147, %dma_wait3A_148] : memref<8192x128xf32, #tpu.memory_space<hbm>> -> memref<8192x128xf32, #tpu.memory_space<hbm>>
    tpu.wait_indirect_dma semaphore(%arg13 : memref<!tpu.dma_semaphore, #tpu.memory_space<semaphore_mem>>) src(%dma_wait3A_149 : memref<8192x128xf32, #tpu.memory_space<hbm>>) dst(%arg9 : memref<128x128xf32, #tpu.memory_space<vmem>>)
    %dma_wait3A_150 = arith.constant 0 : i32
    %dma_wait3A_151 = arith.constant 0 : i32
    %dma_wait3A_152 = tpu.memref_slice %arg3[%dma_wait3A_150, %dma_wait3A_151] : memref<8192x128xf32, #tpu.memory_space<hbm>> -> memref<8192x128xf32, #tpu.memory_space<hbm>>
    tpu.wait_indirect_dma semaphore(%arg15 : memref<!tpu.dma_semaphore, #tpu.memory_space<semaphore_mem>>) src(%dma_wait3A_152 : memref<8192x128xf32, #tpu.memory_space<hbm>>) dst(%arg11 : memref<128x128xf32, #tpu.memory_space<vmem>>)
    %dma_start3A_153 = arith.constant 0 : i32
    %dma_start3A_154 = tpu.memref_slice %arg5[%add3A_108, %dma_start3A_153] : memref<32768x128xf32, #tpu.memory_space<hbm>> -> memref<128x128xf32, #tpu.memory_space<hbm>>
    %dma_start3A_155 = arith.constant 0 : i32
    %dma_start3A_156 = tpu.memref_slice %arg5[%add3A_108, %dma_start3A_155] : memref<32768x128xf32, #tpu.memory_space<hbm>> -> memref<128x128xf32, #tpu.memory_space<hbm>>
    tpu.enqueue_dma source(%arg9 : memref<128x128xf32, #tpu.memory_space<vmem>>) target(%dma_start3A_156 : memref<128x128xf32, #tpu.memory_space<hbm>>) target_semaphore(%arg17 : memref<!tpu.dma_semaphore, #tpu.memory_space<semaphore_mem>>)
    %dma_start3A_157 = arith.constant 0 : i32
    %dma_start3A_158 = tpu.memref_slice %arg6[%add3A_108, %dma_start3A_157] : memref<32768x128xf32, #tpu.memory_space<hbm>> -> memref<128x128xf32, #tpu.memory_space<hbm>>
    %dma_start3A_159 = arith.constant 0 : i32
    %dma_start3A_160 = tpu.memref_slice %arg6[%add3A_108, %dma_start3A_159] : memref<32768x128xf32, #tpu.memory_space<hbm>> -> memref<128x128xf32, #tpu.memory_space<hbm>>
    tpu.enqueue_dma source(%arg11 : memref<128x128xf32, #tpu.memory_space<vmem>>) target(%dma_start3A_160 : memref<128x128xf32, #tpu.memory_space<hbm>>) target_semaphore(%arg19 : memref<!tpu.dma_semaphore, #tpu.memory_space<semaphore_mem>>)
    %dma_wait3A_161 = arith.constant 0 : i32
    %dma_wait3A_162 = tpu.memref_slice %arg5[%add3A_108, %dma_wait3A_161] : memref<32768x128xf32, #tpu.memory_space<hbm>> -> memref<128x128xf32, #tpu.memory_space<hbm>>
    %dma_wait3A_163 = arith.constant 0 : i32
    %dma_wait3A_164 = tpu.memref_slice %arg5[%add3A_108, %dma_wait3A_163] : memref<32768x128xf32, #tpu.memory_space<hbm>> -> memref<128x128xf32, #tpu.memory_space<hbm>>
    tpu.wait_dma2 semaphore(%arg17 : memref<!tpu.dma_semaphore, #tpu.memory_space<semaphore_mem>>) src(%arg9 : memref<128x128xf32, #tpu.memory_space<vmem>>) dst(%dma_wait3A_164 : memref<128x128xf32, #tpu.memory_space<hbm>>)
    %dma_wait3A_165 = arith.constant 0 : i32
    %dma_wait3A_166 = tpu.memref_slice %arg6[%add3A_108, %dma_wait3A_165] : memref<32768x128xf32, #tpu.memory_space<hbm>> -> memref<128x128xf32, #tpu.memory_space<hbm>>
    %dma_wait3A_167 = arith.constant 0 : i32
    %dma_wait3A_168 = tpu.memref_slice %arg6[%add3A_108, %dma_wait3A_167] : memref<32768x128xf32, #tpu.memory_space<hbm>> -> memref<128x128xf32, #tpu.memory_space<hbm>>
    tpu.wait_dma2 semaphore(%arg19 : memref<!tpu.dma_semaphore, #tpu.memory_space<semaphore_mem>>) src(%arg11 : memref<128x128xf32, #tpu.memory_space<vmem>>) dst(%dma_wait3A_168 : memref<128x128xf32, #tpu.memory_space<hbm>>)
    %mul3A_169 = arith.constant 1024 : i32
    %mul3A_170 = arith.muli %add3A, %mul3A_169 : i32
    %add3A_171 = arith.constant 768 : i32
    %add3A_172 = arith.addi %mul3A_170, %add3A_171 : i32
    "tpu.region"() ({
      %run_scoped3A = tpu.sem_alloc : memref<!tpu.dma_semaphore, #tpu.memory_space<semaphore_mem>>
      %dma_start3A_255 = tpu.memref_slice %arg4[%add3A_172] : memref<32768xi32, #tpu.memory_space<hbm>> -> memref<128xi32, #tpu.memory_space<hbm>>
      %dma_start3A_256 = tpu.memref_slice %arg4[%add3A_172] : memref<32768xi32, #tpu.memory_space<hbm>> -> memref<128xi32, #tpu.memory_space<hbm>>
      tpu.enqueue_dma source(%dma_start3A_256 : memref<128xi32, #tpu.memory_space<hbm>>) target(%arg7 : memref<128xi32, #tpu.memory_space<vmem>>) target_semaphore(%run_scoped3A : memref<!tpu.dma_semaphore, #tpu.memory_space<semaphore_mem>>)
      %dma_wait3A_257 = tpu.memref_slice %arg4[%add3A_172] : memref<32768xi32, #tpu.memory_space<hbm>> -> memref<128xi32, #tpu.memory_space<hbm>>
      %dma_wait3A_258 = tpu.memref_slice %arg4[%add3A_172] : memref<32768xi32, #tpu.memory_space<hbm>> -> memref<128xi32, #tpu.memory_space<hbm>>
      tpu.wait_dma2 semaphore(%run_scoped3A : memref<!tpu.dma_semaphore, #tpu.memory_space<semaphore_mem>>) src(%dma_wait3A_258 : memref<128xi32, #tpu.memory_space<hbm>>) dst(%arg7 : memref<128xi32, #tpu.memory_space<vmem>>)
      tpu.yield
    }) : () -> ()
    %dma_start3A_173 = arith.constant 0 : i32
    %dma_start3A_174 = arith.constant 0 : i32
    %dma_start3A_175 = tpu.memref_slice %arg2[%dma_start3A_173, %dma_start3A_174] : memref<8192x128xf32, #tpu.memory_space<hbm>> -> memref<8192x128xf32, #tpu.memory_space<hbm>>
    tpu.enqueue_indirect_dma source(%dma_start3A_175 : memref<8192x128xf32, #tpu.memory_space<hbm>>) target(%arg9 : memref<128x128xf32, #tpu.memory_space<vmem>>) offsets(%arg7 : memref<128xi32, #tpu.memory_space<vmem>>) semaphore(%arg13 : memref<!tpu.dma_semaphore, #tpu.memory_space<semaphore_mem>>)
    %dma_start3A_176 = arith.constant 0 : i32
    %dma_start3A_177 = arith.constant 0 : i32
    %dma_start3A_178 = tpu.memref_slice %arg3[%dma_start3A_176, %dma_start3A_177] : memref<8192x128xf32, #tpu.memory_space<hbm>> -> memref<8192x128xf32, #tpu.memory_space<hbm>>
    tpu.enqueue_indirect_dma source(%dma_start3A_178 : memref<8192x128xf32, #tpu.memory_space<hbm>>) target(%arg11 : memref<128x128xf32, #tpu.memory_space<vmem>>) offsets(%arg7 : memref<128xi32, #tpu.memory_space<vmem>>) semaphore(%arg15 : memref<!tpu.dma_semaphore, #tpu.memory_space<semaphore_mem>>)
    %dma_wait3A_179 = arith.constant 0 : i32
    %dma_wait3A_180 = arith.constant 0 : i32
    %dma_wait3A_181 = tpu.memref_slice %arg2[%dma_wait3A_179, %dma_wait3A_180] : memref<8192x128xf32, #tpu.memory_space<hbm>> -> memref<8192x128xf32, #tpu.memory_space<hbm>>
    tpu.wait_indirect_dma semaphore(%arg14 : memref<!tpu.dma_semaphore, #tpu.memory_space<semaphore_mem>>) src(%dma_wait3A_181 : memref<8192x128xf32, #tpu.memory_space<hbm>>) dst(%arg10 : memref<128x128xf32, #tpu.memory_space<vmem>>)
    %dma_wait3A_182 = arith.constant 0 : i32
    %dma_wait3A_183 = arith.constant 0 : i32
    %dma_wait3A_184 = tpu.memref_slice %arg3[%dma_wait3A_182, %dma_wait3A_183] : memref<8192x128xf32, #tpu.memory_space<hbm>> -> memref<8192x128xf32, #tpu.memory_space<hbm>>
    tpu.wait_indirect_dma semaphore(%arg16 : memref<!tpu.dma_semaphore, #tpu.memory_space<semaphore_mem>>) src(%dma_wait3A_184 : memref<8192x128xf32, #tpu.memory_space<hbm>>) dst(%arg12 : memref<128x128xf32, #tpu.memory_space<vmem>>)
    %dma_start3A_185 = arith.constant 0 : i32
    %dma_start3A_186 = tpu.memref_slice %arg5[%add3A_140, %dma_start3A_185] : memref<32768x128xf32, #tpu.memory_space<hbm>> -> memref<128x128xf32, #tpu.memory_space<hbm>>
    %dma_start3A_187 = arith.constant 0 : i32
    %dma_start3A_188 = tpu.memref_slice %arg5[%add3A_140, %dma_start3A_187] : memref<32768x128xf32, #tpu.memory_space<hbm>> -> memref<128x128xf32, #tpu.memory_space<hbm>>
    tpu.enqueue_dma source(%arg10 : memref<128x128xf32, #tpu.memory_space<vmem>>) target(%dma_start3A_188 : memref<128x128xf32, #tpu.memory_space<hbm>>) target_semaphore(%arg18 : memref<!tpu.dma_semaphore, #tpu.memory_space<semaphore_mem>>)
    %dma_start3A_189 = arith.constant 0 : i32
    %dma_start3A_190 = tpu.memref_slice %arg6[%add3A_140, %dma_start3A_189] : memref<32768x128xf32, #tpu.memory_space<hbm>> -> memref<128x128xf32, #tpu.memory_space<hbm>>
    %dma_start3A_191 = arith.constant 0 : i32
    %dma_start3A_192 = tpu.memref_slice %arg6[%add3A_140, %dma_start3A_191] : memref<32768x128xf32, #tpu.memory_space<hbm>> -> memref<128x128xf32, #tpu.memory_space<hbm>>
    tpu.enqueue_dma source(%arg12 : memref<128x128xf32, #tpu.memory_space<vmem>>) target(%dma_start3A_192 : memref<128x128xf32, #tpu.memory_space<hbm>>) target_semaphore(%arg20 : memref<!tpu.dma_semaphore, #tpu.memory_space<semaphore_mem>>)
    %dma_wait3A_193 = arith.constant 0 : i32
    %dma_wait3A_194 = tpu.memref_slice %arg5[%add3A_140, %dma_wait3A_193] : memref<32768x128xf32, #tpu.memory_space<hbm>> -> memref<128x128xf32, #tpu.memory_space<hbm>>
    %dma_wait3A_195 = arith.constant 0 : i32
    %dma_wait3A_196 = tpu.memref_slice %arg5[%add3A_140, %dma_wait3A_195] : memref<32768x128xf32, #tpu.memory_space<hbm>> -> memref<128x128xf32, #tpu.memory_space<hbm>>
    tpu.wait_dma2 semaphore(%arg18 : memref<!tpu.dma_semaphore, #tpu.memory_space<semaphore_mem>>) src(%arg10 : memref<128x128xf32, #tpu.memory_space<vmem>>) dst(%dma_wait3A_196 : memref<128x128xf32, #tpu.memory_space<hbm>>)
    %dma_wait3A_197 = arith.constant 0 : i32
    %dma_wait3A_198 = tpu.memref_slice %arg6[%add3A_140, %dma_wait3A_197] : memref<32768x128xf32, #tpu.memory_space<hbm>> -> memref<128x128xf32, #tpu.memory_space<hbm>>
    %dma_wait3A_199 = arith.constant 0 : i32
    %dma_wait3A_200 = tpu.memref_slice %arg6[%add3A_140, %dma_wait3A_199] : memref<32768x128xf32, #tpu.memory_space<hbm>> -> memref<128x128xf32, #tpu.memory_space<hbm>>
    tpu.wait_dma2 semaphore(%arg20 : memref<!tpu.dma_semaphore, #tpu.memory_space<semaphore_mem>>) src(%arg12 : memref<128x128xf32, #tpu.memory_space<vmem>>) dst(%dma_wait3A_200 : memref<128x128xf32, #tpu.memory_space<hbm>>)
    %mul3A_201 = arith.constant 1024 : i32
    %mul3A_202 = arith.muli %add3A, %mul3A_201 : i32
    %add3A_203 = arith.constant 896 : i32
    %add3A_204 = arith.addi %mul3A_202, %add3A_203 : i32
    "tpu.region"() ({
      %run_scoped3A = tpu.sem_alloc : memref<!tpu.dma_semaphore, #tpu.memory_space<semaphore_mem>>
      %dma_start3A_255 = tpu.memref_slice %arg4[%add3A_204] : memref<32768xi32, #tpu.memory_space<hbm>> -> memref<128xi32, #tpu.memory_space<hbm>>
      %dma_start3A_256 = tpu.memref_slice %arg4[%add3A_204] : memref<32768xi32, #tpu.memory_space<hbm>> -> memref<128xi32, #tpu.memory_space<hbm>>
      tpu.enqueue_dma source(%dma_start3A_256 : memref<128xi32, #tpu.memory_space<hbm>>) target(%arg8 : memref<128xi32, #tpu.memory_space<vmem>>) target_semaphore(%run_scoped3A : memref<!tpu.dma_semaphore, #tpu.memory_space<semaphore_mem>>)
      %dma_wait3A_257 = tpu.memref_slice %arg4[%add3A_204] : memref<32768xi32, #tpu.memory_space<hbm>> -> memref<128xi32, #tpu.memory_space<hbm>>
      %dma_wait3A_258 = tpu.memref_slice %arg4[%add3A_204] : memref<32768xi32, #tpu.memory_space<hbm>> -> memref<128xi32, #tpu.memory_space<hbm>>
      tpu.wait_dma2 semaphore(%run_scoped3A : memref<!tpu.dma_semaphore, #tpu.memory_space<semaphore_mem>>) src(%dma_wait3A_258 : memref<128xi32, #tpu.memory_space<hbm>>) dst(%arg8 : memref<128xi32, #tpu.memory_space<vmem>>)
      tpu.yield
    }) : () -> ()
    %dma_start3A_205 = arith.constant 0 : i32
    %dma_start3A_206 = arith.constant 0 : i32
    %dma_start3A_207 = tpu.memref_slice %arg2[%dma_start3A_205, %dma_start3A_206] : memref<8192x128xf32, #tpu.memory_space<hbm>> -> memref<8192x128xf32, #tpu.memory_space<hbm>>
    tpu.enqueue_indirect_dma source(%dma_start3A_207 : memref<8192x128xf32, #tpu.memory_space<hbm>>) target(%arg10 : memref<128x128xf32, #tpu.memory_space<vmem>>) offsets(%arg8 : memref<128xi32, #tpu.memory_space<vmem>>) semaphore(%arg14 : memref<!tpu.dma_semaphore, #tpu.memory_space<semaphore_mem>>)
    %dma_start3A_208 = arith.constant 0 : i32
    %dma_start3A_209 = arith.constant 0 : i32
    %dma_start3A_210 = tpu.memref_slice %arg3[%dma_start3A_208, %dma_start3A_209] : memref<8192x128xf32, #tpu.memory_space<hbm>> -> memref<8192x128xf32, #tpu.memory_space<hbm>>
    tpu.enqueue_indirect_dma source(%dma_start3A_210 : memref<8192x128xf32, #tpu.memory_space<hbm>>) target(%arg12 : memref<128x128xf32, #tpu.memory_space<vmem>>) offsets(%arg8 : memref<128xi32, #tpu.memory_space<vmem>>) semaphore(%arg16 : memref<!tpu.dma_semaphore, #tpu.memory_space<semaphore_mem>>)
    %dma_wait3A_211 = arith.constant 0 : i32
    %dma_wait3A_212 = arith.constant 0 : i32
    %dma_wait3A_213 = tpu.memref_slice %arg2[%dma_wait3A_211, %dma_wait3A_212] : memref<8192x128xf32, #tpu.memory_space<hbm>> -> memref<8192x128xf32, #tpu.memory_space<hbm>>
    tpu.wait_indirect_dma semaphore(%arg13 : memref<!tpu.dma_semaphore, #tpu.memory_space<semaphore_mem>>) src(%dma_wait3A_213 : memref<8192x128xf32, #tpu.memory_space<hbm>>) dst(%arg9 : memref<128x128xf32, #tpu.memory_space<vmem>>)
    %dma_wait3A_214 = arith.constant 0 : i32
    %dma_wait3A_215 = arith.constant 0 : i32
    %dma_wait3A_216 = tpu.memref_slice %arg3[%dma_wait3A_214, %dma_wait3A_215] : memref<8192x128xf32, #tpu.memory_space<hbm>> -> memref<8192x128xf32, #tpu.memory_space<hbm>>
    tpu.wait_indirect_dma semaphore(%arg15 : memref<!tpu.dma_semaphore, #tpu.memory_space<semaphore_mem>>) src(%dma_wait3A_216 : memref<8192x128xf32, #tpu.memory_space<hbm>>) dst(%arg11 : memref<128x128xf32, #tpu.memory_space<vmem>>)
    %dma_start3A_217 = arith.constant 0 : i32
    %dma_start3A_218 = tpu.memref_slice %arg5[%add3A_172, %dma_start3A_217] : memref<32768x128xf32, #tpu.memory_space<hbm>> -> memref<128x128xf32, #tpu.memory_space<hbm>>
    %dma_start3A_219 = arith.constant 0 : i32
    %dma_start3A_220 = tpu.memref_slice %arg5[%add3A_172, %dma_start3A_219] : memref<32768x128xf32, #tpu.memory_space<hbm>> -> memref<128x128xf32, #tpu.memory_space<hbm>>
    tpu.enqueue_dma source(%arg9 : memref<128x128xf32, #tpu.memory_space<vmem>>) target(%dma_start3A_220 : memref<128x128xf32, #tpu.memory_space<hbm>>) target_semaphore(%arg17 : memref<!tpu.dma_semaphore, #tpu.memory_space<semaphore_mem>>)
    %dma_start3A_221 = arith.constant 0 : i32
    %dma_start3A_222 = tpu.memref_slice %arg6[%add3A_172, %dma_start3A_221] : memref<32768x128xf32, #tpu.memory_space<hbm>> -> memref<128x128xf32, #tpu.memory_space<hbm>>
    %dma_start3A_223 = arith.constant 0 : i32
    %dma_start3A_224 = tpu.memref_slice %arg6[%add3A_172, %dma_start3A_223] : memref<32768x128xf32, #tpu.memory_space<hbm>> -> memref<128x128xf32, #tpu.memory_space<hbm>>
    tpu.enqueue_dma source(%arg11 : memref<128x128xf32, #tpu.memory_space<vmem>>) target(%dma_start3A_224 : memref<128x128xf32, #tpu.memory_space<hbm>>) target_semaphore(%arg19 : memref<!tpu.dma_semaphore, #tpu.memory_space<semaphore_mem>>)
    %dma_wait3A_225 = arith.constant 0 : i32
    %dma_wait3A_226 = arith.constant 0 : i32
    %dma_wait3A_227 = tpu.memref_slice %arg2[%dma_wait3A_225, %dma_wait3A_226] : memref<8192x128xf32, #tpu.memory_space<hbm>> -> memref<8192x128xf32, #tpu.memory_space<hbm>>
    tpu.wait_indirect_dma semaphore(%arg14 : memref<!tpu.dma_semaphore, #tpu.memory_space<semaphore_mem>>) src(%dma_wait3A_227 : memref<8192x128xf32, #tpu.memory_space<hbm>>) dst(%arg10 : memref<128x128xf32, #tpu.memory_space<vmem>>)
    %dma_wait3A_228 = arith.constant 0 : i32
    %dma_wait3A_229 = arith.constant 0 : i32
    %dma_wait3A_230 = tpu.memref_slice %arg3[%dma_wait3A_228, %dma_wait3A_229] : memref<8192x128xf32, #tpu.memory_space<hbm>> -> memref<8192x128xf32, #tpu.memory_space<hbm>>
    tpu.wait_indirect_dma semaphore(%arg16 : memref<!tpu.dma_semaphore, #tpu.memory_space<semaphore_mem>>) src(%dma_wait3A_230 : memref<8192x128xf32, #tpu.memory_space<hbm>>) dst(%arg12 : memref<128x128xf32, #tpu.memory_space<vmem>>)
    %dma_start3A_231 = arith.constant 0 : i32
    %dma_start3A_232 = tpu.memref_slice %arg5[%add3A_204, %dma_start3A_231] : memref<32768x128xf32, #tpu.memory_space<hbm>> -> memref<128x128xf32, #tpu.memory_space<hbm>>
    %dma_start3A_233 = arith.constant 0 : i32
    %dma_start3A_234 = tpu.memref_slice %arg5[%add3A_204, %dma_start3A_233] : memref<32768x128xf32, #tpu.memory_space<hbm>> -> memref<128x128xf32, #tpu.memory_space<hbm>>
    tpu.enqueue_dma source(%arg10 : memref<128x128xf32, #tpu.memory_space<vmem>>) target(%dma_start3A_234 : memref<128x128xf32, #tpu.memory_space<hbm>>) target_semaphore(%arg18 : memref<!tpu.dma_semaphore, #tpu.memory_space<semaphore_mem>>)
    %dma_start3A_235 = arith.constant 0 : i32
    %dma_start3A_236 = tpu.memref_slice %arg6[%add3A_204, %dma_start3A_235] : memref<32768x128xf32, #tpu.memory_space<hbm>> -> memref<128x128xf32, #tpu.memory_space<hbm>>
    %dma_start3A_237 = arith.constant 0 : i32
    %dma_start3A_238 = tpu.memref_slice %arg6[%add3A_204, %dma_start3A_237] : memref<32768x128xf32, #tpu.memory_space<hbm>> -> memref<128x128xf32, #tpu.memory_space<hbm>>
    tpu.enqueue_dma source(%arg12 : memref<128x128xf32, #tpu.memory_space<vmem>>) target(%dma_start3A_238 : memref<128x128xf32, #tpu.memory_space<hbm>>) target_semaphore(%arg20 : memref<!tpu.dma_semaphore, #tpu.memory_space<semaphore_mem>>)
    %dma_wait3A_239 = arith.constant 0 : i32
    %dma_wait3A_240 = tpu.memref_slice %arg5[%add3A_172, %dma_wait3A_239] : memref<32768x128xf32, #tpu.memory_space<hbm>> -> memref<128x128xf32, #tpu.memory_space<hbm>>
    %dma_wait3A_241 = arith.constant 0 : i32
    %dma_wait3A_242 = tpu.memref_slice %arg5[%add3A_172, %dma_wait3A_241] : memref<32768x128xf32, #tpu.memory_space<hbm>> -> memref<128x128xf32, #tpu.memory_space<hbm>>
    tpu.wait_dma2 semaphore(%arg17 : memref<!tpu.dma_semaphore, #tpu.memory_space<semaphore_mem>>) src(%arg9 : memref<128x128xf32, #tpu.memory_space<vmem>>) dst(%dma_wait3A_242 : memref<128x128xf32, #tpu.memory_space<hbm>>)
    %dma_wait3A_243 = arith.constant 0 : i32
    %dma_wait3A_244 = tpu.memref_slice %arg6[%add3A_172, %dma_wait3A_243] : memref<32768x128xf32, #tpu.memory_space<hbm>> -> memref<128x128xf32, #tpu.memory_space<hbm>>
    %dma_wait3A_245 = arith.constant 0 : i32
    %dma_wait3A_246 = tpu.memref_slice %arg6[%add3A_172, %dma_wait3A_245] : memref<32768x128xf32, #tpu.memory_space<hbm>> -> memref<128x128xf32, #tpu.memory_space<hbm>>
    tpu.wait_dma2 semaphore(%arg19 : memref<!tpu.dma_semaphore, #tpu.memory_space<semaphore_mem>>) src(%arg11 : memref<128x128xf32, #tpu.memory_space<vmem>>) dst(%dma_wait3A_246 : memref<128x128xf32, #tpu.memory_space<hbm>>)
    %dma_wait3A_247 = arith.constant 0 : i32
    %dma_wait3A_248 = tpu.memref_slice %arg5[%add3A_204, %dma_wait3A_247] : memref<32768x128xf32, #tpu.memory_space<hbm>> -> memref<128x128xf32, #tpu.memory_space<hbm>>
    %dma_wait3A_249 = arith.constant 0 : i32
    %dma_wait3A_250 = tpu.memref_slice %arg5[%add3A_204, %dma_wait3A_249] : memref<32768x128xf32, #tpu.memory_space<hbm>> -> memref<128x128xf32, #tpu.memory_space<hbm>>
    tpu.wait_dma2 semaphore(%arg18 : memref<!tpu.dma_semaphore, #tpu.memory_space<semaphore_mem>>) src(%arg10 : memref<128x128xf32, #tpu.memory_space<vmem>>) dst(%dma_wait3A_250 : memref<128x128xf32, #tpu.memory_space<hbm>>)
    %dma_wait3A_251 = arith.constant 0 : i32
    %dma_wait3A_252 = tpu.memref_slice %arg6[%add3A_204, %dma_wait3A_251] : memref<32768x128xf32, #tpu.memory_space<hbm>> -> memref<128x128xf32, #tpu.memory_space<hbm>>
    %dma_wait3A_253 = arith.constant 0 : i32
    %dma_wait3A_254 = tpu.memref_slice %arg6[%add3A_204, %dma_wait3A_253] : memref<32768x128xf32, #tpu.memory_space<hbm>> -> memref<128x128xf32, #tpu.memory_space<hbm>>
    tpu.wait_dma2 semaphore(%arg20 : memref<!tpu.dma_semaphore, #tpu.memory_space<semaphore_mem>>) src(%arg12 : memref<128x128xf32, #tpu.memory_space<vmem>>) dst(%dma_wait3A_254 : memref<128x128xf32, #tpu.memory_space<hbm>>)
    return
  }
}

module attributes {stable_mosaic.version = 14 : i64} {
  func.func @_topk_body(%arg0: i32, %arg1: i32, %arg2: memref<1x256x3xf32, #tpu.memory_space<vmem>>, %arg3: memref<1x3x4096xf32, #tpu.memory_space<vmem>>, %arg4: memref<1x1x4096xf32, #tpu.memory_space<vmem>>, %arg5: memref<1x256x8xf32, #tpu.memory_space<vmem>>, %arg6: memref<1x256x8xi32, #tpu.memory_space<vmem>>) attributes {dimension_semantics = [#tpu.dimension_semantics<arbitrary>, #tpu.dimension_semantics<arbitrary>], iteration_bounds = array<i64: 2, 8>, scalar_prefetch = 0 : i64, scratch_operands = 0 : i64, tpu.core_type = #tpu.core_type<tc>, window_params = [{transform_indices = @transform_0, window_bounds = array<i64: 1, 256, 3>}, {transform_indices = @transform_1, window_bounds = array<i64: 1, 3, 4096>}, {transform_indices = @transform_2, window_bounds = array<i64: 1, 1, 4096>}, {transform_indices = @transform_3, window_bounds = array<i64: 1, 256, 8>}, {transform_indices = @transform_4, window_bounds = array<i64: 1, 256, 8>}]} {
    %get3A = arith.constant 0 : index
    %get3A_0 = arith.constant 0 : index
    %get3A_1 = arith.constant 0 : index
    %get3A_2 = vector.load %arg2[%get3A, %get3A_0, %get3A_1] : memref<1x256x3xf32, #tpu.memory_space<vmem>>, vector<1x256x3xf32>
    %get3A_3 = vector.shape_cast %get3A_2 : vector<1x256x3xf32> to vector<256x3xf32>
    %get3A_4 = arith.constant 0 : index
    %get3A_5 = arith.constant 0 : index
    %get3A_6 = arith.constant 0 : index
    %get3A_7 = vector.load %arg3[%get3A_4, %get3A_5, %get3A_6] : memref<1x3x4096xf32, #tpu.memory_space<vmem>>, vector<1x3x4096xf32>
    %get3A_8 = vector.shape_cast %get3A_7 : vector<1x3x4096xf32> to vector<3x4096xf32>
    %mul3A = arith.mulf %get3A_3, %get3A_3 : vector<256x3xf32>
    %reduce_sum3A = arith.constant dense<0.000000e+00> : vector<256xf32>
    %reduce_sum3A_9 = vector.multi_reduction <add>, %mul3A, %reduce_sum3A [1] : vector<256x3xf32> to vector<256xf32>
    %broadcast_in_dim3A = vector.shape_cast %reduce_sum3A_9 : vector<256xf32> to vector<256x1xf32>
    %get3A_10 = arith.constant 0 : index
    %get3A_11 = arith.constant 0 : index
    %get3A_12 = arith.constant 0 : index
    %get3A_13 = vector.load %arg4[%get3A_10, %get3A_11, %get3A_12] : memref<1x1x4096xf32, #tpu.memory_space<vmem>>, vector<1x1x4096xf32>
    %get3A_14 = vector.shape_cast %get3A_13 : vector<1x1x4096xf32> to vector<1x4096xf32>
    %dot_general3A = arith.constant dense<0.000000e+00> : vector<256x4096xf32>
    %dot_general3A_15 = tpu.matmul %get3A_3, %get3A_8, %dot_general3A {dimension_numbers = #tpu.dot_dimension_numbers<[1], [0], [0], [1], [0, 0, 1, 1], [], []>, transpose_lhs_hint = false} : vector<256x3xf32>, vector<3x4096xf32>, vector<256x4096xf32> -> vector<256x4096xf32>
    %add3A = vector.broadcast %broadcast_in_dim3A : vector<256x1xf32> to vector<256x4096xf32>
    %add3A_16 = vector.broadcast %get3A_14 : vector<1x4096xf32> to vector<256x4096xf32>
    %add3A_17 = arith.addf %add3A, %add3A_16 : vector<256x4096xf32>
    %mul3A_18 = arith.constant 2.000000e+00 : f32
    %mul3A_19 = vector.broadcast %mul3A_18 : f32 to vector<256x4096xf32>
    %mul3A_20 = arith.mulf %mul3A_19, %dot_general3A_15 : vector<256x4096xf32>
    %sub3A = arith.subf %add3A_17, %mul3A_20 : vector<256x4096xf32>
    %max3A = arith.constant 9.99999996E-13 : f32
    %max3A_21 = vector.broadcast %max3A : f32 to vector<256x4096xf32>
    %max3A_22 = arith.maximumf %sub3A, %max3A_21 : vector<256x4096xf32>
    %sqrt3A = math.sqrt %max3A_22 : vector<256x4096xf32>
    %iota3A = tpu.iota {dimensions = array<i32: 1>} : vector<256x4096xi32>
    %convert_element_type3A = arith.sitofp %iota3A : vector<256x4096xi32> to vector<256x4096xf32>
    %mul3A_23 = arith.constant 4096 : i32
    %mul3A_24 = arith.muli %arg0, %mul3A_23 : i32
    %reduce_min3A = arith.constant dense<0x7F800000> : vector<256xf32>
    %reduce_min3A_25 = vector.multi_reduction <minimumf>, %sqrt3A, %reduce_min3A [1] : vector<256x4096xf32> to vector<256xf32>
    %broadcast_in_dim3A_26 = vector.shape_cast %reduce_min3A_25 : vector<256xf32> to vector<256x1xf32>
    %eq3A = vector.broadcast %broadcast_in_dim3A_26 : vector<256x1xf32> to vector<256x4096xf32>
    %eq3A_27 = arith.cmpf oeq, %sqrt3A, %eq3A : vector<256x4096xf32>
    %jit3A = arith.constant 4.096000e+03 : f32
    %broadcast_in_dim3A_28 = vector.broadcast %jit3A : f32 to vector<256x4096xf32>
    %select_n3A = arith.select %eq3A_27, %convert_element_type3A, %broadcast_in_dim3A_28 : vector<256x4096xi1>, vector<256x4096xf32>
    %reduce_min3A_29 = arith.constant dense<0x7F800000> : vector<256xf32>
    %reduce_min3A_30 = vector.multi_reduction <minimumf>, %select_n3A, %reduce_min3A_29 [1] : vector<256x4096xf32> to vector<256xf32>
    %broadcast_in_dim3A_31 = vector.shape_cast %reduce_min3A_30 : vector<256xf32> to vector<256x1xf32>
    %squeeze3A = vector.shape_cast %broadcast_in_dim3A_26 : vector<256x1xf32> to vector<256xf32>
    %swap3A = arith.constant 0 : index
    %swap3A_32 = arith.constant 0 : index
    %swap3A_33 = arith.constant 0 : index
    %swap3A_34 = vector.load %arg5[%swap3A, %swap3A_32, %swap3A_33] : memref<1x256x8xf32, #tpu.memory_space<vmem>>, vector<1x256x1xf32>
    %swap3A_35 = vector.shape_cast %swap3A_34 : vector<1x256x1xf32> to vector<256xf32>
    %swap3A_36 = vector.shape_cast %squeeze3A : vector<256xf32> to vector<1x256x1xf32>
    tpu.vector_store %arg5[%swap3A, %swap3A_32, %swap3A_33], %swap3A_36 {strides = array<i32>} : memref<1x256x8xf32, #tpu.memory_space<vmem>>, vector<1x256x1xf32>,
    %squeeze3A_37 = vector.shape_cast %broadcast_in_dim3A_31 : vector<256x1xf32> to vector<256xf32>
    %convert_element_type3A_38 = arith.fptosi %squeeze3A_37 : vector<256xf32> to vector<256xi32>
    %add3A_39 = vector.broadcast %mul3A_24 : i32 to vector<256xi32>
    %add3A_40 = arith.addi %convert_element_type3A_38, %add3A_39 : vector<256xi32>
    %swap3A_41 = arith.constant 0 : index
    %swap3A_42 = arith.constant 0 : index
    %swap3A_43 = arith.constant 0 : index
    %swap3A_44 = vector.load %arg6[%swap3A_41, %swap3A_42, %swap3A_43] : memref<1x256x8xi32, #tpu.memory_space<vmem>>, vector<1x256x1xi32>
    %swap3A_45 = vector.shape_cast %swap3A_44 : vector<1x256x1xi32> to vector<256xi32>
    %swap3A_46 = vector.shape_cast %add3A_40 : vector<256xi32> to vector<1x256x1xi32>
    tpu.vector_store %arg6[%swap3A_41, %swap3A_42, %swap3A_43], %swap3A_46 {strides = array<i32>} : memref<1x256x8xi32, #tpu.memory_space<vmem>>, vector<1x256x1xi32>,
    %eq3A_47 = vector.broadcast %broadcast_in_dim3A_31 : vector<256x1xf32> to vector<256x4096xf32>
    %eq3A_48 = arith.cmpf oeq, %convert_element_type3A, %eq3A_47 : vector<256x4096xf32>
    %jit3A_49 = arith.constant 0x7F800000 : f32
    %broadcast_in_dim3A_50 = vector.broadcast %jit3A_49 : f32 to vector<256x4096xf32>
    %select_n3A_51 = arith.select %eq3A_48, %broadcast_in_dim3A_50, %sqrt3A : vector<256x4096xi1>, vector<256x4096xf32>
    %reduce_min3A_52 = arith.constant dense<0x7F800000> : vector<256xf32>
    %reduce_min3A_53 = vector.multi_reduction <minimumf>, %select_n3A_51, %reduce_min3A_52 [1] : vector<256x4096xf32> to vector<256xf32>
    %broadcast_in_dim3A_54 = vector.shape_cast %reduce_min3A_53 : vector<256xf32> to vector<256x1xf32>
    %eq3A_55 = vector.broadcast %broadcast_in_dim3A_54 : vector<256x1xf32> to vector<256x4096xf32>
    %eq3A_56 = arith.cmpf oeq, %select_n3A_51, %eq3A_55 : vector<256x4096xf32>
    %jit3A_57 = arith.constant 4.096000e+03 : f32
    %broadcast_in_dim3A_58 = vector.broadcast %jit3A_57 : f32 to vector<256x4096xf32>
    %select_n3A_59 = arith.select %eq3A_56, %convert_element_type3A, %broadcast_in_dim3A_58 : vector<256x4096xi1>, vector<256x4096xf32>
    %reduce_min3A_60 = arith.constant dense<0x7F800000> : vector<256xf32>
    %reduce_min3A_61 = vector.multi_reduction <minimumf>, %select_n3A_59, %reduce_min3A_60 [1] : vector<256x4096xf32> to vector<256xf32>
    %broadcast_in_dim3A_62 = vector.shape_cast %reduce_min3A_61 : vector<256xf32> to vector<256x1xf32>
    %squeeze3A_63 = vector.shape_cast %broadcast_in_dim3A_54 : vector<256x1xf32> to vector<256xf32>
    %swap3A_64 = arith.constant 0 : index
    %swap3A_65 = arith.constant 0 : index
    %swap3A_66 = arith.constant 1 : index
    %swap3A_67 = vector.load %arg5[%swap3A_64, %swap3A_65, %swap3A_66] : memref<1x256x8xf32, #tpu.memory_space<vmem>>, vector<1x256x1xf32>
    %swap3A_68 = vector.shape_cast %swap3A_67 : vector<1x256x1xf32> to vector<256xf32>
    %swap3A_69 = vector.shape_cast %squeeze3A_63 : vector<256xf32> to vector<1x256x1xf32>
    tpu.vector_store %arg5[%swap3A_64, %swap3A_65, %swap3A_66], %swap3A_69 {strides = array<i32>} : memref<1x256x8xf32, #tpu.memory_space<vmem>>, vector<1x256x1xf32>,
    %squeeze3A_70 = vector.shape_cast %broadcast_in_dim3A_62 : vector<256x1xf32> to vector<256xf32>
    %convert_element_type3A_71 = arith.fptosi %squeeze3A_70 : vector<256xf32> to vector<256xi32>
    %add3A_72 = vector.broadcast %mul3A_24 : i32 to vector<256xi32>
    %add3A_73 = arith.addi %convert_element_type3A_71, %add3A_72 : vector<256xi32>
    %swap3A_74 = arith.constant 0 : index
    %swap3A_75 = arith.constant 0 : index
    %swap3A_76 = arith.constant 1 : index
    %swap3A_77 = vector.load %arg6[%swap3A_74, %swap3A_75, %swap3A_76] : memref<1x256x8xi32, #tpu.memory_space<vmem>>, vector<1x256x1xi32>
    %swap3A_78 = vector.shape_cast %swap3A_77 : vector<1x256x1xi32> to vector<256xi32>
    %swap3A_79 = vector.shape_cast %add3A_73 : vector<256xi32> to vector<1x256x1xi32>
    tpu.vector_store %arg6[%swap3A_74, %swap3A_75, %swap3A_76], %swap3A_79 {strides = array<i32>} : memref<1x256x8xi32, #tpu.memory_space<vmem>>, vector<1x256x1xi32>,
    %eq3A_80 = vector.broadcast %broadcast_in_dim3A_62 : vector<256x1xf32> to vector<256x4096xf32>
    %eq3A_81 = arith.cmpf oeq, %convert_element_type3A, %eq3A_80 : vector<256x4096xf32>
    %jit3A_82 = arith.constant 0x7F800000 : f32
    %broadcast_in_dim3A_83 = vector.broadcast %jit3A_82 : f32 to vector<256x4096xf32>
    %select_n3A_84 = arith.select %eq3A_81, %broadcast_in_dim3A_83, %select_n3A_51 : vector<256x4096xi1>, vector<256x4096xf32>
    %reduce_min3A_85 = arith.constant dense<0x7F800000> : vector<256xf32>
    %reduce_min3A_86 = vector.multi_reduction <minimumf>, %select_n3A_84, %reduce_min3A_85 [1] : vector<256x4096xf32> to vector<256xf32>
    %broadcast_in_dim3A_87 = vector.shape_cast %reduce_min3A_86 : vector<256xf32> to vector<256x1xf32>
    %eq3A_88 = vector.broadcast %broadcast_in_dim3A_87 : vector<256x1xf32> to vector<256x4096xf32>
    %eq3A_89 = arith.cmpf oeq, %select_n3A_84, %eq3A_88 : vector<256x4096xf32>
    %jit3A_90 = arith.constant 4.096000e+03 : f32
    %broadcast_in_dim3A_91 = vector.broadcast %jit3A_90 : f32 to vector<256x4096xf32>
    %select_n3A_92 = arith.select %eq3A_89, %convert_element_type3A, %broadcast_in_dim3A_91 : vector<256x4096xi1>, vector<256x4096xf32>
    %reduce_min3A_93 = arith.constant dense<0x7F800000> : vector<256xf32>
    %reduce_min3A_94 = vector.multi_reduction <minimumf>, %select_n3A_92, %reduce_min3A_93 [1] : vector<256x4096xf32> to vector<256xf32>
    %broadcast_in_dim3A_95 = vector.shape_cast %reduce_min3A_94 : vector<256xf32> to vector<256x1xf32>
    %squeeze3A_96 = vector.shape_cast %broadcast_in_dim3A_87 : vector<256x1xf32> to vector<256xf32>
    %swap3A_97 = arith.constant 0 : index
    %swap3A_98 = arith.constant 0 : index
    %swap3A_99 = arith.constant 2 : index
    %swap3A_100 = vector.load %arg5[%swap3A_97, %swap3A_98, %swap3A_99] : memref<1x256x8xf32, #tpu.memory_space<vmem>>, vector<1x256x1xf32>
    %swap3A_101 = vector.shape_cast %swap3A_100 : vector<1x256x1xf32> to vector<256xf32>
    %swap3A_102 = vector.shape_cast %squeeze3A_96 : vector<256xf32> to vector<1x256x1xf32>
    tpu.vector_store %arg5[%swap3A_97, %swap3A_98, %swap3A_99], %swap3A_102 {strides = array<i32>} : memref<1x256x8xf32, #tpu.memory_space<vmem>>, vector<1x256x1xf32>,
    %squeeze3A_103 = vector.shape_cast %broadcast_in_dim3A_95 : vector<256x1xf32> to vector<256xf32>
    %convert_element_type3A_104 = arith.fptosi %squeeze3A_103 : vector<256xf32> to vector<256xi32>
    %add3A_105 = vector.broadcast %mul3A_24 : i32 to vector<256xi32>
    %add3A_106 = arith.addi %convert_element_type3A_104, %add3A_105 : vector<256xi32>
    %swap3A_107 = arith.constant 0 : index
    %swap3A_108 = arith.constant 0 : index
    %swap3A_109 = arith.constant 2 : index
    %swap3A_110 = vector.load %arg6[%swap3A_107, %swap3A_108, %swap3A_109] : memref<1x256x8xi32, #tpu.memory_space<vmem>>, vector<1x256x1xi32>
    %swap3A_111 = vector.shape_cast %swap3A_110 : vector<1x256x1xi32> to vector<256xi32>
    %swap3A_112 = vector.shape_cast %add3A_106 : vector<256xi32> to vector<1x256x1xi32>
    tpu.vector_store %arg6[%swap3A_107, %swap3A_108, %swap3A_109], %swap3A_112 {strides = array<i32>} : memref<1x256x8xi32, #tpu.memory_space<vmem>>, vector<1x256x1xi32>,
    %eq3A_113 = vector.broadcast %broadcast_in_dim3A_95 : vector<256x1xf32> to vector<256x4096xf32>
    %eq3A_114 = arith.cmpf oeq, %convert_element_type3A, %eq3A_113 : vector<256x4096xf32>
    %jit3A_115 = arith.constant 0x7F800000 : f32
    %broadcast_in_dim3A_116 = vector.broadcast %jit3A_115 : f32 to vector<256x4096xf32>
    %select_n3A_117 = arith.select %eq3A_114, %broadcast_in_dim3A_116, %select_n3A_84 : vector<256x4096xi1>, vector<256x4096xf32>
    %reduce_min3A_118 = arith.constant dense<0x7F800000> : vector<256xf32>
    %reduce_min3A_119 = vector.multi_reduction <minimumf>, %select_n3A_117, %reduce_min3A_118 [1] : vector<256x4096xf32> to vector<256xf32>
    %broadcast_in_dim3A_120 = vector.shape_cast %reduce_min3A_119 : vector<256xf32> to vector<256x1xf32>
    %eq3A_121 = vector.broadcast %broadcast_in_dim3A_120 : vector<256x1xf32> to vector<256x4096xf32>
    %eq3A_122 = arith.cmpf oeq, %select_n3A_117, %eq3A_121 : vector<256x4096xf32>
    %jit3A_123 = arith.constant 4.096000e+03 : f32
    %broadcast_in_dim3A_124 = vector.broadcast %jit3A_123 : f32 to vector<256x4096xf32>
    %select_n3A_125 = arith.select %eq3A_122, %convert_element_type3A, %broadcast_in_dim3A_124 : vector<256x4096xi1>, vector<256x4096xf32>
    %reduce_min3A_126 = arith.constant dense<0x7F800000> : vector<256xf32>
    %reduce_min3A_127 = vector.multi_reduction <minimumf>, %select_n3A_125, %reduce_min3A_126 [1] : vector<256x4096xf32> to vector<256xf32>
    %broadcast_in_dim3A_128 = vector.shape_cast %reduce_min3A_127 : vector<256xf32> to vector<256x1xf32>
    %squeeze3A_129 = vector.shape_cast %broadcast_in_dim3A_120 : vector<256x1xf32> to vector<256xf32>
    %swap3A_130 = arith.constant 0 : index
    %swap3A_131 = arith.constant 0 : index
    %swap3A_132 = arith.constant 3 : index
    %swap3A_133 = vector.load %arg5[%swap3A_130, %swap3A_131, %swap3A_132] : memref<1x256x8xf32, #tpu.memory_space<vmem>>, vector<1x256x1xf32>
    %swap3A_134 = vector.shape_cast %swap3A_133 : vector<1x256x1xf32> to vector<256xf32>
    %swap3A_135 = vector.shape_cast %squeeze3A_129 : vector<256xf32> to vector<1x256x1xf32>
    tpu.vector_store %arg5[%swap3A_130, %swap3A_131, %swap3A_132], %swap3A_135 {strides = array<i32>} : memref<1x256x8xf32, #tpu.memory_space<vmem>>, vector<1x256x1xf32>,
    %squeeze3A_136 = vector.shape_cast %broadcast_in_dim3A_128 : vector<256x1xf32> to vector<256xf32>
    %convert_element_type3A_137 = arith.fptosi %squeeze3A_136 : vector<256xf32> to vector<256xi32>
    %add3A_138 = vector.broadcast %mul3A_24 : i32 to vector<256xi32>
    %add3A_139 = arith.addi %convert_element_type3A_137, %add3A_138 : vector<256xi32>
    %swap3A_140 = arith.constant 0 : index
    %swap3A_141 = arith.constant 0 : index
    %swap3A_142 = arith.constant 3 : index
    %swap3A_143 = vector.load %arg6[%swap3A_140, %swap3A_141, %swap3A_142] : memref<1x256x8xi32, #tpu.memory_space<vmem>>, vector<1x256x1xi32>
    %swap3A_144 = vector.shape_cast %swap3A_143 : vector<1x256x1xi32> to vector<256xi32>
    %swap3A_145 = vector.shape_cast %add3A_139 : vector<256xi32> to vector<1x256x1xi32>
    tpu.vector_store %arg6[%swap3A_140, %swap3A_141, %swap3A_142], %swap3A_145 {strides = array<i32>} : memref<1x256x8xi32, #tpu.memory_space<vmem>>, vector<1x256x1xi32>,
    %eq3A_146 = vector.broadcast %broadcast_in_dim3A_128 : vector<256x1xf32> to vector<256x4096xf32>
    %eq3A_147 = arith.cmpf oeq, %convert_element_type3A, %eq3A_146 : vector<256x4096xf32>
    %jit3A_148 = arith.constant 0x7F800000 : f32
    %broadcast_in_dim3A_149 = vector.broadcast %jit3A_148 : f32 to vector<256x4096xf32>
    %select_n3A_150 = arith.select %eq3A_147, %broadcast_in_dim3A_149, %select_n3A_117 : vector<256x4096xi1>, vector<256x4096xf32>
    %reduce_min3A_151 = arith.constant dense<0x7F800000> : vector<256xf32>
    %reduce_min3A_152 = vector.multi_reduction <minimumf>, %select_n3A_150, %reduce_min3A_151 [1] : vector<256x4096xf32> to vector<256xf32>
    %broadcast_in_dim3A_153 = vector.shape_cast %reduce_min3A_152 : vector<256xf32> to vector<256x1xf32>
    %eq3A_154 = vector.broadcast %broadcast_in_dim3A_153 : vector<256x1xf32> to vector<256x4096xf32>
    %eq3A_155 = arith.cmpf oeq, %select_n3A_150, %eq3A_154 : vector<256x4096xf32>
    %jit3A_156 = arith.constant 4.096000e+03 : f32
    %broadcast_in_dim3A_157 = vector.broadcast %jit3A_156 : f32 to vector<256x4096xf32>
    %select_n3A_158 = arith.select %eq3A_155, %convert_element_type3A, %broadcast_in_dim3A_157 : vector<256x4096xi1>, vector<256x4096xf32>
    %reduce_min3A_159 = arith.constant dense<0x7F800000> : vector<256xf32>
    %reduce_min3A_160 = vector.multi_reduction <minimumf>, %select_n3A_158, %reduce_min3A_159 [1] : vector<256x4096xf32> to vector<256xf32>
    %broadcast_in_dim3A_161 = vector.shape_cast %reduce_min3A_160 : vector<256xf32> to vector<256x1xf32>
    %squeeze3A_162 = vector.shape_cast %broadcast_in_dim3A_153 : vector<256x1xf32> to vector<256xf32>
    %swap3A_163 = arith.constant 0 : index
    %swap3A_164 = arith.constant 0 : index
    %swap3A_165 = arith.constant 4 : index
    %swap3A_166 = vector.load %arg5[%swap3A_163, %swap3A_164, %swap3A_165] : memref<1x256x8xf32, #tpu.memory_space<vmem>>, vector<1x256x1xf32>
    %swap3A_167 = vector.shape_cast %swap3A_166 : vector<1x256x1xf32> to vector<256xf32>
    %swap3A_168 = vector.shape_cast %squeeze3A_162 : vector<256xf32> to vector<1x256x1xf32>
    tpu.vector_store %arg5[%swap3A_163, %swap3A_164, %swap3A_165], %swap3A_168 {strides = array<i32>} : memref<1x256x8xf32, #tpu.memory_space<vmem>>, vector<1x256x1xf32>,
    %squeeze3A_169 = vector.shape_cast %broadcast_in_dim3A_161 : vector<256x1xf32> to vector<256xf32>
    %convert_element_type3A_170 = arith.fptosi %squeeze3A_169 : vector<256xf32> to vector<256xi32>
    %add3A_171 = vector.broadcast %mul3A_24 : i32 to vector<256xi32>
    %add3A_172 = arith.addi %convert_element_type3A_170, %add3A_171 : vector<256xi32>
    %swap3A_173 = arith.constant 0 : index
    %swap3A_174 = arith.constant 0 : index
    %swap3A_175 = arith.constant 4 : index
    %swap3A_176 = vector.load %arg6[%swap3A_173, %swap3A_174, %swap3A_175] : memref<1x256x8xi32, #tpu.memory_space<vmem>>, vector<1x256x1xi32>
    %swap3A_177 = vector.shape_cast %swap3A_176 : vector<1x256x1xi32> to vector<256xi32>
    %swap3A_178 = vector.shape_cast %add3A_172 : vector<256xi32> to vector<1x256x1xi32>
    tpu.vector_store %arg6[%swap3A_173, %swap3A_174, %swap3A_175], %swap3A_178 {strides = array<i32>} : memref<1x256x8xi32, #tpu.memory_space<vmem>>, vector<1x256x1xi32>,
    %eq3A_179 = vector.broadcast %broadcast_in_dim3A_161 : vector<256x1xf32> to vector<256x4096xf32>
    %eq3A_180 = arith.cmpf oeq, %convert_element_type3A, %eq3A_179 : vector<256x4096xf32>
    %jit3A_181 = arith.constant 0x7F800000 : f32
    %broadcast_in_dim3A_182 = vector.broadcast %jit3A_181 : f32 to vector<256x4096xf32>
    %select_n3A_183 = arith.select %eq3A_180, %broadcast_in_dim3A_182, %select_n3A_150 : vector<256x4096xi1>, vector<256x4096xf32>
    %reduce_min3A_184 = arith.constant dense<0x7F800000> : vector<256xf32>
    %reduce_min3A_185 = vector.multi_reduction <minimumf>, %select_n3A_183, %reduce_min3A_184 [1] : vector<256x4096xf32> to vector<256xf32>
    %broadcast_in_dim3A_186 = vector.shape_cast %reduce_min3A_185 : vector<256xf32> to vector<256x1xf32>
    %eq3A_187 = vector.broadcast %broadcast_in_dim3A_186 : vector<256x1xf32> to vector<256x4096xf32>
    %eq3A_188 = arith.cmpf oeq, %select_n3A_183, %eq3A_187 : vector<256x4096xf32>
    %jit3A_189 = arith.constant 4.096000e+03 : f32
    %broadcast_in_dim3A_190 = vector.broadcast %jit3A_189 : f32 to vector<256x4096xf32>
    %select_n3A_191 = arith.select %eq3A_188, %convert_element_type3A, %broadcast_in_dim3A_190 : vector<256x4096xi1>, vector<256x4096xf32>
    %reduce_min3A_192 = arith.constant dense<0x7F800000> : vector<256xf32>
    %reduce_min3A_193 = vector.multi_reduction <minimumf>, %select_n3A_191, %reduce_min3A_192 [1] : vector<256x4096xf32> to vector<256xf32>
    %broadcast_in_dim3A_194 = vector.shape_cast %reduce_min3A_193 : vector<256xf32> to vector<256x1xf32>
    %squeeze3A_195 = vector.shape_cast %broadcast_in_dim3A_186 : vector<256x1xf32> to vector<256xf32>
    %swap3A_196 = arith.constant 0 : index
    %swap3A_197 = arith.constant 0 : index
    %swap3A_198 = arith.constant 5 : index
    %swap3A_199 = vector.load %arg5[%swap3A_196, %swap3A_197, %swap3A_198] : memref<1x256x8xf32, #tpu.memory_space<vmem>>, vector<1x256x1xf32>
    %swap3A_200 = vector.shape_cast %swap3A_199 : vector<1x256x1xf32> to vector<256xf32>
    %swap3A_201 = vector.shape_cast %squeeze3A_195 : vector<256xf32> to vector<1x256x1xf32>
    tpu.vector_store %arg5[%swap3A_196, %swap3A_197, %swap3A_198], %swap3A_201 {strides = array<i32>} : memref<1x256x8xf32, #tpu.memory_space<vmem>>, vector<1x256x1xf32>,
    %squeeze3A_202 = vector.shape_cast %broadcast_in_dim3A_194 : vector<256x1xf32> to vector<256xf32>
    %convert_element_type3A_203 = arith.fptosi %squeeze3A_202 : vector<256xf32> to vector<256xi32>
    %add3A_204 = vector.broadcast %mul3A_24 : i32 to vector<256xi32>
    %add3A_205 = arith.addi %convert_element_type3A_203, %add3A_204 : vector<256xi32>
    %swap3A_206 = arith.constant 0 : index
    %swap3A_207 = arith.constant 0 : index
    %swap3A_208 = arith.constant 5 : index
    %swap3A_209 = vector.load %arg6[%swap3A_206, %swap3A_207, %swap3A_208] : memref<1x256x8xi32, #tpu.memory_space<vmem>>, vector<1x256x1xi32>
    %swap3A_210 = vector.shape_cast %swap3A_209 : vector<1x256x1xi32> to vector<256xi32>
    %swap3A_211 = vector.shape_cast %add3A_205 : vector<256xi32> to vector<1x256x1xi32>
    tpu.vector_store %arg6[%swap3A_206, %swap3A_207, %swap3A_208], %swap3A_211 {strides = array<i32>} : memref<1x256x8xi32, #tpu.memory_space<vmem>>, vector<1x256x1xi32>,
    %eq3A_212 = vector.broadcast %broadcast_in_dim3A_194 : vector<256x1xf32> to vector<256x4096xf32>
    %eq3A_213 = arith.cmpf oeq, %convert_element_type3A, %eq3A_212 : vector<256x4096xf32>
    %jit3A_214 = arith.constant 0x7F800000 : f32
    %broadcast_in_dim3A_215 = vector.broadcast %jit3A_214 : f32 to vector<256x4096xf32>
    %select_n3A_216 = arith.select %eq3A_213, %broadcast_in_dim3A_215, %select_n3A_183 : vector<256x4096xi1>, vector<256x4096xf32>
    %reduce_min3A_217 = arith.constant dense<0x7F800000> : vector<256xf32>
    %reduce_min3A_218 = vector.multi_reduction <minimumf>, %select_n3A_216, %reduce_min3A_217 [1] : vector<256x4096xf32> to vector<256xf32>
    %broadcast_in_dim3A_219 = vector.shape_cast %reduce_min3A_218 : vector<256xf32> to vector<256x1xf32>
    %eq3A_220 = vector.broadcast %broadcast_in_dim3A_219 : vector<256x1xf32> to vector<256x4096xf32>
    %eq3A_221 = arith.cmpf oeq, %select_n3A_216, %eq3A_220 : vector<256x4096xf32>
    %jit3A_222 = arith.constant 4.096000e+03 : f32
    %broadcast_in_dim3A_223 = vector.broadcast %jit3A_222 : f32 to vector<256x4096xf32>
    %select_n3A_224 = arith.select %eq3A_221, %convert_element_type3A, %broadcast_in_dim3A_223 : vector<256x4096xi1>, vector<256x4096xf32>
    %reduce_min3A_225 = arith.constant dense<0x7F800000> : vector<256xf32>
    %reduce_min3A_226 = vector.multi_reduction <minimumf>, %select_n3A_224, %reduce_min3A_225 [1] : vector<256x4096xf32> to vector<256xf32>
    %broadcast_in_dim3A_227 = vector.shape_cast %reduce_min3A_226 : vector<256xf32> to vector<256x1xf32>
    %squeeze3A_228 = vector.shape_cast %broadcast_in_dim3A_219 : vector<256x1xf32> to vector<256xf32>
    %swap3A_229 = arith.constant 0 : index
    %swap3A_230 = arith.constant 0 : index
    %swap3A_231 = arith.constant 6 : index
    %swap3A_232 = vector.load %arg5[%swap3A_229, %swap3A_230, %swap3A_231] : memref<1x256x8xf32, #tpu.memory_space<vmem>>, vector<1x256x1xf32>
    %swap3A_233 = vector.shape_cast %swap3A_232 : vector<1x256x1xf32> to vector<256xf32>
    %swap3A_234 = vector.shape_cast %squeeze3A_228 : vector<256xf32> to vector<1x256x1xf32>
    tpu.vector_store %arg5[%swap3A_229, %swap3A_230, %swap3A_231], %swap3A_234 {strides = array<i32>} : memref<1x256x8xf32, #tpu.memory_space<vmem>>, vector<1x256x1xf32>,
    %squeeze3A_235 = vector.shape_cast %broadcast_in_dim3A_227 : vector<256x1xf32> to vector<256xf32>
    %convert_element_type3A_236 = arith.fptosi %squeeze3A_235 : vector<256xf32> to vector<256xi32>
    %add3A_237 = vector.broadcast %mul3A_24 : i32 to vector<256xi32>
    %add3A_238 = arith.addi %convert_element_type3A_236, %add3A_237 : vector<256xi32>
    %swap3A_239 = arith.constant 0 : index
    %swap3A_240 = arith.constant 0 : index
    %swap3A_241 = arith.constant 6 : index
    %swap3A_242 = vector.load %arg6[%swap3A_239, %swap3A_240, %swap3A_241] : memref<1x256x8xi32, #tpu.memory_space<vmem>>, vector<1x256x1xi32>
    %swap3A_243 = vector.shape_cast %swap3A_242 : vector<1x256x1xi32> to vector<256xi32>
    %swap3A_244 = vector.shape_cast %add3A_238 : vector<256xi32> to vector<1x256x1xi32>
    tpu.vector_store %arg6[%swap3A_239, %swap3A_240, %swap3A_241], %swap3A_244 {strides = array<i32>} : memref<1x256x8xi32, #tpu.memory_space<vmem>>, vector<1x256x1xi32>,
    %eq3A_245 = vector.broadcast %broadcast_in_dim3A_227 : vector<256x1xf32> to vector<256x4096xf32>
    %eq3A_246 = arith.cmpf oeq, %convert_element_type3A, %eq3A_245 : vector<256x4096xf32>
    %jit3A_247 = arith.constant 0x7F800000 : f32
    %broadcast_in_dim3A_248 = vector.broadcast %jit3A_247 : f32 to vector<256x4096xf32>
    %select_n3A_249 = arith.select %eq3A_246, %broadcast_in_dim3A_248, %select_n3A_216 : vector<256x4096xi1>, vector<256x4096xf32>
    %reduce_min3A_250 = arith.constant dense<0x7F800000> : vector<256xf32>
    %reduce_min3A_251 = vector.multi_reduction <minimumf>, %select_n3A_249, %reduce_min3A_250 [1] : vector<256x4096xf32> to vector<256xf32>
    %broadcast_in_dim3A_252 = vector.shape_cast %reduce_min3A_251 : vector<256xf32> to vector<256x1xf32>
    %eq3A_253 = vector.broadcast %broadcast_in_dim3A_252 : vector<256x1xf32> to vector<256x4096xf32>
    %eq3A_254 = arith.cmpf oeq, %select_n3A_249, %eq3A_253 : vector<256x4096xf32>
    %jit3A_255 = arith.constant 4.096000e+03 : f32
    %broadcast_in_dim3A_256 = vector.broadcast %jit3A_255 : f32 to vector<256x4096xf32>
    %select_n3A_257 = arith.select %eq3A_254, %convert_element_type3A, %broadcast_in_dim3A_256 : vector<256x4096xi1>, vector<256x4096xf32>
    %reduce_min3A_258 = arith.constant dense<0x7F800000> : vector<256xf32>
    %reduce_min3A_259 = vector.multi_reduction <minimumf>, %select_n3A_257, %reduce_min3A_258 [1] : vector<256x4096xf32> to vector<256xf32>
    %broadcast_in_dim3A_260 = vector.shape_cast %reduce_min3A_259 : vector<256xf32> to vector<256x1xf32>
    %squeeze3A_261 = vector.shape_cast %broadcast_in_dim3A_252 : vector<256x1xf32> to vector<256xf32>
    %swap3A_262 = arith.constant 0 : index
    %swap3A_263 = arith.constant 0 : index
    %swap3A_264 = arith.constant 7 : index
    %swap3A_265 = vector.load %arg5[%swap3A_262, %swap3A_263, %swap3A_264] : memref<1x256x8xf32, #tpu.memory_space<vmem>>, vector<1x256x1xf32>
    %swap3A_266 = vector.shape_cast %swap3A_265 : vector<1x256x1xf32> to vector<256xf32>
    %swap3A_267 = vector.shape_cast %squeeze3A_261 : vector<256xf32> to vector<1x256x1xf32>
    tpu.vector_store %arg5[%swap3A_262, %swap3A_263, %swap3A_264], %swap3A_267 {strides = array<i32>} : memref<1x256x8xf32, #tpu.memory_space<vmem>>, vector<1x256x1xf32>,
    %squeeze3A_268 = vector.shape_cast %broadcast_in_dim3A_260 : vector<256x1xf32> to vector<256xf32>
    %convert_element_type3A_269 = arith.fptosi %squeeze3A_268 : vector<256xf32> to vector<256xi32>
    %add3A_270 = vector.broadcast %mul3A_24 : i32 to vector<256xi32>
    %add3A_271 = arith.addi %convert_element_type3A_269, %add3A_270 : vector<256xi32>
    %swap3A_272 = arith.constant 0 : index
    %swap3A_273 = arith.constant 0 : index
    %swap3A_274 = arith.constant 7 : index
    %swap3A_275 = vector.load %arg6[%swap3A_272, %swap3A_273, %swap3A_274] : memref<1x256x8xi32, #tpu.memory_space<vmem>>, vector<1x256x1xi32>
    %swap3A_276 = vector.shape_cast %swap3A_275 : vector<1x256x1xi32> to vector<256xi32>
    %swap3A_277 = vector.shape_cast %add3A_271 : vector<256xi32> to vector<1x256x1xi32>
    tpu.vector_store %arg6[%swap3A_272, %swap3A_273, %swap3A_274], %swap3A_277 {strides = array<i32>} : memref<1x256x8xi32, #tpu.memory_space<vmem>>, vector<1x256x1xi32>,
    return
  }
  func.func @transform_0(%arg0: i32, %arg1: i32) -> (i32, i32, i32) {
    %c0_i32 = arith.constant 0 : i32
    %c0_i32_0 = arith.constant 0 : i32
    return %arg0, %arg1, %c0_i32 : i32, i32, i32
  }
  func.func @transform_1(%arg0: i32, %arg1: i32) -> (i32, i32, i32) {
    %c0_i32 = arith.constant 0 : i32
    %c0_i32_0 = arith.constant 0 : i32
    %c0_i32_1 = arith.constant 0 : i32
    return %arg0, %c0_i32, %c0_i32_0 : i32, i32, i32
  }
  func.func @transform_2(%arg0: i32, %arg1: i32) -> (i32, i32, i32) {
    %c0_i32 = arith.constant 0 : i32
    %c0_i32_0 = arith.constant 0 : i32
    %c0_i32_1 = arith.constant 0 : i32
    return %arg0, %c0_i32, %c0_i32_0 : i32, i32, i32
  }
  func.func @transform_3(%arg0: i32, %arg1: i32) -> (i32, i32, i32) {
    %c0_i32 = arith.constant 0 : i32
    %c0_i32_0 = arith.constant 0 : i32
    return %arg0, %arg1, %c0_i32 : i32, i32, i32
  }
  func.func @transform_4(%arg0: i32, %arg1: i32) -> (i32, i32, i32) {
    %c0_i32 = arith.constant 0 : i32
    %c0_i32_0 = arith.constant 0 : i32
    return %arg0, %arg1, %c0_i32 : i32, i32, i32
  }
}

module attributes {stable_mosaic.version = 14 : i64} {
  func.func @_mlp_body(%arg0: i32, %arg1: i32, %arg2: memref<1x512x3xf32, #tpu.memory_space<vmem>>, %arg3: memref<1x4096x128xf32, #tpu.memory_space<vmem>>, %arg4: memref<1x4096x128xf32, #tpu.memory_space<vmem>>, %arg5: memref<1x512x8xf32, #tpu.memory_space<vmem>>, %arg6: memref<3x128xf32, #tpu.memory_space<vmem>>, %arg7: memref<1x128xf32, #tpu.memory_space<vmem>>, %arg8: memref<128x128xf32, #tpu.memory_space<vmem>>, %arg9: memref<1x128xf32, #tpu.memory_space<vmem>>, %arg10: memref<1x128xf32, #tpu.memory_space<vmem>>, %arg11: memref<1x128xf32, #tpu.memory_space<vmem>>, %arg12: memref<1x512x128xf32, #tpu.memory_space<vmem>>) attributes {dimension_semantics = [#tpu.dimension_semantics<arbitrary>, #tpu.dimension_semantics<arbitrary>], iteration_bounds = array<i64: 2, 4>, scalar_prefetch = 0 : i64, scratch_operands = 0 : i64, tpu.core_type = #tpu.core_type<tc>, window_params = [{transform_indices = @transform_0, window_bounds = array<i64: 1, 512, 3>}, {transform_indices = @transform_1, window_bounds = array<i64: 1, 4096, 128>}, {transform_indices = @transform_2, window_bounds = array<i64: 1, 4096, 128>}, {transform_indices = @transform_3, window_bounds = array<i64: 1, 512, 8>}, {pipeline_mode = #tpu.pipeline_mode<synchronous>, transform_indices = @transform_4, window_bounds = array<i64: 3, 128>}, {pipeline_mode = #tpu.pipeline_mode<synchronous>, transform_indices = @transform_5, window_bounds = array<i64: 1, 128>}, {pipeline_mode = #tpu.pipeline_mode<synchronous>, transform_indices = @transform_6, window_bounds = array<i64: 128, 128>}, {pipeline_mode = #tpu.pipeline_mode<synchronous>, transform_indices = @transform_7, window_bounds = array<i64: 1, 128>}, {pipeline_mode = #tpu.pipeline_mode<synchronous>, transform_indices = @transform_8, window_bounds = array<i64: 1, 128>}, {pipeline_mode = #tpu.pipeline_mode<synchronous>, transform_indices = @transform_9, window_bounds = array<i64: 1, 128>}, {transform_indices = @transform_10, window_bounds = array<i64: 1, 512, 128>}]} {
    %get3A = arith.constant 0 : index
    %get3A_0 = arith.constant 0 : index
    %get3A_1 = arith.constant 0 : index
    %get3A_2 = vector.load %arg2[%get3A, %get3A_0, %get3A_1] : memref<1x512x3xf32, #tpu.memory_space<vmem>>, vector<1x512x3xf32>
    %get3A_3 = vector.shape_cast %get3A_2 : vector<1x512x3xf32> to vector<512x3xf32>
    %get3A_4 = arith.constant 0 : index
    %get3A_5 = arith.constant 0 : index
    %get3A_6 = arith.constant 0 : index
    %get3A_7 = vector.load %arg3[%get3A_4, %get3A_5, %get3A_6] : memref<1x4096x128xf32, #tpu.memory_space<vmem>>, vector<1x4096x128xf32>
    %get3A_8 = vector.shape_cast %get3A_7 : vector<1x4096x128xf32> to vector<4096x128xf32>
    %get3A_9 = arith.constant 0 : index
    %get3A_10 = arith.constant 0 : index
    %get3A_11 = arith.constant 0 : index
    %get3A_12 = vector.load %arg4[%get3A_9, %get3A_10, %get3A_11] : memref<1x4096x128xf32, #tpu.memory_space<vmem>>, vector<1x4096x128xf32>
    %get3A_13 = vector.shape_cast %get3A_12 : vector<1x4096x128xf32> to vector<4096x128xf32>
    %slice3A = vector.extract_strided_slice %get3A_13 {offsets = [0, 0], sizes = [4096, 3], strides = [1, 1]} : vector<4096x128xf32> to vector<4096x3xf32>
    %reshape3A = vector.shape_cast %slice3A : vector<4096x3xf32> to vector<512x8x3xf32>
    %get3A_14 = arith.constant 0 : index
    %get3A_15 = arith.constant 0 : index
    %get3A_16 = vector.load %arg6[%get3A_14, %get3A_15] : memref<3x128xf32, #tpu.memory_space<vmem>>, vector<3x128xf32>
    %broadcast_in_dim3A = vector.shape_cast %get3A_3 : vector<512x3xf32> to vector<512x1x3xf32>
    %sub3A = vector.broadcast %broadcast_in_dim3A : vector<512x1x3xf32> to vector<512x8x3xf32>
    %sub3A_17 = arith.subf %sub3A, %reshape3A : vector<512x8x3xf32>
    %reshape3A_18 = vector.shape_cast %sub3A_17 : vector<512x8x3xf32> to vector<4096x3xf32>
    %dot_general3A = arith.constant dense<0.000000e+00> : vector<4096x128xf32>
    %dot_general3A_19 = tpu.matmul %reshape3A_18, %get3A_16, %dot_general3A {dimension_numbers = #tpu.dot_dimension_numbers<[1], [0], [0], [1], [0, 0, 1, 1], [], []>, transpose_lhs_hint = false} : vector<4096x3xf32>, vector<3x128xf32>, vector<4096x128xf32> -> vector<4096x128xf32>
    %reshape3A_20 = vector.shape_cast %dot_general3A_19 : vector<4096x128xf32> to vector<512x8x128xf32>
    %get3A_21 = arith.constant 0 : index
    %get3A_22 = arith.constant 0 : index
    %get3A_23 = vector.load %arg7[%get3A_21, %get3A_22] : memref<1x128xf32, #tpu.memory_space<vmem>>, vector<1x128xf32>
    %broadcast_in_dim3A_24 = vector.shape_cast %get3A_23 : vector<1x128xf32> to vector<1x1x128xf32>
    %add3A = vector.broadcast %broadcast_in_dim3A_24 : vector<1x1x128xf32> to vector<512x8x128xf32>
    %add3A_25 = arith.addf %reshape3A_20, %add3A : vector<512x8x128xf32>
    %mul3A = arith.constant 5.000000e-01 : f32
    %mul3A_26 = vector.broadcast %mul3A : f32 to vector<512x8x128xf32>
    %mul3A_27 = arith.mulf %mul3A_26, %add3A_25 : vector<512x8x128xf32>
    %mul3A_28 = arith.constant 0.707106769 : f32
    %mul3A_29 = vector.broadcast %mul3A_28 : f32 to vector<512x8x128xf32>
    %mul3A_30 = arith.mulf %add3A_25, %mul3A_29 : vector<512x8x128xf32>
    %erf3A = math.erf %mul3A_30 : vector<512x8x128xf32>
    %add3A_31 = arith.constant 1.000000e+00 : f32
    %add3A_32 = vector.broadcast %add3A_31 : f32 to vector<512x8x128xf32>
    %add3A_33 = arith.addf %add3A_32, %erf3A : vector<512x8x128xf32>
    %mul3A_34 = arith.mulf %mul3A_27, %add3A_33 : vector<512x8x128xf32>
    %reshape3A_35 = vector.shape_cast %mul3A_34 : vector<512x8x128xf32> to vector<4096x128xf32>
    %get3A_36 = arith.constant 0 : index
    %get3A_37 = arith.constant 0 : index
    %get3A_38 = vector.load %arg8[%get3A_36, %get3A_37] : memref<128x128xf32, #tpu.memory_space<vmem>>, vector<128x128xf32>
    %dot_general3A_39 = arith.constant dense<0.000000e+00> : vector<4096x128xf32>
    %dot_general3A_40 = tpu.matmul %reshape3A_35, %get3A_38, %dot_general3A_39 {dimension_numbers = #tpu.dot_dimension_numbers<[1], [0], [0], [1], [0, 0, 1, 1], [], []>, transpose_lhs_hint = false} : vector<4096x128xf32>, vector<128x128xf32>, vector<4096x128xf32> -> vector<4096x128xf32>
    %reshape3A_41 = vector.shape_cast %dot_general3A_40 : vector<4096x128xf32> to vector<512x8x128xf32>
    %get3A_42 = arith.constant 0 : index
    %get3A_43 = arith.constant 0 : index
    %get3A_44 = vector.load %arg9[%get3A_42, %get3A_43] : memref<1x128xf32, #tpu.memory_space<vmem>>, vector<1x128xf32>
    %broadcast_in_dim3A_45 = vector.shape_cast %get3A_44 : vector<1x128xf32> to vector<1x1x128xf32>
    %add3A_46 = vector.broadcast %broadcast_in_dim3A_45 : vector<1x1x128xf32> to vector<512x8x128xf32>
    %add3A_47 = arith.addf %reshape3A_41, %add3A_46 : vector<512x8x128xf32>
    %get3A_48 = arith.constant 0 : index
    %get3A_49 = arith.constant 0 : index
    %get3A_50 = arith.constant 0 : index
    %get3A_51 = vector.load %arg5[%get3A_48, %get3A_49, %get3A_50] : memref<1x512x8xf32, #tpu.memory_space<vmem>>, vector<1x512x8xf32>
    %get3A_52 = vector.shape_cast %get3A_51 : vector<1x512x8xf32> to vector<512x8xf32>
    %add3A_53 = arith.constant 9.99999997E-7 : f32
    %add3A_54 = vector.broadcast %add3A_53 : f32 to vector<512x8xf32>
    %add3A_55 = arith.addf %get3A_52, %add3A_54 : vector<512x8xf32>
    %div3A = arith.constant 1.000000e+00 : f32
    %div3A_56 = vector.broadcast %div3A : f32 to vector<512x8xf32>
    %div3A_57 = arith.divf %div3A_56, %add3A_55 : vector<512x8xf32>
    %reduce_sum3A = arith.constant dense<0.000000e+00> : vector<512xf32>
    %reduce_sum3A_58 = vector.multi_reduction <add>, %div3A_57, %reduce_sum3A [1] : vector<512x8xf32> to vector<512xf32>
    %broadcast_in_dim3A_59 = vector.shape_cast %reduce_sum3A_58 : vector<512xf32> to vector<512x1xf32>
    %div3A_60 = vector.broadcast %broadcast_in_dim3A_59 : vector<512x1xf32> to vector<512x8xf32>
    %div3A_61 = arith.divf %div3A_57, %div3A_60 : vector<512x8xf32>
    %reshape3A_62 = vector.shape_cast %get3A_8 : vector<4096x128xf32> to vector<512x8x128xf32>
    %mul3A_63 = arith.mulf %add3A_47, %reshape3A_62 : vector<512x8x128xf32>
    %broadcast_in_dim3A_64 = vector.shape_cast %div3A_61 : vector<512x8xf32> to vector<512x8x1xf32>
    %mul3A_65 = vector.broadcast %broadcast_in_dim3A_64 : vector<512x8x1xf32> to vector<512x8x128xf32>
    %mul3A_66 = arith.mulf %mul3A_63, %mul3A_65 : vector<512x8x128xf32>
    %reduce_sum3A_67 = arith.constant dense<0.000000e+00> : vector<512x128xf32>
    %reduce_sum3A_68 = vector.multi_reduction <add>, %mul3A_66, %reduce_sum3A_67 [1] : vector<512x8x128xf32> to vector<512x128xf32>
    %reduce_sum3A_69 = arith.constant dense<0.000000e+00> : vector<512xf32>
    %reduce_sum3A_70 = vector.multi_reduction <add>, %reduce_sum3A_68, %reduce_sum3A_69 [1] : vector<512x128xf32> to vector<512xf32>
    %broadcast_in_dim3A_71 = vector.shape_cast %reduce_sum3A_70 : vector<512xf32> to vector<512x1xf32>
    %div3A_72 = arith.constant 1.280000e+02 : f32
    %div3A_73 = vector.broadcast %div3A_72 : f32 to vector<512x1xf32>
    %div3A_74 = arith.divf %broadcast_in_dim3A_71, %div3A_73 : vector<512x1xf32>
    %sub3A_75 = vector.broadcast %div3A_74 : vector<512x1xf32> to vector<512x128xf32>
    %sub3A_76 = arith.subf %reduce_sum3A_68, %sub3A_75 : vector<512x128xf32>
    %integer_pow3A = arith.mulf %sub3A_76, %sub3A_76 : vector<512x128xf32>
    %reduce_sum3A_77 = arith.constant dense<0.000000e+00> : vector<512xf32>
    %reduce_sum3A_78 = vector.multi_reduction <add>, %integer_pow3A, %reduce_sum3A_77 [1] : vector<512x128xf32> to vector<512xf32>
    %broadcast_in_dim3A_79 = vector.shape_cast %reduce_sum3A_78 : vector<512xf32> to vector<512x1xf32>
    %div3A_80 = arith.constant 1.280000e+02 : f32
    %div3A_81 = vector.broadcast %div3A_80 : f32 to vector<512x1xf32>
    %div3A_82 = arith.divf %broadcast_in_dim3A_79, %div3A_81 : vector<512x1xf32>
    %sub3A_83 = vector.broadcast %div3A_74 : vector<512x1xf32> to vector<512x128xf32>
    %sub3A_84 = arith.subf %reduce_sum3A_68, %sub3A_83 : vector<512x128xf32>
    %add3A_85 = arith.constant 9.99999974E-6 : f32
    %add3A_86 = vector.broadcast %add3A_85 : f32 to vector<512x1xf32>
    %add3A_87 = arith.addf %div3A_82, %add3A_86 : vector<512x1xf32>
    %sqrt3A = math.sqrt %add3A_87 : vector<512x1xf32>
    %div3A_88 = vector.broadcast %sqrt3A : vector<512x1xf32> to vector<512x128xf32>
    %div3A_89 = arith.divf %sub3A_84, %div3A_88 : vector<512x128xf32>
    %get3A_90 = arith.constant 0 : index
    %get3A_91 = arith.constant 0 : index
    %get3A_92 = vector.load %arg10[%get3A_90, %get3A_91] : memref<1x128xf32, #tpu.memory_space<vmem>>, vector<1x128xf32>
    %mul3A_93 = vector.broadcast %get3A_92 : vector<1x128xf32> to vector<512x128xf32>
    %mul3A_94 = arith.mulf %div3A_89, %mul3A_93 : vector<512x128xf32>
    %get3A_95 = arith.constant 0 : index
    %get3A_96 = arith.constant 0 : index
    %get3A_97 = vector.load %arg11[%get3A_95, %get3A_96] : memref<1x128xf32, #tpu.memory_space<vmem>>, vector<1x128xf32>
    %add3A_98 = vector.broadcast %get3A_97 : vector<1x128xf32> to vector<512x128xf32>
    %add3A_99 = arith.addf %mul3A_94, %add3A_98 : vector<512x128xf32>
    %swap3A = arith.constant 0 : index
    %swap3A_100 = arith.constant 0 : index
    %swap3A_101 = arith.constant 0 : index
    %swap3A_102 = vector.load %arg12[%swap3A, %swap3A_100, %swap3A_101] : memref<1x512x128xf32, #tpu.memory_space<vmem>>, vector<1x512x128xf32>
    %swap3A_103 = vector.shape_cast %swap3A_102 : vector<1x512x128xf32> to vector<512x128xf32>
    %swap3A_104 = vector.shape_cast %add3A_99 : vector<512x128xf32> to vector<1x512x128xf32>
    tpu.vector_store %arg12[%swap3A, %swap3A_100, %swap3A_101], %swap3A_104 {strides = array<i32>} : memref<1x512x128xf32, #tpu.memory_space<vmem>>, vector<1x512x128xf32>,
    return
  }
  func.func @transform_0(%arg0: i32, %arg1: i32) -> (i32, i32, i32) {
    %c0_i32 = arith.constant 0 : i32
    %c0_i32_0 = arith.constant 0 : i32
    return %arg0, %arg1, %c0_i32 : i32, i32, i32
  }
  func.func @transform_1(%arg0: i32, %arg1: i32) -> (i32, i32, i32) {
    %c0_i32 = arith.constant 0 : i32
    %c0_i32_0 = arith.constant 0 : i32
    return %arg0, %arg1, %c0_i32 : i32, i32, i32
  }
  func.func @transform_2(%arg0: i32, %arg1: i32) -> (i32, i32, i32) {
    %c0_i32 = arith.constant 0 : i32
    %c0_i32_0 = arith.constant 0 : i32
    return %arg0, %arg1, %c0_i32 : i32, i32, i32
  }
  func.func @transform_3(%arg0: i32, %arg1: i32) -> (i32, i32, i32) {
    %c0_i32 = arith.constant 0 : i32
    %c0_i32_0 = arith.constant 0 : i32
    return %arg0, %arg1, %c0_i32 : i32, i32, i32
  }
  func.func @transform_4(%arg0: i32, %arg1: i32) -> (i32, i32) {
    %c0_i32 = arith.constant 0 : i32
    %c0_i32_0 = arith.constant 0 : i32
    %c0_i32_1 = arith.constant 0 : i32
    return %c0_i32, %c0_i32_0 : i32, i32
  }
  func.func @transform_5(%arg0: i32, %arg1: i32) -> (i32, i32) {
    %c0_i32 = arith.constant 0 : i32
    %c0_i32_0 = arith.constant 0 : i32
    %c0_i32_1 = arith.constant 0 : i32
    return %c0_i32, %c0_i32_0 : i32, i32
  }
  func.func @transform_6(%arg0: i32, %arg1: i32) -> (i32, i32) {
    %c0_i32 = arith.constant 0 : i32
    %c0_i32_0 = arith.constant 0 : i32
    %c0_i32_1 = arith.constant 0 : i32
    return %c0_i32, %c0_i32_0 : i32, i32
  }
  func.func @transform_7(%arg0: i32, %arg1: i32) -> (i32, i32) {
    %c0_i32 = arith.constant 0 : i32
    %c0_i32_0 = arith.constant 0 : i32
    %c0_i32_1 = arith.constant 0 : i32
    return %c0_i32, %c0_i32_0 : i32, i32
  }
  func.func @transform_8(%arg0: i32, %arg1: i32) -> (i32, i32) {
    %c0_i32 = arith.constant 0 : i32
    %c0_i32_0 = arith.constant 0 : i32
    %c0_i32_1 = arith.constant 0 : i32
    return %c0_i32, %c0_i32_0 : i32, i32
  }
  func.func @transform_9(%arg0: i32, %arg1: i32) -> (i32, i32) {
    %c0_i32 = arith.constant 0 : i32
    %c0_i32_0 = arith.constant 0 : i32
    %c0_i32_1 = arith.constant 0 : i32
    return %c0_i32, %c0_i32_0 : i32, i32
  }
  func.func @transform_10(%arg0: i32, %arg1: i32) -> (i32, i32, i32) {
    %c0_i32 = arith.constant 0 : i32
    %c0_i32_0 = arith.constant 0 : i32
    return %arg0, %arg1, %c0_i32 : i32, i32, i32
  }
}

</mosaic_0001>

<sc_bundles>
// kernel: kernel.11.cloned.1.call-start
scs
__scs_entry_jumppad:
0x0: {  	(pc) =	sbr.rel $0x88, $3  }
0x1: {  	(tag) =	ssettag $0x0;
	lr =	simm.s32 $0x1  }
0x2: {  	[smem:$0x3F98] =	sst lr;
	_ =	strace $0xD0000000  }
0x3: {  	_ = 	snop  }
0x4: {  	_ = 	snop  }
0x5: {  	_ = 	snop  }
0x6: {  	_ = 	snop  }
0x7: {  	_ = 	snop  }
__scs_overlays_trampoline_lowered:
0x8: {  	[smem:$0x3FA7] =	sst s0  }
0x9: {  	[smem:$0x3FA8] =	sst s1  }
0xa: {  	[smem:$0x3FA9] =	sst s2  }
0xb: {  	[smem:$0x3FAA] =	sst s3  }
0xc: {  	[smem:$0x3FAB] =	sst s4  }
0xd: {  	[smem:$0x3FAC] =	sst s5  }
0xe: {  	[smem:$0x3FAD] =	sst s6  }
0xf: {  	[smem:$0x3FAE] =	sst s7  }
0x10: {  	[smem:$0x3FAF] =	sst s8  }
0x11: {  	[smem:$0x3FB0] =	sst s9;
	s0 =	simm.s32 @!p0 $0x0  }
0x12: {  	s1 =	sld [smem:$0x3F96];
	s0 =	simm.s32 @p0 $0x1  }
0x13: {  	[smem:$0x3FB1] =	sst s0;
	s0 =	simm.s32 @!p1 $0x0  }
0x14: {  	s2 =	sld [smem:$0x3F95];
	s0 =	simm.s32 @p1 $0x1  }
0x15: {  	[smem:$0x3FB2] =	sst s0;
	s0 =	simm.s32 @!p2 $0x0  }
0x16: {  	s3 =	sld [smem:$0x3FDB];
	s0 =	simm.s32 @p2 $0x1  }
0x17: {  	s4 =	simm.s32 $0x1BF5;
	[smem:$0x3FB4] =	sst s0  }
0x18: {  	s0 =	sld [smem:$0x3F97];
	_ =	swait.ge [sflag:s4], $0x0  }
0x19: {  	s7 =	sld [smem:$0x3F98]  }
0x1a: {  	s8 =	sadd.s32 $0xFFFFE003, lr  }
0x1b: {  	s9 =	sadd.s32 $0xFFFFFEF7, lr;
	s5 =	simm.s32 $0xFFFFFFFF;
	p2 =	slt.u32 s8, $0xFFFFF086  }
0x1c: {  	p1 =	slt.u32 s9, $0xF7A;
	s5 =	simm.s32 @!p2 $0x0  }
0x1d: {  	s5 =	simm.s32 @p1 $0x1;
	p0 =	seq.s32 s7, s2  }
0x1e: {  	s7 =	smul.u32 @!p0 $0xF7A, s2;
	p2 =	seq.s32 @!p0 s5, $0x0  }
0x1f: {  	s9 =	smul.u32 $0xF7A, s1;
	s8 =	simm.s32 @!p0 $0x1BF5;
	p2 =	por !p2, p0  }
0x20: {  	[sflag:s8] =	ssyncset.s32 @!p0 $0xFFFFF086;
	s6 =	sadd.s32 @!p0 s3, s7;
	s7 =	simm.s32 @!p0 $0x108  }
0x21: {  	s3 =	sadd.s32 s3, s9;
	s6 =	sadd.s32 @!p0 $0x88, s6;
	s7 =	simm.s32 @p2 $0x1082  }
0x22: {  	[simem:s7], [sflag:s8] =	dma.local @!p0 [hbm:s6], $0xF7A  }
0x23: {  	s9 =	sor.u32 $0xD0000000, s2;
	s6 =	simm.s32 $0x108;
	_ =	swait.ge @!p0 [sflag:s8], $0x0  }
0x24: {  	s3 =	sadd.s32 $0x88, s3;
	s6 =	simm.s32 @!p1 $0x1082;
	[sflag:s4] =	ssyncset.s32 $0xFFFFF086  }
0x25: {  	[simem:s6], [sflag:s4] =	dma.local [hbm:s3], $0xF7A  }
0x26: {  	[smem:$0x3F98] =	sst s1;
	(tag) =	ssettag s2;
	_ =	strace s9  }
0x27: {  	s1 =	sld [smem:$0x3FA8]  }
0x28: {  	s2 =	sld [smem:$0x3FA9]  }
0x29: {  	s4 =	sld [smem:$0x3FAB]  }
0x2a: {  	p0 =	seq.s32 s5, $0x0;
	s5 =	sld [smem:$0x3FAC]  }
0x2b: {  	s6 =	sld [smem:$0x3FAD]  }
0x2c: {  	s7 =	sld [smem:$0x3FAE]  }
0x2d: {  	s3 =	simm.s32 $0x108;
	s8 =	sld [smem:$0x3FAF]  }
0x2e: {  	s3 =	simm.s32 @!p0 $0x1082;
	s9 =	sld [smem:$0x3FB0]  }
0x2f: {  	lr =	sadd.s32 s0, s3;
	s0 =	sld [smem:$0x3FA7]  }
0x30: {  	s3 =	sld [smem:$0x3FAA]  }
0x31: {  	[smem:$0x3FB3] =	sst s10  }
0x32: {  	s10 =	sld [smem:$0x3FB1];
	_ =	sdelay $0x3  }
0x33: {  	p0 =	seq.s32 s10, $0x1;
	s10 =	sld [smem:$0x3FB3];
	_ =	sdelay $0x3  }
0x34: {  	[smem:$0x3FB3] =	sst s10  }
0x35: {  	s10 =	sld [smem:$0x3FB2];
	_ =	sdelay $0x3  }
0x36: {  	p1 =	seq.s32 s10, $0x1;
	s10 =	sld [smem:$0x3FB3];
	_ =	sdelay $0x3  }
0x37: {  	[smem:$0x3FB3] =	sst s10  }
0x38: {  	s10 =	sld [smem:$0x3FB4]  }
0x39: {  	_ = 	snop;
	(pc) =	sbr.ind lr, $3  }
0x3a: {  	_ = 	snop  }
0x3b: {  	_ = 	snop  }
0x3c: {  	p2 =	seq.s32 s10, $0x1;
	s10 =	sld [smem:$0x3FB3]  }
0x3d: {  	_ =	shalt  }
0x3e: {  	_ =	shalt  }
0x3f: {  	_ =	shalt  }
0x40: {  	_ =	shalt  }
0x41: {  	_ =	shalt  }
0x42: {  	_ =	shalt  }
0x43: {  	_ =	shalt  }
0x44: {  	_ =	shalt  }
0x45: {  	_ =	shalt  }
0x46: {  	_ =	shalt  }
0x47: {  	_ =	shalt  }
0x48: {  	_ =	shalt  }
0x49: {  	_ =	shalt  }
0x4a: {  	_ =	shalt  }
0x4b: {  	_ =	shalt  }
0x4c: {  	_ =	shalt  }
0x4d: {  	_ =	shalt  }
0x4e: {  	_ =	shalt  }
0x4f: {  	_ =	shalt  }
0x50: {  	_ =	shalt  }
0x51: {  	_ =	shalt  }
0x52: {  	_ =	shalt  }
0x53: {  	_ =	shalt  }
0x54: {  	_ =	shalt  }
0x55: {  	_ =	shalt  }
0x56: {  	_ =	shalt  }
0x57: {  	_ =	shalt  }
0x58: {  	_ =	shalt  }
0x59: {  	_ =	shalt  }
0x5a: {  	_ =	shalt  }
0x5b: {  	_ =	shalt  }
0x5c: {  	_ =	shalt  }
0x5d: {  	_ =	shalt  }
0x5e: {  	_ =	shalt  }
0x5f: {  	_ =	shalt  }
0x60: {  	_ =	shalt  }
0x61: {  	_ =	shalt  }
0x62: {  	_ =	shalt  }
0x63: {  	_ =	shalt  }
0x64: {  	_ =	shalt  }
0x65: {  	_ =	shalt  }
0x66: {  	_ =	shalt  }
0x67: {  	_ =	shalt  }
0x68: {  	_ =	shalt  }
0x69: {  	_ =	shalt  }
0x6a: {  	_ =	shalt  }
0x6b: {  	_ =	shalt  }
0x6c: {  	_ =	shalt  }
0x6d: {  	_ =	shalt  }
0x6e: {  	_ =	shalt  }
0x6f: {  	_ =	shalt  }
0x70: {  	_ =	shalt  }
0x71: {  	_ =	shalt  }
0x72: {  	_ =	shalt  }
0x73: {  	_ =	shalt  }
0x74: {  	_ =	shalt  }
0x75: {  	_ =	shalt  }
0x76: {  	_ =	shalt  }
0x77: {  	_ =	shalt  }
0x78: {  	_ =	shalt  }
0x79: {  	_ =	shalt  }
0x7a: {  	_ =	shalt  }
0x7b: {  	_ =	shalt  }
0x7c: {  	_ =	shalt  }
0x7d: {  	_ =	shalt  }
0x7e: {  	_ =	shalt  }
0x7f: {  	_ =	shalt  }
0x80: {  	_ =	shalt  }
0x81: {  	_ =	shalt  }
0x82: {  	_ =	shalt  }
0x83: {  	_ =	shalt  }
0x84: {  	_ =	shalt  }
0x85: {  	_ =	shalt  }
0x86: {  	_ =	shalt  }
0x87: {  	_ =	shalt  }
.Lfunc_end0:
.L_simem_size_0:
called_computation.1_lowered:
.L_overlay_start_0:
0x88: {  	s2 =	sld [smem:$0x3FD9]  }
0x89: {  	s3 =	sld [smem:$0x3FFE];
	_ =	sdelay $0x1  }
0x8a: {  	s1 =	srdreg.scid  }
0x8b: {  	s0 =	sand.u32 $0x1, s1  }
0x8c: {  	s17 =	sshll.u32 s0, $0xA;
	s2 =	sadd.s32 s3, s2  }
0x8d: {  	s2 =	sadd.s32 s2, s17  }
0x8e: {  	[smem:$0x3FBF] =	sst s2  }
0x8f: {  	_ = 	snop  }
0x90: {  	s18 =	sld [smem:$0x3FC7]  }
0x91: {  	s4 =	sld [smem:$0x3FD0];
	(tm) =	ssettm $0x1  }
0x92: {  	s19 =	sld [smem:$0x3FFB];
	_ =	sdelay $0x3  }
0x93: {  	_ =	strace s19  }
0x94: {  	s2 =	sld [smem:$0x3FFC];
	_ =	sdelay $0x3  }
0x95: {  	_ =	strace s2  }
0x96: {  	s2 =	sld [smem:$0x3FFD];
	_ =	sdelay $0x3  }
0x97: {  	_ =	strace s2  }
0x98: {  	_ =	strace $0x8FFFFFFF  }
0x99: {  	s20 =	sld [smem:$0x3FDB];
	_ =	sdelay $0x1  }
0x9a: {  	s5 =	simm.s32 $_scs_section_size  }
0x9b: {  	s6 =	simm.s32 $_size__tile_overlayer_lowered;
	s7 =	simm.s32 $_tile_overlayer_lowered  }
0x9c: {  	s8 =	simm.s32 $0x1BFF;
	s21 =	sshll.u32 s7, $0x1;
	s5 =	sadd.s32 s5, s20  }
0x9d: {  	s22 =	simm.s32 $0x0;
	s6 =	sshll.u32 s6, $0x1;
	s7 =	sadd.s32 s21, s5  }
0x9e: {  	[timem:s22], [sflag:s8] =	dma.local [hbm:s7], s6  }
0x9f: {  	_ =	swait.ge [sflag:s8], s6  }
0xa0: {  	s6 =	ssub.s32 $0x0, s6;
	[sflag:s8] =	ssyncset.done $0x0  }
0xa1: {  	[sflag:s8] =	ssyncadd.s32 s6;
	_ =	sdelay $0x1  }
0xa2: {  	s23 =	simm.s32 $0x1B8B  }
0xa3: {  	_ =	swait.ge [sflag:s23], $0x1  }
0xa4: {  	[sflag:s23] =	ssyncset.done $0x0  }
0xa5: {  	[sflag:s23] =	ssyncadd.s32 $0xFFFFFFFF  }
0xa6: {  	s6 =	sld [smem:$0x0]  }
0xa7: {  	s7 =	sand.u32 $0xFFFFFFFE, s1  }
0xa8: {  	p0 =	sne.s32 s1, s7  }
0xa9: {  	s7 =	sshll.u32 @p0 s7, $0xE  }
0xaa: {  	s7 =	sadd.s32 @p0 $0x11B8D, s7;
	s8 =	sshll.u32 @p0 s6, $0x11  }
0xab: {  	s7 =	sor.u32 @p0 s8, s7  }
0xac: {  	[sflag:s7] =	ssyncadd.remote.s32 @p0 $0x1;
	_ =	sdelay $0x1  }
0xad: {  	s7 =	simm.s32 @p0 $0x1B8D  }
0xae: {  	_ =	swait.eq @p0 [sflag:s7], $0x1  }
0xaf: {  	[sflag:s7] =	ssyncadd.s32 @p0 $0xFFFFFFFF  }
0xb0: {  	s8 =	sshll.u32 @!p0 s1, $0xE  }
0xb1: {  	s8 =	sor.u32 @!p0 $0x4000, s8;
	s7 =	simm.s32 @!p0 $0x1B8D  }
0xb2: {  	s6 =	sshll.u32 @!p0 s6, $0x11;
	s8 =	sadd.s32 @!p0 $0x11B8D, s8;
	_ =	swait.eq @!p0 [sflag:s7], $0x1  }
0xb3: {  	s6 =	sor.u32 @!p0 s6, s8;
	[sflag:s7] =	ssyncadd.s32 @!p0 $0xFFFFFFFF  }
0xb4: {  	s25 =	simm.s32 $0x1B8E;
	s24 =	sld [smem:$0x3FFE];
	[sflag:s6] =	ssyncadd.remote.s32 @!p0 $0x1  }
0xb5: {  	s26 =	simm.s32 $execute0_lowered;
	[smem:$0x3FD2] =	sst s25  }
0xb6: {  	s7 =	sshll.u32 s26, $0x1;
	_ =	strace $0x80000049;
	[dreg:$0x1] =	wrdreg $0xFFFFFFFF  }
0xb7: {  	s28 =	simm.s32 $_size_execute0_lowered;
	s5 =	sadd.s32 s5, s7;
	[dreg:$0x0] =	wrdreg $0x0  }
0xb8: {  	s7 =	sshll.u32 s28, $0x1;
	[dreg:$0x2] =	wrdreg s5  }
0xb9: {  	[dreg:$0x3] =	wrdreg s7  }
0xba: {  	[dreg:$0x4] =	wrdreg $0xC0  }
0xbb: {  	_ =	task [dreg:s22], $0x5FFFF  }
0xbc: {  	[dreg:$0x1] =	wrdreg $0xFFFFFFFF  }
0xbd: {  	[dreg:$0x0] =	wrdreg $0x60  }
0xbe: {  	[dreg:$0x2] =	wrdreg s18  }
0xbf: {  	[dreg:$0x3] =	wrdreg s4  }
0xc0: {  	[dreg:$0x4] =	wrdreg s24  }
0xc1: {  	[dreg:$0x5] =	wrdreg $0xA  }
0xc2: {  	_ =	task.clear_ibuf [dreg:s22], $0x6FFFF;
	_ =	strace $0x90000049  }
0xc3: {  	s29 =	simm.s32 $0xA;
	_ =	strace $0x8000004B  }
0xc4: {  	_ =	swait.ge [sflag:s29], $0x1  }
0xc5: {  	[sflag:s29] =	ssyncadd.s32 $0xFFFFFFFF  }
0xc6: {  	_ =	strace $0x9000004B  }
0xc7: {  	_ =	sfence  }
0xc8: {  	s30 =	sld [smem:$0x0];
	_ =	sdelay $0x2  }
0xc9: {  	s31 =	sshll.u32 s1, $0xD;
	s1 =	sshrl.u32 s1, $0x2  }
0xca: {  	s4 =	sand.u32 $0x4000, s31;
	s1 =	sadd.s32 s1, s30  }
0xcb: {  	s0 =	sor.u32 s4, s0;
	s1 =	sshll.u32 s1, $0x11  }
0xcc: {  	s0 =	sor.u32 s1, s0  }
0xcd: {  	s0 =	sadd.s32 $0x8F2B, s0  }
0xce: {  	[sflag:s0] =	ssyncadd.remote.s32 $0x1  }
0xcf: {  	_ =	sfence.sel $0xFFFF  }
0xd0: {  	[dreg:$0x0] =	wrdreg $0xFFFFFFFF;
	(pc) =	sbr.abs _section_cstart, $3  }
0xd1: {  	[dreg:$0x1] =	wrdreg $0xFFFFFFFF  }
0xd2: {  	_ =	task.clear_ibuf [dreg:s22], $0x2FFFF;
	_ =	strace $0x9FFFFFFF  }
0xd3: {  	(tm) =	ssettm $0x7FFFFFFF  }
tec
execute0_lowered:
.L_overlay_start_1:
0x0: {  	(tag) =	ssettag $0x1  }
0x1: {  	s3 =	rddreg [dreg:$0x0]  }
0x2: {  	s4 =	rddreg [dreg:$0x1]  }
0x3: {  	s1 =	rddreg [dreg:$0x2];
	s2 =	simm.s32 $0x0  }
0x4: {  	s0 =	srdreg.scid;
	s6 =	stileid.u32;
	p0 =	por $0x0, $0x0  }
0x5: {  	[smem:$0x7FF] =	sst s2;
	s5 =	sand.u32 $0x1, s0;
	s7 =	sadd.s32 $0x103000, s1  }
0x6: {  	s8 =	sshll.u32 s6, $0xB;
	s0 =	sadd.s32 $0x104000, s1;
	s9 =	sshll.u32 s5, $0xA  }
0x7: {  	s6 =	sadd.s32 $0x184000, s1;
	s5 =	ssub.s32 $0x2, s5;
	s1 =	sor.u32 s9, s8  }
0x8: {  	_ =	strace $0x8000004A;
	s10 =	sshrl.u32 s5, $0x1;
	s8 =	sshrl.u32 s1, $0x3  }
0x9: {  	s9 =	sor.u32 $0x80, s1;
	s26 =	sshll.u32 s1, $0x4;
	s12 =	sor.u32 $0x100, s1  }
0xa: {  	s18 =	sor.u32 $0x180, s1;
	s24 =	sor.u32 $0x200, s1;
	s10 =	ssub.s32 s5, s10  }
0xb: {  	s8 =	sadd.s32 s7, s8;
	s11 =	sshrl.u32 s9, $0x3;
	s13 =	sadd.s32 s0, s26  }
0xc: {  	s14 =	sadd.s32 s6, s26;
	s15 =	sshrl.u32 s12, $0x3;
	[dreg:$0x4] =	wrdreg s8  }
0xd: {  	s9 =	sshll.u32 s9, $0x4;
	s20 =	sshrl.u32 s18, $0x3;
	[dreg:$0x6] =	wrdreg s13  }
0xe: {  	s22 =	sshll.u32 s12, $0x4;
	s25 =	sadd.s32 s7, s11;
	[dreg:$0x7] =	wrdreg s14  }
0xf: {  	s26 =	sshrl.u32 s24, $0x3;
	s16 =	sadd.s32 s7, s15;
	[dreg:$0x5] =	wrdreg s25  }
0x10: {  	s12 =	simm.s32 $0x7;
	s17 =	sadd.s32 s0, s9;
	[dreg:$0x8] =	wrdreg s16  }
0x11: {  	s19 =	sadd.s32 s6, s9;
	s21 =	sadd.s32 s7, s20;
	[dreg:$0x9] =	wrdreg s17  }
0x12: {  	s23 =	sadd.s32 s0, s22;
	s9 =	sadd.s32 s7, s26;
	[dreg:$0xa] =	wrdreg s19  }
0x13: {  	s13 =	sshll.u32 s18, $0x4;
	s15 =	sor.u32 $0x280, s1;
	[dreg:$0xb] =	wrdreg s21  }
0x14: {  	s18 =	sor.u32 $0x300, s1;
	s1 =	sor.u32 $0x380, s1;
	[dreg:$0xc] =	wrdreg s23  }
0x15: {  	s11 =	simm.s32 $0xC100;
	s25 =	sadd.s32 s6, s22;
	[dreg:$0xe] =	wrdreg s9  }
0x16: {  	s14 =	sadd.s32 s0, s13;
	s16 =	sshrl.u32 s15, $0x3;
	s31 =	sadd.s32 s6, s13  }
0x17: {  	s17 =	sshll.u32 s24, $0x4;
	s19 =	sshrl.u32 s18, $0x3;
	s20 =	sshll.u32 s15, $0x4  }
0x18: {  	s22 =	sshrl.u32 s1, $0x3;
	s5 =	sshll.u32 s18, $0x4;
	s1 =	sshll.u32 s1, $0x4  }
0x19: {  	s23 =	smax.u32 s10, $0x1;
	s15 =	simm.s32 $0x100;
	s10 =	simm.s32 $0x4100  }
0x1a: {  	s18 =	simm.s32 $0x4;
	s13 =	simm.s32 $0x6;
	[dreg:$0xd] =	wrdreg s25  }
0x1b: {  	s9 =	simm.s32 $0x8;
	[dreg:$0xf] =	wrdreg s14;
	s30 =	sadd.s32 s7, s16  }
0x1c: {  	s28 =	sadd.s32 s0, s17;
	s29 =	sadd.s32 s6, s17;
	s26 =	sadd.s32 s7, s19  }
0x1d: {  	s21 =	sadd.s32 s0, s20;
	s24 =	sadd.s32 s6, s20;
	p1 =	sne.s32 s23, $0x1  }
.Ltmp0:
0x1e: {  	s17 =	sadd.s32 s7, s22;
	s7 =	sadd.s32 s0, s5;
	(pc) =	sbr.rel @!p1 .LBB2_3-.Ltmp0, $4  }
0x1f: {  	s8 =	sadd.s32 s6, s5;
	s5 =	sadd.s32 s0, s1;
	s6 =	sadd.s32 s6, s1  }
0x20: {  	s22 =	simm.s32 $0x9;
	s19 =	simm.s32 $0x80;
	s16 =	simm.s32 $0x8100  }
0x21: {  	s25 =	simm.s32 $0x1;
	s20 =	simm.s32 $0x3;
	s0 =	sadd.s32 $0xFFFFFFFF, s23  }
0x22: {  	s14 =	simm.s32 $0x5;
	s23 =	simm.s32 $0x2;
	s1 =	rddreg [dreg:$0x4]  }
0x23: {  	[tilespmem:s2], [sflag:$0x9] =	stream.linear.gather [hbm4b:s1+s2], $0x80, $0x38;
	[tilespmem:$0x10100] =	vst v63  }
0x24: {  	_ =	swait.ge [sflag:s22], $0x80  }
0x25: {  	[sflag:s22] =	ssyncset.done $0x0  }
0x26: {  	[sflag:s22] =	ssyncadd.s32 $0xFFFFFF80  }
0x27: {  	[tilespmem:s15], [sflag:$0x1] =	stream.indirect.gather [hbm4b:s3+s19], $0x80, s2, s19, $0xb8;
	[tilespmem:$0x10100] =	vst v63  }
0x28: {  	_ = 	snop  }
0x29: {  	[tilespmem:s16], [sflag:$0x3] =	stream.indirect.gather [hbm4b:s4+s19], $0x80, s2, s19, $0xb8;
	[tilespmem:$0x10100] =	vst v63  }
0x2a: {  	s1 =	rddreg [dreg:$0x5]  }
0x2b: {  	[tilespmem:s19], [sflag:$0x9] =	stream.linear.gather [hbm4b:s1+s2], $0x80, $0x38;
	[tilespmem:$0x10100] =	vst v63  }
0x2c: {  	_ =	swait.ge [sflag:s22], $0x80  }
0x2d: {  	[sflag:s22] =	ssyncset.done $0x0  }
0x2e: {  	[sflag:s22] =	ssyncadd.s32 $0xFFFFFF80  }
0x2f: {  	[tilespmem:s10], [sflag:$0x2] =	stream.indirect.gather [hbm4b:s3+s19], $0x80, s19, s19, $0xb8;
	[tilespmem:$0x10100] =	vst v63  }
0x30: {  	_ = 	snop  }
0x31: {  	[tilespmem:s11], [sflag:$0x4] =	stream.indirect.gather [hbm4b:s4+s19], $0x80, s19, s19, $0xb8;
	[tilespmem:$0x10100] =	vst v63  }
0x32: {  	_ =	swait.ge [sflag:s25], $0x4000  }
0x33: {  	[sflag:s25] =	ssyncset.done $0x0  }
0x34: {  	[sflag:s25] =	ssyncadd.s32 $0xFFFFC000  }
0x35: {  	_ =	swait.ge [sflag:s20], $0x4000  }
0x36: {  	[dreg:$0x10] =	wrdreg s0;
	[sflag:s20] =	ssyncset.done $0x0  }
0x37: {  	s1 =	rddreg [dreg:$0x6];
	[sflag:s20] =	ssyncadd.s32 $0xFFFFC000  }
0x38: {  	[hbm4b:s1+s2] =	stream.linear.scatter [tilespmem:s15], [sflag:$0x5], $0x4000, $0x38;
	[tilespmem:$0x10100] =	vst v63  }
0x39: {  	s0 =	rddreg [dreg:$0x7]  }
0x3a: {  	[hbm4b:s0+s2] =	stream.linear.scatter [tilespmem:s16], [sflag:$0x7], $0x4000, $0x38;
	[tilespmem:$0x10100] =	vst v63  }
0x3b: {  	_ =	swait.ge [sflag:s14], $0x4000  }
0x3c: {  	[sflag:s14] =	ssyncset.done $0x0  }
0x3d: {  	[sflag:s14] =	ssyncadd.s32 $0xFFFFC000  }
0x3e: {  	_ =	swait.ge [sflag:s12], $0x4000  }
0x3f: {  	[sflag:s12] =	ssyncset.done $0x0  }
0x40: {  	s1 =	rddreg [dreg:$0x8];
	[sflag:s12] =	ssyncadd.s32 $0xFFFFC000  }
0x41: {  	[tilespmem:s2], [sflag:$0x9] =	stream.linear.gather [hbm4b:s1+s2], $0x80, $0x38;
	[tilespmem:$0x10100] =	vst v63  }
0x42: {  	_ =	swait.ge [sflag:s22], $0x80  }
0x43: {  	[sflag:s22] =	ssyncset.done $0x0  }
0x44: {  	[sflag:s22] =	ssyncadd.s32 $0xFFFFFF80  }
0x45: {  	[tilespmem:s15], [sflag:$0x1] =	stream.indirect.gather [hbm4b:s3+s19], $0x80, s2, s19, $0xb8;
	[tilespmem:$0x10100] =	vst v63  }
0x46: {  	_ = 	snop  }
0x47: {  	[tilespmem:s16], [sflag:$0x3] =	stream.indirect.gather [hbm4b:s4+s19], $0x80, s2, s19, $0xb8;
	[tilespmem:$0x10100] =	vst v63  }
0x48: {  	_ =	swait.ge [sflag:s23], $0x4000  }
0x49: {  	[sflag:s23] =	ssyncset.done $0x0  }
0x4a: {  	[sflag:s23] =	ssyncadd.s32 $0xFFFFC000  }
0x4b: {  	_ =	swait.ge [sflag:s18], $0x4000  }
0x4c: {  	[sflag:s18] =	ssyncset.done $0x0  }
0x4d: {  	s0 =	rddreg [dreg:$0x9];
	[sflag:s18] =	ssyncadd.s32 $0xFFFFC000  }
0x4e: {  	[hbm4b:s0+s2] =	stream.linear.scatter [tilespmem:s10], [sflag:$0x6], $0x4000, $0x38;
	[tilespmem:$0x10100] =	vst v63  }
0x4f: {  	s1 =	rddreg [dreg:$0xa]  }
0x50: {  	[hbm4b:s1+s2] =	stream.linear.scatter [tilespmem:s11], [sflag:$0x8], $0x4000, $0x38;
	[tilespmem:$0x10100] =	vst v63  }
0x51: {  	_ =	swait.ge [sflag:s13], $0x4000  }
0x52: {  	[sflag:s13] =	ssyncset.done $0x0  }
0x53: {  	[sflag:s13] =	ssyncadd.s32 $0xFFFFC000  }
0x54: {  	_ =	swait.ge [sflag:s9], $0x4000  }
0x55: {  	[sflag:s9] =	ssyncset.done $0x0  }
0x56: {  	s1 =	rddreg [dreg:$0xb];
	[sflag:s9] =	ssyncadd.s32 $0xFFFFC000  }
0x57: {  	[tilespmem:s19], [sflag:$0x9] =	stream.linear.gather [hbm4b:s1+s2], $0x80, $0x38;
	[tilespmem:$0x10100] =	vst v63  }
0x58: {  	_ =	swait.ge [sflag:s22], $0x80  }
0x59: {  	[sflag:s22] =	ssyncset.done $0x0  }
0x5a: {  	[sflag:s22] =	ssyncadd.s32 $0xFFFFFF80  }
0x5b: {  	[tilespmem:s10], [sflag:$0x2] =	stream.indirect.gather [hbm4b:s3+s19], $0x80, s19, s19, $0xb8;
	[tilespmem:$0x10100] =	vst v63  }
0x5c: {  	_ = 	snop  }
0x5d: {  	[tilespmem:s11], [sflag:$0x4] =	stream.indirect.gather [hbm4b:s4+s19], $0x80, s19, s19, $0xb8;
	[tilespmem:$0x10100] =	vst v63  }
0x5e: {  	_ =	swait.ge [sflag:s25], $0x4000  }
0x5f: {  	[sflag:s25] =	ssyncset.done $0x0  }
0x60: {  	[sflag:s25] =	ssyncadd.s32 $0xFFFFC000  }
0x61: {  	_ =	swait.ge [sflag:s20], $0x4000  }
0x62: {  	[sflag:s20] =	ssyncset.done $0x0  }
0x63: {  	s0 =	rddreg [dreg:$0xc];
	[sflag:s20] =	ssyncadd.s32 $0xFFFFC000  }
0x64: {  	[hbm4b:s0+s2] =	stream.linear.scatter [tilespmem:s15], [sflag:$0x5], $0x4000, $0x38;
	[tilespmem:$0x10100] =	vst v63  }
0x65: {  	s1 =	rddreg [dreg:$0xd]  }
0x66: {  	[hbm4b:s1+s2] =	stream.linear.scatter [tilespmem:s16], [sflag:$0x7], $0x4000, $0x38;
	[tilespmem:$0x10100] =	vst v63  }
0x67: {  	_ =	swait.ge [sflag:s14], $0x4000  }
0x68: {  	[sflag:s14] =	ssyncset.done $0x0  }
0x69: {  	[sflag:s14] =	ssyncadd.s32 $0xFFFFC000  }
0x6a: {  	_ =	swait.ge [sflag:s12], $0x4000  }
0x6b: {  	[sflag:s12] =	ssyncset.done $0x0  }
0x6c: {  	s1 =	rddreg [dreg:$0xe];
	[sflag:s12] =	ssyncadd.s32 $0xFFFFC000  }
0x6d: {  	[tilespmem:s2], [sflag:$0x9] =	stream.linear.gather [hbm4b:s1+s2], $0x80, $0x38;
	[tilespmem:$0x10100] =	vst v63  }
0x6e: {  	_ =	swait.ge [sflag:s22], $0x80  }
0x6f: {  	[sflag:s22] =	ssyncset.done $0x0  }
0x70: {  	[sflag:s22] =	ssyncadd.s32 $0xFFFFFF80  }
0x71: {  	[tilespmem:s15], [sflag:$0x1] =	stream.indirect.gather [hbm4b:s3+s19], $0x80, s2, s19, $0xb8;
	[tilespmem:$0x10100] =	vst v63  }
0x72: {  	_ = 	snop  }
0x73: {  	[tilespmem:s16], [sflag:$0x3] =	stream.indirect.gather [hbm4b:s4+s19], $0x80, s2, s19, $0xb8;
	[tilespmem:$0x10100] =	vst v63  }
0x74: {  	_ =	swait.ge [sflag:s23], $0x4000  }
0x75: {  	[sflag:s23] =	ssyncset.done $0x0  }
0x76: {  	[sflag:s23] =	ssyncadd.s32 $0xFFFFC000  }
0x77: {  	_ =	swait.ge [sflag:s18], $0x4000  }
0x78: {  	[sflag:s18] =	ssyncset.done $0x0  }
0x79: {  	s1 =	rddreg [dreg:$0xf];
	[sflag:s18] =	ssyncadd.s32 $0xFFFFC000  }
0x7a: {  	[hbm4b:s1+s2] =	stream.linear.scatter [tilespmem:s10], [sflag:$0x6], $0x4000, $0x38;
	[tilespmem:$0x10100] =	vst v63  }
0x7b: {  	_ = 	snop  }
0x7c: {  	[hbm4b:s31+s2] =	stream.linear.scatter [tilespmem:s11], [sflag:$0x8], $0x4000, $0x38;
	[tilespmem:$0x10100] =	vst v63  }
0x7d: {  	_ =	swait.ge [sflag:s13], $0x4000  }
0x7e: {  	[sflag:s13] =	ssyncset.done $0x0  }
0x7f: {  	[sflag:s13] =	ssyncadd.s32 $0xFFFFC000  }
0x80: {  	_ =	swait.ge [sflag:s9], $0x4000  }
0x81: {  	[sflag:s9] =	ssyncset.done $0x0  }
0x82: {  	[sflag:s9] =	ssyncadd.s32 $0xFFFFC000  }
0x83: {  	[tilespmem:s19], [sflag:$0x9] =	stream.linear.gather [hbm4b:s30+s2], $0x80, $0x38;
	[tilespmem:$0x10100] =	vst v63  }
0x84: {  	_ =	swait.ge [sflag:s22], $0x80  }
0x85: {  	[sflag:s22] =	ssyncset.done $0x0  }
0x86: {  	[sflag:s22] =	ssyncadd.s32 $0xFFFFFF80  }
0x87: {  	[tilespmem:s10], [sflag:$0x2] =	stream.indirect.gather [hbm4b:s3+s19], $0x80, s19, s19, $0xb8;
	[tilespmem:$0x10100] =	vst v63  }
0x88: {  	_ = 	snop  }
0x89: {  	[tilespmem:s11], [sflag:$0x4] =	stream.indirect.gather [hbm4b:s4+s19], $0x80, s19, s19, $0xb8;
	[tilespmem:$0x10100] =	vst v63  }
0x8a: {  	_ =	swait.ge [sflag:s25], $0x4000  }
0x8b: {  	[sflag:s25] =	ssyncset.done $0x0  }
0x8c: {  	[sflag:s25] =	ssyncadd.s32 $0xFFFFC000  }
0x8d: {  	_ =	swait.ge [sflag:s20], $0x4000  }
0x8e: {  	[sflag:s20] =	ssyncset.done $0x0  }
0x8f: {  	[sflag:s20] =	ssyncadd.s32 $0xFFFFC000  }
0x90: {  	[hbm4b:s28+s2] =	stream.linear.scatter [tilespmem:s15], [sflag:$0x5], $0x4000, $0x38;
	[tilespmem:$0x10100] =	vst v63  }
0x91: {  	_ = 	snop  }
0x92: {  	[hbm4b:s29+s2] =	stream.linear.scatter [tilespmem:s16], [sflag:$0x7], $0x4000, $0x38;
	[tilespmem:$0x10100] =	vst v63  }
0x93: {  	_ =	swait.ge [sflag:s14], $0x4000  }
0x94: {  	[sflag:s14] =	ssyncset.done $0x0  }
0x95: {  	[sflag:s14] =	ssyncadd.s32 $0xFFFFC000  }
0x96: {  	_ =	swait.ge [sflag:s12], $0x4000  }
0x97: {  	[sflag:s12] =	ssyncset.done $0x0  }
0x98: {  	[sflag:s12] =	ssyncadd.s32 $0xFFFFC000  }
0x99: {  	[tilespmem:s2], [sflag:$0x9] =	stream.linear.gather [hbm4b:s26+s2], $0x80, $0x38;
	[tilespmem:$0x10100] =	vst v63  }
0x9a: {  	_ =	swait.ge [sflag:s22], $0x80  }
0x9b: {  	[sflag:s22] =	ssyncset.done $0x0  }
0x9c: {  	[sflag:s22] =	ssyncadd.s32 $0xFFFFFF80  }
0x9d: {  	[tilespmem:s15], [sflag:$0x1] =	stream.indirect.gather [hbm4b:s3+s19], $0x80, s2, s19, $0xb8;
	[tilespmem:$0x10100] =	vst v63  }
0x9e: {  	_ = 	snop  }
0x9f: {  	[tilespmem:s16], [sflag:$0x3] =	stream.indirect.gather [hbm4b:s4+s19], $0x80, s2, s19, $0xb8;
	[tilespmem:$0x10100] =	vst v63  }
0xa0: {  	_ =	swait.ge [sflag:s23], $0x4000  }
0xa1: {  	[sflag:s23] =	ssyncset.done $0x0  }
0xa2: {  	[sflag:s23] =	ssyncadd.s32 $0xFFFFC000  }
0xa3: {  	_ =	swait.ge [sflag:s18], $0x4000  }
0xa4: {  	[sflag:s18] =	ssyncset.done $0x0  }
0xa5: {  	[sflag:s18] =	ssyncadd.s32 $0xFFFFC000  }
0xa6: {  	[hbm4b:s21+s2] =	stream.linear.scatter [tilespmem:s10], [sflag:$0x6], $0x4000, $0x38;
	[tilespmem:$0x10100] =	vst v63  }
0xa7: {  	_ = 	snop  }
0xa8: {  	[hbm4b:s24+s2] =	stream.linear.scatter [tilespmem:s11], [sflag:$0x8], $0x4000, $0x38;
	[tilespmem:$0x10100] =	vst v63  }
0xa9: {  	_ =	swait.ge [sflag:s13], $0x4000  }
0xaa: {  	[sflag:s13] =	ssyncset.done $0x0  }
0xab: {  	[sflag:s13] =	ssyncadd.s32 $0xFFFFC000  }
0xac: {  	_ =	swait.ge [sflag:s9], $0x4000  }
0xad: {  	[sflag:s9] =	ssyncset.done $0x0  }
0xae: {  	[sflag:s9] =	ssyncadd.s32 $0xFFFFC000  }
0xaf: {  	[tilespmem:s19], [sflag:$0x9] =	stream.linear.gather [hbm4b:s17+s2], $0x80, $0x38;
	[tilespmem:$0x10100] =	vst v63  }
0xb0: {  	_ =	swait.ge [sflag:s22], $0x80  }
0xb1: {  	[sflag:s22] =	ssyncset.done $0x0  }
0xb2: {  	[sflag:s22] =	ssyncadd.s32 $0xFFFFFF80  }
0xb3: {  	[tilespmem:s10], [sflag:$0x2] =	stream.indirect.gather [hbm4b:s3+s19], $0x80, s19, s19, $0xb8;
	[tilespmem:$0x10100] =	vst v63  }
0xb4: {  	_ = 	snop  }
0xb5: {  	[tilespmem:s11], [sflag:$0x4] =	stream.indirect.gather [hbm4b:s4+s19], $0x80, s19, s19, $0xb8;
	[tilespmem:$0x10100] =	vst v63  }
0xb6: {  	_ =	swait.ge [sflag:s25], $0x4000  }
0xb7: {  	[sflag:s25] =	ssyncset.done $0x0  }
0xb8: {  	[sflag:s25] =	ssyncadd.s32 $0xFFFFC000  }
0xb9: {  	_ =	swait.ge [sflag:s20], $0x4000  }
0xba: {  	[sflag:s20] =	ssyncset.done $0x0  }
0xbb: {  	[sflag:s20] =	ssyncadd.s32 $0xFFFFC000  }
0xbc: {  	[hbm4b:s7+s2] =	stream.linear.scatter [tilespmem:s15], [sflag:$0x5], $0x4000, $0x38;
	[tilespmem:$0x10100] =	vst v63  }
0xbd: {  	_ = 	snop  }
0xbe: {  	[hbm4b:s8+s2] =	stream.linear.scatter [tilespmem:s16], [sflag:$0x7], $0x4000, $0x38;
	[tilespmem:$0x10100] =	vst v63  }
0xbf: {  	_ =	swait.ge [sflag:s23], $0x4000  }
0xc0: {  	[sflag:s23] =	ssyncset.done $0x0  }
0xc1: {  	[sflag:s23] =	ssyncadd.s32 $0xFFFFC000  }
0xc2: {  	_ =	swait.ge [sflag:s18], $0x4000  }
0xc3: {  	[sflag:s18] =	ssyncset.done $0x0  }
0xc4: {  	[sflag:s18] =	ssyncadd.s32 $0xFFFFC000  }
0xc5: {  	[hbm4b:s5+s2] =	stream.linear.scatter [tilespmem:s10], [sflag:$0x6], $0x4000, $0x38;
	[tilespmem:$0x10100] =	vst v63  }
0xc6: {  	_ = 	snop  }
0xc7: {  	[hbm4b:s6+s2] =	stream.linear.scatter [tilespmem:s11], [sflag:$0x8], $0x4000, $0x38;
	[tilespmem:$0x10100] =	vst v63  }
0xc8: {  	_ =	swait.ge [sflag:s14], $0x4000  }
0xc9: {  	[sflag:s14] =	ssyncset.done $0x0  }
0xca: {  	[sflag:s14] =	ssyncadd.s32 $0xFFFFC000  }
0xcb: {  	_ =	swait.ge [sflag:s12], $0x4000  }
0xcc: {  	[sflag:s12] =	ssyncset.done $0x0  }
0xcd: {  	[sflag:s12] =	ssyncadd.s32 $0xFFFFC000  }
0xce: {  	_ =	swait.ge [sflag:s13], $0x4000  }
0xcf: {  	s1 =	rddreg [dreg:$0x10]  }
0xd0: {  	p1 =	sne.s32 s1, $0x1  }
.Ltmp1:
0xd1: {  	_ = 	snop;
	(pc) =	sbr.rel @!p1 .LBB2_3-.Ltmp1, $4  }
0xd2: {  	[sflag:s13] =	ssyncset.done $0x0  }
0xd3: {  	[sflag:s13] =	ssyncadd.s32 $0xFFFFC000  }
0xd4: {  	p0 =	por $0x1, $0x1;
	_ =	swait.ge [sflag:s9], $0x4000  }
0xd5: {  	s0 =	sadd.s32 $0xFFFFFFFF, s1;
	s1 =	rddreg [dreg:$0x4];
	[sflag:s9] =	ssyncset.done $0x0  }
.LBB2_2:
0xd6: {  	[sflag:s9] =	ssyncadd.s32 $0xFFFFC000  }
0xd7: {  	[tilespmem:s2], [sflag:$0x9] =	stream.linear.gather [hbm4b:s1+s2], $0x80, $0x38;
	[tilespmem:$0x10100] =	vst v63  }
0xd8: {  	_ =	swait.ge [sflag:s22], $0x80  }
0xd9: {  	[sflag:s22] =	ssyncset.done $0x0  }
0xda: {  	[sflag:s22] =	ssyncadd.s32 $0xFFFFFF80  }
0xdb: {  	[tilespmem:s15], [sflag:$0x1] =	stream.indirect.gather [hbm4b:s3+s19], $0x80, s2, s19, $0xb8;
	[tilespmem:$0x10100] =	vst v63  }
0xdc: {  	_ = 	snop  }
0xdd: {  	[tilespmem:s16], [sflag:$0x3] =	stream.indirect.gather [hbm4b:s4+s19], $0x80, s2, s19, $0xb8;
	[tilespmem:$0x10100] =	vst v63  }
0xde: {  	s15 =	rddreg [dreg:$0x5]  }
0xdf: {  	[tilespmem:s19], [sflag:$0x9] =	stream.linear.gather [hbm4b:s15+s2], $0x80, $0x38;
	[tilespmem:$0x10100] =	vst v63  }
0xe0: {  	_ =	swait.ge [sflag:s22], $0x80  }
0xe1: {  	[sflag:s22] =	ssyncset.done $0x0  }
0xe2: {  	[sflag:s22] =	ssyncadd.s32 $0xFFFFFF80  }
0xe3: {  	[tilespmem:s10], [sflag:$0x2] =	stream.indirect.gather [hbm4b:s3+s19], $0x80, s19, s19, $0xb8;
	[tilespmem:$0x10100] =	vst v63  }
0xe4: {  	s9 =	simm.s32 $0x8100  }
0xe5: {  	[tilespmem:s11], [sflag:$0x4] =	stream.indirect.gather [hbm4b:s4+s19], $0x80, s19, s19, $0xb8;
	[tilespmem:$0x10100] =	vst v63  }
0xe6: {  	s16 =	simm.s32 $0x100;
	s10 =	smov.u32 s31;
	_ =	swait.ge [sflag:s25], $0x4000  }
0xe7: {  	s31 =	smov.u32 s30;
	s30 =	smov.u32 s29;
	[sflag:s25] =	ssyncset.done $0x0  }
0xe8: {  	s29 =	smov.u32 s28;
	s28 =	smov.u32 s26;
	[sflag:s25] =	ssyncadd.s32 $0xFFFFC000  }
0xe9: {  	s26 =	smov.u32 s24;
	s24 =	smov.u32 s21;
	_ =	swait.ge [sflag:s20], $0x4000  }
0xea: {  	s21 =	smov.u32 s17;
	s17 =	smov.u32 s8;
	[sflag:s20] =	ssyncset.done $0x0  }
0xeb: {  	s8 =	smov.u32 s7;
	s1 =	rddreg [dreg:$0x6];
	[sflag:s20] =	ssyncadd.s32 $0xFFFFC000  }
0xec: {  	[hbm4b:s1+s2] =	stream.linear.scatter [tilespmem:s16], [sflag:$0x5], $0x4000, $0x38;
	[tilespmem:$0x10100] =	vst v63  }
0xed: {  	s7 =	smov.u32 s6;
	s6 =	smov.u32 s5;
	s5 =	rddreg [dreg:$0x7]  }
0xee: {  	[hbm4b:s5+s2] =	stream.linear.scatter [tilespmem:s9], [sflag:$0x7], $0x4000, $0x38;
	[tilespmem:$0x10100] =	vst v63  }
0xef: {  	_ =	swait.ge [sflag:s14], $0x4000  }
0xf0: {  	[sflag:s14] =	ssyncset.done $0x0  }
0xf1: {  	[sflag:s14] =	ssyncadd.s32 $0xFFFFC000  }
0xf2: {  	_ =	swait.ge [sflag:s12], $0x4000  }
0xf3: {  	[sflag:s12] =	ssyncset.done $0x0  }
0xf4: {  	s5 =	rddreg [dreg:$0x8];
	[sflag:s12] =	ssyncadd.s32 $0xFFFFC000  }
0xf5: {  	[tilespmem:s2], [sflag:$0x9] =	stream.linear.gather [hbm4b:s5+s2], $0x80, $0x38;
	[tilespmem:$0x10100] =	vst v63  }
0xf6: {  	_ =	swait.ge [sflag:s22], $0x80  }
0xf7: {  	[sflag:s22] =	ssyncset.done $0x0  }
0xf8: {  	[sflag:s22] =	ssyncadd.s32 $0xFFFFFF80  }
0xf9: {  	[tilespmem:s16], [sflag:$0x1] =	stream.indirect.gather [hbm4b:s3+s19], $0x80, s2, s19, $0xb8;
	[tilespmem:$0x10100] =	vst v63  }
0xfa: {  	s16 =	simm.s32 $0x8100  }
0xfb: {  	[tilespmem:s16], [sflag:$0x3] =	stream.indirect.gather [hbm4b:s4+s19], $0x80, s2, s19, $0xb8;
	[tilespmem:$0x10100] =	vst v63  }
0xfc: {  	_ =	swait.ge [sflag:s23], $0x4000  }
0xfd: {  	[sflag:s23] =	ssyncset.done $0x0  }
0xfe: {  	[sflag:s23] =	ssyncadd.s32 $0xFFFFC000  }
0xff: {  	_ =	swait.ge [sflag:s18], $0x4000  }
0x100: {  	[sflag:s18] =	ssyncset.done $0x0  }
0x101: {  	s11 =	simm.s32 $0x4100;
	s1 =	rddreg [dreg:$0x9];
	[sflag:s18] =	ssyncadd.s32 $0xFFFFC000  }
0x102: {  	[hbm4b:s1+s2] =	stream.linear.scatter [tilespmem:s11], [sflag:$0x6], $0x4000, $0x38;
	[tilespmem:$0x10100] =	vst v63  }
0x103: {  	s15 =	simm.s32 $0xC100;
	s5 =	rddreg [dreg:$0xa]  }
0x104: {  	[hbm4b:s5+s2] =	stream.linear.scatter [tilespmem:s15], [sflag:$0x8], $0x4000, $0x38;
	[tilespmem:$0x10100] =	vst v63  }
0x105: {  	_ =	swait.ge [sflag:s13], $0x4000  }
0x106: {  	[sflag:s13] =	ssyncset.done $0x0  }
0x107: {  	s9 =	simm.s32 $0x8;
	[sflag:s13] =	ssyncadd.s32 $0xFFFFC000  }
0x108: {  	_ =	swait.ge [sflag:s9], $0x4000  }
0x109: {  	[sflag:s9] =	ssyncset.done $0x0  }
0x10a: {  	s5 =	rddreg [dreg:$0xb];
	[sflag:s9] =	ssyncadd.s32 $0xFFFFC000  }
0x10b: {  	[tilespmem:s19], [sflag:$0x9] =	stream.linear.gather [hbm4b:s5+s2], $0x80, $0x38;
	[tilespmem:$0x10100] =	vst v63  }
0x10c: {  	_ =	swait.ge [sflag:s22], $0x80  }
0x10d: {  	[sflag:s22] =	ssyncset.done $0x0  }
0x10e: {  	[sflag:s22] =	ssyncadd.s32 $0xFFFFFF80  }
0x10f: {  	[tilespmem:s11], [sflag:$0x2] =	stream.indirect.gather [hbm4b:s3+s19], $0x80, s19, s19, $0xb8;
	[tilespmem:$0x10100] =	vst v63  }
0x110: {  	s11 =	simm.s32 $0xC100  }
0x111: {  	[tilespmem:s11], [sflag:$0x4] =	stream.indirect.gather [hbm4b:s4+s19], $0x80, s19, s19, $0xb8;
	[tilespmem:$0x10100] =	vst v63  }
0x112: {  	_ =	swait.ge [sflag:s25], $0x4000  }
0x113: {  	[sflag:s25] =	ssyncset.done $0x0  }
0x114: {  	[sflag:s25] =	ssyncadd.s32 $0xFFFFC000  }
0x115: {  	_ =	swait.ge [sflag:s20], $0x4000  }
0x116: {  	[sflag:s20] =	ssyncset.done $0x0  }
0x117: {  	s15 =	simm.s32 $0x100;
	s1 =	rddreg [dreg:$0xc];
	[sflag:s20] =	ssyncadd.s32 $0xFFFFC000  }
0x118: {  	[hbm4b:s1+s2] =	stream.linear.scatter [tilespmem:s15], [sflag:$0x5], $0x4000, $0x38;
	[tilespmem:$0x10100] =	vst v63  }
0x119: {  	s5 =	rddreg [dreg:$0xd]  }
0x11a: {  	[hbm4b:s5+s2] =	stream.linear.scatter [tilespmem:s16], [sflag:$0x7], $0x4000, $0x38;
	[tilespmem:$0x10100] =	vst v63  }
0x11b: {  	_ =	swait.ge [sflag:s14], $0x4000  }
0x11c: {  	[sflag:s14] =	ssyncset.done $0x0  }
0x11d: {  	[sflag:s14] =	ssyncadd.s32 $0xFFFFC000  }
0x11e: {  	_ =	swait.ge [sflag:s12], $0x4000  }
0x11f: {  	[sflag:s12] =	ssyncset.done $0x0  }
0x120: {  	s1 =	rddreg [dreg:$0xe];
	[sflag:s12] =	ssyncadd.s32 $0xFFFFC000  }
0x121: {  	[tilespmem:s2], [sflag:$0x9] =	stream.linear.gather [hbm4b:s1+s2], $0x80, $0x38;
	[tilespmem:$0x10100] =	vst v63  }
0x122: {  	_ =	swait.ge [sflag:s22], $0x80  }
0x123: {  	[sflag:s22] =	ssyncset.done $0x0  }
0x124: {  	[sflag:s22] =	ssyncadd.s32 $0xFFFFFF80  }
0x125: {  	[tilespmem:s15], [sflag:$0x1] =	stream.indirect.gather [hbm4b:s3+s19], $0x80, s2, s19, $0xb8;
	[tilespmem:$0x10100] =	vst v63  }
0x126: {  	s5 =	smov.u32 s6;
	s6 =	smov.u32 s7  }
0x127: {  	[tilespmem:s16], [sflag:$0x3] =	stream.indirect.gather [hbm4b:s4+s19], $0x80, s2, s19, $0xb8;
	[tilespmem:$0x10100] =	vst v63  }
0x128: {  	s7 =	smov.u32 s8;
	s8 =	smov.u32 s17;
	_ =	swait.ge [sflag:s23], $0x4000  }
0x129: {  	s17 =	smov.u32 s21;
	s21 =	smov.u32 s24;
	[sflag:s23] =	ssyncset.done $0x0  }
0x12a: {  	s24 =	smov.u32 s26;
	s26 =	smov.u32 s28;
	[sflag:s23] =	ssyncadd.s32 $0xFFFFC000  }
0x12b: {  	s28 =	smov.u32 s29;
	s29 =	smov.u32 s30;
	_ =	swait.ge [sflag:s18], $0x4000  }
0x12c: {  	s30 =	smov.u32 s31;
	s31 =	smov.u32 s10;
	[sflag:s18] =	ssyncset.done $0x0  }
0x12d: {  	s10 =	simm.s32 $0x4100;
	s1 =	rddreg [dreg:$0xf];
	[sflag:s18] =	ssyncadd.s32 $0xFFFFC000  }
0x12e: {  	[hbm4b:s1+s2] =	stream.linear.scatter [tilespmem:s10], [sflag:$0x6], $0x4000, $0x38;
	[tilespmem:$0x10100] =	vst v63  }
0x12f: {  	_ = 	snop  }
0x130: {  	[hbm4b:s31+s2] =	stream.linear.scatter [tilespmem:s11], [sflag:$0x8], $0x4000, $0x38;
	[tilespmem:$0x10100] =	vst v63  }
0x131: {  	_ =	swait.ge [sflag:s13], $0x4000  }
0x132: {  	[sflag:s13] =	ssyncset.done $0x0  }
0x133: {  	[sflag:s13] =	ssyncadd.s32 $0xFFFFC000  }
0x134: {  	_ =	swait.ge [sflag:s9], $0x4000  }
0x135: {  	[sflag:s9] =	ssyncset.done $0x0  }
0x136: {  	[sflag:s9] =	ssyncadd.s32 $0xFFFFC000  }
0x137: {  	[tilespmem:s19], [sflag:$0x9] =	stream.linear.gather [hbm4b:s30+s2], $0x80, $0x38;
	[tilespmem:$0x10100] =	vst v63  }
0x138: {  	_ =	swait.ge [sflag:s22], $0x80  }
0x139: {  	[sflag:s22] =	ssyncset.done $0x0  }
0x13a: {  	[sflag:s22] =	ssyncadd.s32 $0xFFFFFF80  }
0x13b: {  	[tilespmem:s10], [sflag:$0x2] =	stream.indirect.gather [hbm4b:s3+s19], $0x80, s19, s19, $0xb8;
	[tilespmem:$0x10100] =	vst v63  }
0x13c: {  	_ = 	snop  }
0x13d: {  	[tilespmem:s11], [sflag:$0x4] =	stream.indirect.gather [hbm4b:s4+s19], $0x80, s19, s19, $0xb8;
	[tilespmem:$0x10100] =	vst v63  }
0x13e: {  	_ =	swait.ge [sflag:s25], $0x4000  }
0x13f: {  	[sflag:s25] =	ssyncset.done $0x0  }
0x140: {  	[sflag:s25] =	ssyncadd.s32 $0xFFFFC000  }
0x141: {  	_ =	swait.ge [sflag:s20], $0x4000  }
0x142: {  	[sflag:s20] =	ssyncset.done $0x0  }
0x143: {  	[sflag:s20] =	ssyncadd.s32 $0xFFFFC000  }
0x144: {  	[hbm4b:s28+s2] =	stream.linear.scatter [tilespmem:s15], [sflag:$0x5], $0x4000, $0x38;
	[tilespmem:$0x10100] =	vst v63  }
0x145: {  	_ = 	snop  }
0x146: {  	[hbm4b:s29+s2] =	stream.linear.scatter [tilespmem:s16], [sflag:$0x7], $0x4000, $0x38;
	[tilespmem:$0x10100] =	vst v63  }
0x147: {  	_ =	swait.ge [sflag:s14], $0x4000  }
0x148: {  	[sflag:s14] =	ssyncset.done $0x0  }
0x149: {  	[sflag:s14] =	ssyncadd.s32 $0xFFFFC000  }
0x14a: {  	_ =	swait.ge [sflag:s12], $0x4000  }
0x14b: {  	[sflag:s12] =	ssyncset.done $0x0  }
0x14c: {  	[sflag:s12] =	ssyncadd.s32 $0xFFFFC000  }
0x14d: {  	[tilespmem:s2], [sflag:$0x9] =	stream.linear.gather [hbm4b:s26+s2], $0x80, $0x38;
	[tilespmem:$0x10100] =	vst v63  }
0x14e: {  	_ =	swait.ge [sflag:s22], $0x80  }
0x14f: {  	[sflag:s22] =	ssyncset.done $0x0  }
0x150: {  	[sflag:s22] =	ssyncadd.s32 $0xFFFFFF80  }
0x151: {  	[tilespmem:s15], [sflag:$0x1] =	stream.indirect.gather [hbm4b:s3+s19], $0x80, s2, s19, $0xb8;
	[tilespmem:$0x10100] =	vst v63  }
0x152: {  	_ = 	snop  }
0x153: {  	[tilespmem:s16], [sflag:$0x3] =	stream.indirect.gather [hbm4b:s4+s19], $0x80, s2, s19, $0xb8;
	[tilespmem:$0x10100] =	vst v63  }
0x154: {  	_ =	swait.ge [sflag:s23], $0x4000  }
0x155: {  	[sflag:s23] =	ssyncset.done $0x0  }
0x156: {  	[sflag:s23] =	ssyncadd.s32 $0xFFFFC000  }
0x157: {  	_ =	swait.ge [sflag:s18], $0x4000  }
0x158: {  	[sflag:s18] =	ssyncset.done $0x0  }
0x159: {  	[sflag:s18] =	ssyncadd.s32 $0xFFFFC000  }
0x15a: {  	[hbm4b:s21+s2] =	stream.linear.scatter [tilespmem:s10], [sflag:$0x6], $0x4000, $0x38;
	[tilespmem:$0x10100] =	vst v63  }
0x15b: {  	_ = 	snop  }
0x15c: {  	[hbm4b:s24+s2] =	stream.linear.scatter [tilespmem:s11], [sflag:$0x8], $0x4000, $0x38;
	[tilespmem:$0x10100] =	vst v63  }
0x15d: {  	_ =	swait.ge [sflag:s13], $0x4000  }
0x15e: {  	[sflag:s13] =	ssyncset.done $0x0  }
0x15f: {  	[sflag:s13] =	ssyncadd.s32 $0xFFFFC000  }
0x160: {  	_ =	swait.ge [sflag:s9], $0x4000  }
0x161: {  	[sflag:s9] =	ssyncset.done $0x0  }
0x162: {  	[sflag:s9] =	ssyncadd.s32 $0xFFFFC000  }
0x163: {  	[tilespmem:s19], [sflag:$0x9] =	stream.linear.gather [hbm4b:s17+s2], $0x80, $0x38;
	[tilespmem:$0x10100] =	vst v63  }
0x164: {  	_ =	swait.ge [sflag:s22], $0x80  }
0x165: {  	[sflag:s22] =	ssyncset.done $0x0  }
0x166: {  	[sflag:s22] =	ssyncadd.s32 $0xFFFFFF80  }
0x167: {  	[tilespmem:s10], [sflag:$0x2] =	stream.indirect.gather [hbm4b:s3+s19], $0x80, s19, s19, $0xb8;
	[tilespmem:$0x10100] =	vst v63  }
0x168: {  	_ = 	snop  }
0x169: {  	[tilespmem:s11], [sflag:$0x4] =	stream.indirect.gather [hbm4b:s4+s19], $0x80, s19, s19, $0xb8;
	[tilespmem:$0x10100] =	vst v63  }
0x16a: {  	_ =	swait.ge [sflag:s25], $0x4000  }
0x16b: {  	[sflag:s25] =	ssyncset.done $0x0  }
0x16c: {  	[sflag:s25] =	ssyncadd.s32 $0xFFFFC000  }
0x16d: {  	_ =	swait.ge [sflag:s20], $0x4000  }
0x16e: {  	[sflag:s20] =	ssyncset.done $0x0  }
0x16f: {  	[sflag:s20] =	ssyncadd.s32 $0xFFFFC000  }
0x170: {  	[hbm4b:s7+s2] =	stream.linear.scatter [tilespmem:s15], [sflag:$0x5], $0x4000, $0x38;
	[tilespmem:$0x10100] =	vst v63  }
0x171: {  	_ = 	snop  }
0x172: {  	[hbm4b:s8+s2] =	stream.linear.scatter [tilespmem:s16], [sflag:$0x7], $0x4000, $0x38;
	[tilespmem:$0x10100] =	vst v63  }
0x173: {  	_ =	swait.ge [sflag:s23], $0x4000  }
0x174: {  	[sflag:s23] =	ssyncset.done $0x0  }
0x175: {  	[sflag:s23] =	ssyncadd.s32 $0xFFFFC000  }
0x176: {  	_ =	swait.ge [sflag:s18], $0x4000  }
0x177: {  	[sflag:s18] =	ssyncset.done $0x0  }
0x178: {  	[sflag:s18] =	ssyncadd.s32 $0xFFFFC000  }
0x179: {  	[hbm4b:s5+s2] =	stream.linear.scatter [tilespmem:s10], [sflag:$0x6], $0x4000, $0x38;
	[tilespmem:$0x10100] =	vst v63  }
0x17a: {  	_ = 	snop  }
0x17b: {  	[hbm4b:s6+s2] =	stream.linear.scatter [tilespmem:s11], [sflag:$0x8], $0x4000, $0x38;
	[tilespmem:$0x10100] =	vst v63  }
0x17c: {  	_ =	swait.ge [sflag:s14], $0x4000  }
0x17d: {  	[sflag:s14] =	ssyncset.done $0x0  }
0x17e: {  	[sflag:s14] =	ssyncadd.s32 $0xFFFFC000  }
0x17f: {  	_ =	swait.ge [sflag:s12], $0x4000  }
0x180: {  	[sflag:s12] =	ssyncset.done $0x0  }
0x181: {  	p1 =	sne.s32 s0, $0x1;
	[sflag:s12] =	ssyncadd.s32 $0xFFFFC000  }
.Ltmp2:
0x182: {  	_ =	swait.ge [sflag:s13], $0x4000;
	(pc) =	sbr.rel @p1 .LBB2_2-.Ltmp2, $4  }
0x183: {  	[sflag:s13] =	ssyncset.done $0x0  }
0x184: {  	[sflag:s13] =	ssyncadd.s32 $0xFFFFC000  }
0x185: {  	_ =	swait.ge [sflag:s9], $0x4000  }
0x186: {  	s0 =	sadd.s32 $0xFFFFFFFF, s0;
	s1 =	rddreg [dreg:$0x4];
	[sflag:s9] =	ssyncset.done $0x0  }
.LBB2_3:
0x187: {  	[sflag:s9] =	ssyncadd.s32 @p0 $0xFFFFC000  }
0x188: {  	[tilespmem:s2], [sflag:$0x9] =	stream.linear.gather [hbm4b:s1+s2], $0x80, $0x38;
	[tilespmem:$0x10100] =	vst v63  }
0x189: {  	_ =	swait.ge [sflag:s22], $0x80  }
0x18a: {  	[sflag:s22] =	ssyncset.done $0x0  }
0x18b: {  	[sflag:s22] =	ssyncadd.s32 $0xFFFFFF80  }
0x18c: {  	[tilespmem:s15], [sflag:$0x1] =	stream.indirect.gather [hbm4b:s3+s19], $0x80, s2, s19, $0xb8;
	[tilespmem:$0x10100] =	vst v63  }
0x18d: {  	_ = 	snop  }
0x18e: {  	[tilespmem:s16], [sflag:$0x3] =	stream.indirect.gather [hbm4b:s4+s19], $0x80, s2, s19, $0xb8;
	[tilespmem:$0x10100] =	vst v63  }
0x18f: {  	s0 =	rddreg [dreg:$0x5]  }
0x190: {  	[tilespmem:s19], [sflag:$0x9] =	stream.linear.gather [hbm4b:s0+s2], $0x80, $0x38;
	[tilespmem:$0x10100] =	vst v63  }
0x191: {  	_ =	swait.ge [sflag:s22], $0x80  }
0x192: {  	[sflag:s22] =	ssyncset.done $0x0  }
0x193: {  	[sflag:s22] =	ssyncadd.s32 $0xFFFFFF80  }
0x194: {  	[tilespmem:s10], [sflag:$0x2] =	stream.indirect.gather [hbm4b:s3+s19], $0x80, s19, s19, $0xb8;
	[tilespmem:$0x10100] =	vst v63  }
0x195: {  	_ = 	snop  }
0x196: {  	[tilespmem:s11], [sflag:$0x4] =	stream.indirect.gather [hbm4b:s4+s19], $0x80, s19, s19, $0xb8;
	[tilespmem:$0x10100] =	vst v63  }
0x197: {  	_ =	swait.ge [sflag:s25], $0x4000  }
0x198: {  	[sflag:s25] =	ssyncset.done $0x0  }
0x199: {  	[sflag:s25] =	ssyncadd.s32 $0xFFFFC000  }
0x19a: {  	_ =	swait.ge [sflag:s20], $0x4000  }
0x19b: {  	[sflag:s20] =	ssyncset.done $0x0  }
0x19c: {  	s0 =	rddreg [dreg:$0x6];
	[sflag:s20] =	ssyncadd.s32 $0xFFFFC000  }
0x19d: {  	[hbm4b:s0+s2] =	stream.linear.scatter [tilespmem:s15], [sflag:$0x5], $0x4000, $0x38;
	[tilespmem:$0x10100] =	vst v63  }
0x19e: {  	s1 =	rddreg [dreg:$0x7]  }
0x19f: {  	[hbm4b:s1+s2] =	stream.linear.scatter [tilespmem:s16], [sflag:$0x7], $0x4000, $0x38;
	[tilespmem:$0x10100] =	vst v63  }
0x1a0: {  	_ =	swait.ge [sflag:s14], $0x4000  }
0x1a1: {  	[sflag:s14] =	ssyncset.done $0x0  }
0x1a2: {  	[sflag:s14] =	ssyncadd.s32 $0xFFFFC000  }
0x1a3: {  	_ =	swait.ge [sflag:s12], $0x4000  }
0x1a4: {  	[sflag:s12] =	ssyncset.done $0x0  }
0x1a5: {  	s1 =	rddreg [dreg:$0x8];
	[sflag:s12] =	ssyncadd.s32 $0xFFFFC000  }
0x1a6: {  	[tilespmem:s2], [sflag:$0x9] =	stream.linear.gather [hbm4b:s1+s2], $0x80, $0x38;
	[tilespmem:$0x10100] =	vst v63  }
0x1a7: {  	_ =	swait.ge [sflag:s22], $0x80  }
0x1a8: {  	[sflag:s22] =	ssyncset.done $0x0  }
0x1a9: {  	[sflag:s22] =	ssyncadd.s32 $0xFFFFFF80  }
0x1aa: {  	[tilespmem:s15], [sflag:$0x1] =	stream.indirect.gather [hbm4b:s3+s19], $0x80, s2, s19, $0xb8;
	[tilespmem:$0x10100] =	vst v63  }
0x1ab: {  	_ = 	snop  }
0x1ac: {  	[tilespmem:s16], [sflag:$0x3] =	stream.indirect.gather [hbm4b:s4+s19], $0x80, s2, s19, $0xb8;
	[tilespmem:$0x10100] =	vst v63  }
0x1ad: {  	_ =	swait.ge [sflag:s23], $0x4000  }
0x1ae: {  	[sflag:s23] =	ssyncset.done $0x0  }
0x1af: {  	[sflag:s23] =	ssyncadd.s32 $0xFFFFC000  }
0x1b0: {  	_ =	swait.ge [sflag:s18], $0x4000  }
0x1b1: {  	[sflag:s18] =	ssyncset.done $0x0  }
0x1b2: {  	s0 =	rddreg [dreg:$0x9];
	[sflag:s18] =	ssyncadd.s32 $0xFFFFC000  }
0x1b3: {  	[hbm4b:s0+s2] =	stream.linear.scatter [tilespmem:s10], [sflag:$0x6], $0x4000, $0x38;
	[tilespmem:$0x10100] =	vst v63  }
0x1b4: {  	s1 =	rddreg [dreg:$0xa]  }
0x1b5: {  	[hbm4b:s1+s2] =	stream.linear.scatter [tilespmem:s11], [sflag:$0x8], $0x4000, $0x38;
	[tilespmem:$0x10100] =	vst v63  }
0x1b6: {  	_ =	swait.ge [sflag:s13], $0x4000  }
0x1b7: {  	[sflag:s13] =	ssyncset.done $0x0  }
0x1b8: {  	[sflag:s13] =	ssyncadd.s32 $0xFFFFC000  }
0x1b9: {  	_ =	swait.ge [sflag:s9], $0x4000  }
0x1ba: {  	[sflag:s9] =	ssyncset.done $0x0  }
0x1bb: {  	s1 =	rddreg [dreg:$0xb];
	[sflag:s9] =	ssyncadd.s32 $0xFFFFC000  }
0x1bc: {  	[tilespmem:s19], [sflag:$0x9] =	stream.linear.gather [hbm4b:s1+s2], $0x80, $0x38;
	[tilespmem:$0x10100] =	vst v63  }
0x1bd: {  	_ =	swait.ge [sflag:s22], $0x80  }
0x1be: {  	[sflag:s22] =	ssyncset.done $0x0  }
0x1bf: {  	[sflag:s22] =	ssyncadd.s32 $0xFFFFFF80  }
0x1c0: {  	[tilespmem:s10], [sflag:$0x2] =	stream.indirect.gather [hbm4b:s3+s19], $0x80, s19, s19, $0xb8;
	[tilespmem:$0x10100] =	vst v63  }
0x1c1: {  	_ = 	snop  }
0x1c2: {  	[tilespmem:s11], [sflag:$0x4] =	stream.indirect.gather [hbm4b:s4+s19], $0x80, s19, s19, $0xb8;
	[tilespmem:$0x10100] =	vst v63  }
0x1c3: {  	_ =	swait.ge [sflag:s25], $0x4000  }
0x1c4: {  	[sflag:s25] =	ssyncset.done $0x0  }
0x1c5: {  	[sflag:s25] =	ssyncadd.s32 $0xFFFFC000  }
0x1c6: {  	_ =	swait.ge [sflag:s20], $0x4000  }
0x1c7: {  	[sflag:s20] =	ssyncset.done $0x0  }
0x1c8: {  	s0 =	rddreg [dreg:$0xc];
	[sflag:s20] =	ssyncadd.s32 $0xFFFFC000  }
0x1c9: {  	[hbm4b:s0+s2] =	stream.linear.scatter [tilespmem:s15], [sflag:$0x5], $0x4000, $0x38;
	[tilespmem:$0x10100] =	vst v63  }
0x1ca: {  	s1 =	rddreg [dreg:$0xd]  }
0x1cb: {  	[hbm4b:s1+s2] =	stream.linear.scatter [tilespmem:s16], [sflag:$0x7], $0x4000, $0x38;
	[tilespmem:$0x10100] =	vst v63  }
0x1cc: {  	_ =	swait.ge [sflag:s14], $0x4000  }
0x1cd: {  	[sflag:s14] =	ssyncset.done $0x0  }
0x1ce: {  	[sflag:s14] =	ssyncadd.s32 $0xFFFFC000  }
0x1cf: {  	_ =	swait.ge [sflag:s12], $0x4000  }
0x1d0: {  	[sflag:s12] =	ssyncset.done $0x0  }
0x1d1: {  	s1 =	rddreg [dreg:$0xe];
	[sflag:s12] =	ssyncadd.s32 $0xFFFFC000  }
0x1d2: {  	[tilespmem:s2], [sflag:$0x9] =	stream.linear.gather [hbm4b:s1+s2], $0x80, $0x38;
	[tilespmem:$0x10100] =	vst v63  }
0x1d3: {  	_ =	swait.ge [sflag:s22], $0x80  }
0x1d4: {  	[sflag:s22] =	ssyncset.done $0x0  }
0x1d5: {  	[sflag:s22] =	ssyncadd.s32 $0xFFFFFF80  }
0x1d6: {  	[tilespmem:s15], [sflag:$0x1] =	stream.indirect.gather [hbm4b:s3+s19], $0x80, s2, s19, $0xb8;
	[tilespmem:$0x10100] =	vst v63  }
0x1d7: {  	_ = 	snop  }
0x1d8: {  	[tilespmem:s16], [sflag:$0x3] =	stream.indirect.gather [hbm4b:s4+s19], $0x80, s2, s19, $0xb8;
	[tilespmem:$0x10100] =	vst v63  }
0x1d9: {  	_ =	swait.ge [sflag:s23], $0x4000  }
0x1da: {  	[sflag:s23] =	ssyncset.done $0x0  }
0x1db: {  	[sflag:s23] =	ssyncadd.s32 $0xFFFFC000  }
0x1dc: {  	_ =	swait.ge [sflag:s18], $0x4000  }
0x1dd: {  	[sflag:s18] =	ssyncset.done $0x0  }
0x1de: {  	s1 =	rddreg [dreg:$0xf];
	[sflag:s18] =	ssyncadd.s32 $0xFFFFC000  }
0x1df: {  	[hbm4b:s1+s2] =	stream.linear.scatter [tilespmem:s10], [sflag:$0x6], $0x4000, $0x38;
	[tilespmem:$0x10100] =	vst v63  }
0x1e0: {  	_ = 	snop  }
0x1e1: {  	[hbm4b:s31+s2] =	stream.linear.scatter [tilespmem:s11], [sflag:$0x8], $0x4000, $0x38;
	[tilespmem:$0x10100] =	vst v63  }
0x1e2: {  	_ =	swait.ge [sflag:s13], $0x4000  }
0x1e3: {  	[sflag:s13] =	ssyncset.done $0x0  }
0x1e4: {  	[sflag:s13] =	ssyncadd.s32 $0xFFFFC000  }
0x1e5: {  	_ =	swait.ge [sflag:s9], $0x4000  }
0x1e6: {  	[sflag:s9] =	ssyncset.done $0x0  }
0x1e7: {  	[sflag:s9] =	ssyncadd.s32 $0xFFFFC000  }
0x1e8: {  	[tilespmem:s19], [sflag:$0x9] =	stream.linear.gather [hbm4b:s30+s2], $0x80, $0x38;
	[tilespmem:$0x10100] =	vst v63  }
0x1e9: {  	_ =	swait.ge [sflag:s22], $0x80  }
0x1ea: {  	[sflag:s22] =	ssyncset.done $0x0  }
0x1eb: {  	[sflag:s22] =	ssyncadd.s32 $0xFFFFFF80  }
0x1ec: {  	[tilespmem:s10], [sflag:$0x2] =	stream.indirect.gather [hbm4b:s3+s19], $0x80, s19, s19, $0xb8;
	[tilespmem:$0x10100] =	vst v63  }
0x1ed: {  	_ = 	snop  }
0x1ee: {  	[tilespmem:s11], [sflag:$0x4] =	stream.indirect.gather [hbm4b:s4+s19], $0x80, s19, s19, $0xb8;
	[tilespmem:$0x10100] =	vst v63  }
0x1ef: {  	_ =	swait.ge [sflag:s25], $0x4000  }
0x1f0: {  	[sflag:s25] =	ssyncset.done $0x0  }
0x1f1: {  	[sflag:s25] =	ssyncadd.s32 $0xFFFFC000  }
0x1f2: {  	_ =	swait.ge [sflag:s20], $0x4000  }
0x1f3: {  	[sflag:s20] =	ssyncset.done $0x0  }
0x1f4: {  	[sflag:s20] =	ssyncadd.s32 $0xFFFFC000  }
0x1f5: {  	[hbm4b:s28+s2] =	stream.linear.scatter [tilespmem:s15], [sflag:$0x5], $0x4000, $0x38;
	[tilespmem:$0x10100] =	vst v63  }
0x1f6: {  	_ = 	snop  }
0x1f7: {  	[hbm4b:s29+s2] =	stream.linear.scatter [tilespmem:s16], [sflag:$0x7], $0x4000, $0x38;
	[tilespmem:$0x10100] =	vst v63  }
0x1f8: {  	_ =	swait.ge [sflag:s14], $0x4000  }
0x1f9: {  	[sflag:s14] =	ssyncset.done $0x0  }
0x1fa: {  	[sflag:s14] =	ssyncadd.s32 $0xFFFFC000  }
0x1fb: {  	_ =	swait.ge [sflag:s12], $0x4000  }
0x1fc: {  	[sflag:s12] =	ssyncset.done $0x0  }
0x1fd: {  	[sflag:s12] =	ssyncadd.s32 $0xFFFFC000  }
0x1fe: {  	[tilespmem:s2], [sflag:$0x9] =	stream.linear.gather [hbm4b:s26+s2], $0x80, $0x38;
	[tilespmem:$0x10100] =	vst v63  }
0x1ff: {  	_ =	swait.ge [sflag:s22], $0x80  }
0x200: {  	[sflag:s22] =	ssyncset.done $0x0  }
0x201: {  	[sflag:s22] =	ssyncadd.s32 $0xFFFFFF80  }
0x202: {  	[tilespmem:s15], [sflag:$0x1] =	stream.indirect.gather [hbm4b:s3+s19], $0x80, s2, s19, $0xb8;
	[tilespmem:$0x10100] =	vst v63  }
0x203: {  	_ = 	snop  }
0x204: {  	[tilespmem:s16], [sflag:$0x3] =	stream.indirect.gather [hbm4b:s4+s19], $0x80, s2, s19, $0xb8;
	[tilespmem:$0x10100] =	vst v63  }
0x205: {  	_ =	swait.ge [sflag:s23], $0x4000  }
0x206: {  	[sflag:s23] =	ssyncset.done $0x0  }
0x207: {  	[sflag:s23] =	ssyncadd.s32 $0xFFFFC000  }
0x208: {  	_ =	swait.ge [sflag:s18], $0x4000  }
0x209: {  	[sflag:s18] =	ssyncset.done $0x0  }
0x20a: {  	[sflag:s18] =	ssyncadd.s32 $0xFFFFC000  }
0x20b: {  	[hbm4b:s21+s2] =	stream.linear.scatter [tilespmem:s10], [sflag:$0x6], $0x4000, $0x38;
	[tilespmem:$0x10100] =	vst v63  }
0x20c: {  	_ = 	snop  }
0x20d: {  	[hbm4b:s24+s2] =	stream.linear.scatter [tilespmem:s11], [sflag:$0x8], $0x4000, $0x38;
	[tilespmem:$0x10100] =	vst v63  }
0x20e: {  	_ =	swait.ge [sflag:s13], $0x4000  }
0x20f: {  	[sflag:s13] =	ssyncset.done $0x0  }
0x210: {  	[sflag:s13] =	ssyncadd.s32 $0xFFFFC000  }
0x211: {  	_ =	swait.ge [sflag:s9], $0x4000  }
0x212: {  	[sflag:s9] =	ssyncset.done $0x0  }
0x213: {  	[sflag:s9] =	ssyncadd.s32 $0xFFFFC000  }
0x214: {  	[tilespmem:s19], [sflag:$0x9] =	stream.linear.gather [hbm4b:s17+s2], $0x80, $0x38;
	[tilespmem:$0x10100] =	vst v63  }
0x215: {  	_ =	swait.ge [sflag:s22], $0x80  }
0x216: {  	[sflag:s22] =	ssyncset.done $0x0  }
0x217: {  	[sflag:s22] =	ssyncadd.s32 $0xFFFFFF80  }
0x218: {  	[tilespmem:s10], [sflag:$0x2] =	stream.indirect.gather [hbm4b:s3+s19], $0x80, s19, s19, $0xb8;
	[tilespmem:$0x10100] =	vst v63  }
0x219: {  	_ = 	snop  }
0x21a: {  	[tilespmem:s11], [sflag:$0x4] =	stream.indirect.gather [hbm4b:s4+s19], $0x80, s19, s19, $0xb8;
	[tilespmem:$0x10100] =	vst v63  }
0x21b: {  	_ =	swait.ge [sflag:s25], $0x4000  }
0x21c: {  	[sflag:s25] =	ssyncset.done $0x0  }
0x21d: {  	[sflag:s25] =	ssyncadd.s32 $0xFFFFC000  }
0x21e: {  	_ =	swait.ge [sflag:s20], $0x4000  }
0x21f: {  	[sflag:s20] =	ssyncset.done $0x0  }
0x220: {  	[sflag:s20] =	ssyncadd.s32 $0xFFFFC000  }
0x221: {  	[hbm4b:s7+s2] =	stream.linear.scatter [tilespmem:s15], [sflag:$0x5], $0x4000, $0x38;
	[tilespmem:$0x10100] =	vst v63  }
0x222: {  	_ = 	snop  }
0x223: {  	[hbm4b:s8+s2] =	stream.linear.scatter [tilespmem:s16], [sflag:$0x7], $0x4000, $0x38;
	[tilespmem:$0x10100] =	vst v63  }
0x224: {  	_ =	swait.ge [sflag:s23], $0x4000  }
0x225: {  	[sflag:s23] =	ssyncset.done $0x0  }
0x226: {  	[sflag:s23] =	ssyncadd.s32 $0xFFFFC000  }
0x227: {  	_ =	swait.ge [sflag:s18], $0x4000  }
0x228: {  	[sflag:s18] =	ssyncset.done $0x0  }
0x229: {  	[sflag:s18] =	ssyncadd.s32 $0xFFFFC000  }
0x22a: {  	[hbm4b:s5+s2] =	stream.linear.scatter [tilespmem:s10], [sflag:$0x6], $0x4000, $0x38;
	[tilespmem:$0x10100] =	vst v63  }
0x22b: {  	_ = 	snop  }
0x22c: {  	[hbm4b:s6+s2] =	stream.linear.scatter [tilespmem:s11], [sflag:$0x8], $0x4000, $0x38;
	[tilespmem:$0x10100] =	vst v63  }
0x22d: {  	_ =	swait.ge [sflag:s14], $0x4000  }
0x22e: {  	[sflag:s14] =	ssyncset.done $0x0  }
0x22f: {  	[sflag:s14] =	ssyncadd.s32 $0xFFFFC000  }
0x230: {  	_ =	swait.ge [sflag:s12], $0x4000  }
0x231: {  	[sflag:s12] =	ssyncset.done $0x0  }
0x232: {  	[sflag:s12] =	ssyncadd.s32 $0xFFFFC000  }
0x233: {  	_ =	swait.ge [sflag:s13], $0x4000  }
0x234: {  	[sflag:s13] =	ssyncset.done $0x0  }
0x235: {  	[sflag:s13] =	ssyncadd.s32 $0xFFFFC000  }
0x236: {  	_ =	swait.ge [sflag:s9], $0x4000  }
0x237: {  	[sflag:s9] =	ssyncset.done $0x0  }
0x238: {  	[sflag:s9] =	ssyncadd.s32 $0xFFFFC000  }
0x239: {  	_ =	sfence.sel $0x180000  }
0x23a: {  	[bflag:$0x0] =	sbarrier.arrive $0xFFFF  }
0x23b: {  	_ =	strace $0x9000004A  }
0x23c: {  	s31 =	stileid.u32;
	[bflag:$0x2] =	sbarrier.arrive $0xFFFF  }
0x23d: {  	p0 =	sne.s32 s31, $0x0;
	s0 =	rddreg [dreg:$0x3]  }
0x23e: {  	s0 =	sadd.s32 @!p0 $0x100000, s0  }
0x23f: {  	[sflag:s0] =	ssyncadd.tile.s32 @!p0 $0x1;
	_ =	shalt  }
.Lfunc_end2:
_tile_overlayer_lowered:
.L_overlay_start_2:
0x240: {  	(tag) =	ssettag $0x2  }
0x241: {  	s0 =	rddreg [dreg:$0x0];
	s2 =	stileid.u32  }
0x242: {  	s1 =	rddreg [dreg:$0x1];
	p0 =	sne.s32 s2, $0x0  }
0x243: {  	s3 =	rddreg [dreg:$0x2];
	[bflag:$0x3] =	sbarrier.arrive $0xFFFF;
	s2 =	simm.s32 @!p0 $0x1C09  }
0x244: {  	[timem:s3], [sflag:s2] =	dma.local @!p0 [hbm:s0], s1  }
0x245: {  	s0 =	simm.s32 @!p0 $0x9  }
0x246: {  	_ =	swait.ge @!p0 [sflag:s0], s1  }
0x247: {  	s1 =	ssub.s32 @!p0 $0x0, s1;
	[sflag:s0] =	ssyncset.done @!p0 $0x0  }
0x248: {  	[sflag:s0] =	ssyncadd.s32 @!p0 s1  }
0x249: {  	[bflag:$0x3] =	sbarrier.arrive $0xFFFF  }
0x24a: {  	_ =	shalt  }

// kernel: kernel.8.cloned.1.call-start
scs
__scs_entry_jumppad:
0x0: {  	(pc) =	sbr.rel $0x88, $3  }
0x1: {  	(tag) =	ssettag $0x0;
	lr =	simm.s32 $0x1  }
0x2: {  	[smem:$0x3F98] =	sst lr;
	_ =	strace $0xD0000000  }
0x3: {  	_ = 	snop  }
0x4: {  	_ = 	snop  }
0x5: {  	_ = 	snop  }
0x6: {  	_ = 	snop  }
0x7: {  	_ = 	snop  }
__scs_overlays_trampoline_lowered:
0x8: {  	[smem:$0x3FA7] =	sst s0  }
0x9: {  	[smem:$0x3FA8] =	sst s1  }
0xa: {  	[smem:$0x3FA9] =	sst s2  }
0xb: {  	[smem:$0x3FAA] =	sst s3  }
0xc: {  	[smem:$0x3FAB] =	sst s4  }
0xd: {  	[smem:$0x3FAC] =	sst s5  }
0xe: {  	[smem:$0x3FAD] =	sst s6  }
0xf: {  	[smem:$0x3FAE] =	sst s7  }
0x10: {  	[smem:$0x3FAF] =	sst s8  }
0x11: {  	[smem:$0x3FB0] =	sst s9;
	s0 =	simm.s32 @!p0 $0x0  }
0x12: {  	s1 =	sld [smem:$0x3F96];
	s0 =	simm.s32 @p0 $0x1  }
0x13: {  	[smem:$0x3FB1] =	sst s0;
	s0 =	simm.s32 @!p1 $0x0  }
0x14: {  	s2 =	sld [smem:$0x3F95];
	s0 =	simm.s32 @p1 $0x1  }
0x15: {  	[smem:$0x3FB2] =	sst s0;
	s0 =	simm.s32 @!p2 $0x0  }
0x16: {  	s3 =	sld [smem:$0x3FDB];
	s0 =	simm.s32 @p2 $0x1  }
0x17: {  	s4 =	simm.s32 $0x1BF5;
	[smem:$0x3FB4] =	sst s0  }
0x18: {  	s0 =	sld [smem:$0x3F97];
	_ =	swait.ge [sflag:s4], $0x0  }
0x19: {  	s7 =	sld [smem:$0x3F98]  }
0x1a: {  	s8 =	sadd.s32 $0xFFFFE003, lr  }
0x1b: {  	s9 =	sadd.s32 $0xFFFFFEF7, lr;
	s5 =	simm.s32 $0xFFFFFFFF;
	p2 =	slt.u32 s8, $0xFFFFF086  }
0x1c: {  	p1 =	slt.u32 s9, $0xF7A;
	s5 =	simm.s32 @!p2 $0x0  }
0x1d: {  	s5 =	simm.s32 @p1 $0x1;
	p0 =	seq.s32 s7, s2  }
0x1e: {  	s7 =	smul.u32 @!p0 $0xF7A, s2;
	p2 =	seq.s32 @!p0 s5, $0x0  }
0x1f: {  	s9 =	smul.u32 $0xF7A, s1;
	s8 =	simm.s32 @!p0 $0x1BF5;
	p2 =	por !p2, p0  }
0x20: {  	[sflag:s8] =	ssyncset.s32 @!p0 $0xFFFFF086;
	s6 =	sadd.s32 @!p0 s3, s7;
	s7 =	simm.s32 @!p0 $0x108  }
0x21: {  	s3 =	sadd.s32 s3, s9;
	s6 =	sadd.s32 @!p0 $0x88, s6;
	s7 =	simm.s32 @p2 $0x1082  }
0x22: {  	[simem:s7], [sflag:s8] =	dma.local @!p0 [hbm:s6], $0xF7A  }
0x23: {  	s9 =	sor.u32 $0xD0000000, s2;
	s6 =	simm.s32 $0x108;
	_ =	swait.ge @!p0 [sflag:s8], $0x0  }
0x24: {  	s3 =	sadd.s32 $0x88, s3;
	s6 =	simm.s32 @!p1 $0x1082;
	[sflag:s4] =	ssyncset.s32 $0xFFFFF086  }
0x25: {  	[simem:s6], [sflag:s4] =	dma.local [hbm:s3], $0xF7A  }
0x26: {  	[smem:$0x3F98] =	sst s1;
	(tag) =	ssettag s2;
	_ =	strace s9  }
0x27: {  	s1 =	sld [smem:$0x3FA8]  }
0x28: {  	s2 =	sld [smem:$0x3FA9]  }
0x29: {  	s4 =	sld [smem:$0x3FAB]  }
0x2a: {  	p0 =	seq.s32 s5, $0x0;
	s5 =	sld [smem:$0x3FAC]  }
0x2b: {  	s6 =	sld [smem:$0x3FAD]  }
0x2c: {  	s7 =	sld [smem:$0x3FAE]  }
0x2d: {  	s3 =	simm.s32 $0x108;
	s8 =	sld [smem:$0x3FAF]  }
0x2e: {  	s3 =	simm.s32 @!p0 $0x1082;
	s9 =	sld [smem:$0x3FB0]  }
0x2f: {  	lr =	sadd.s32 s0, s3;
	s0 =	sld [smem:$0x3FA7]  }
0x30: {  	s3 =	sld [smem:$0x3FAA]  }
0x31: {  	[smem:$0x3FB3] =	sst s10  }
0x32: {  	s10 =	sld [smem:$0x3FB1];
	_ =	sdelay $0x3  }
0x33: {  	p0 =	seq.s32 s10, $0x1;
	s10 =	sld [smem:$0x3FB3];
	_ =	sdelay $0x3  }
0x34: {  	[smem:$0x3FB3] =	sst s10  }
0x35: {  	s10 =	sld [smem:$0x3FB2];
	_ =	sdelay $0x3  }
0x36: {  	p1 =	seq.s32 s10, $0x1;
	s10 =	sld [smem:$0x3FB3];
	_ =	sdelay $0x3  }
0x37: {  	[smem:$0x3FB3] =	sst s10  }
0x38: {  	s10 =	sld [smem:$0x3FB4]  }
0x39: {  	_ = 	snop;
	(pc) =	sbr.ind lr, $3  }
0x3a: {  	_ = 	snop  }
0x3b: {  	_ = 	snop  }
0x3c: {  	p2 =	seq.s32 s10, $0x1;
	s10 =	sld [smem:$0x3FB3]  }
0x3d: {  	_ =	shalt  }
0x3e: {  	_ =	shalt  }
0x3f: {  	_ =	shalt  }
0x40: {  	_ =	shalt  }
0x41: {  	_ =	shalt  }
0x42: {  	_ =	shalt  }
0x43: {  	_ =	shalt  }
0x44: {  	_ =	shalt  }
0x45: {  	_ =	shalt  }
0x46: {  	_ =	shalt  }
0x47: {  	_ =	shalt  }
0x48: {  	_ =	shalt  }
0x49: {  	_ =	shalt  }
0x4a: {  	_ =	shalt  }
0x4b: {  	_ =	shalt  }
0x4c: {  	_ =	shalt  }
0x4d: {  	_ =	shalt  }
0x4e: {  	_ =	shalt  }
0x4f: {  	_ =	shalt  }
0x50: {  	_ =	shalt  }
0x51: {  	_ =	shalt  }
0x52: {  	_ =	shalt  }
0x53: {  	_ =	shalt  }
0x54: {  	_ =	shalt  }
0x55: {  	_ =	shalt  }
0x56: {  	_ =	shalt  }
0x57: {  	_ =	shalt  }
0x58: {  	_ =	shalt  }
0x59: {  	_ =	shalt  }
0x5a: {  	_ =	shalt  }
0x5b: {  	_ =	shalt  }
0x5c: {  	_ =	shalt  }
0x5d: {  	_ =	shalt  }
0x5e: {  	_ =	shalt  }
0x5f: {  	_ =	shalt  }
0x60: {  	_ =	shalt  }
0x61: {  	_ =	shalt  }
0x62: {  	_ =	shalt  }
0x63: {  	_ =	shalt  }
0x64: {  	_ =	shalt  }
0x65: {  	_ =	shalt  }
0x66: {  	_ =	shalt  }
0x67: {  	_ =	shalt  }
0x68: {  	_ =	shalt  }
0x69: {  	_ =	shalt  }
0x6a: {  	_ =	shalt  }
0x6b: {  	_ =	shalt  }
0x6c: {  	_ =	shalt  }
0x6d: {  	_ =	shalt  }
0x6e: {  	_ =	shalt  }
0x6f: {  	_ =	shalt  }
0x70: {  	_ =	shalt  }
0x71: {  	_ =	shalt  }
0x72: {  	_ =	shalt  }
0x73: {  	_ =	shalt  }
0x74: {  	_ =	shalt  }
0x75: {  	_ =	shalt  }
0x76: {  	_ =	shalt  }
0x77: {  	_ =	shalt  }
0x78: {  	_ =	shalt  }
0x79: {  	_ =	shalt  }
0x7a: {  	_ =	shalt  }
0x7b: {  	_ =	shalt  }
0x7c: {  	_ =	shalt  }
0x7d: {  	_ =	shalt  }
0x7e: {  	_ =	shalt  }
0x7f: {  	_ =	shalt  }
0x80: {  	_ =	shalt  }
0x81: {  	_ =	shalt  }
0x82: {  	_ =	shalt  }
0x83: {  	_ =	shalt  }
0x84: {  	_ =	shalt  }
0x85: {  	_ =	shalt  }
0x86: {  	_ =	shalt  }
0x87: {  	_ =	shalt  }
.Lfunc_end0:
.L_simem_size_0:
called_computation_lowered:
.L_overlay_start_0:
0x88: {  	s2 =	sld [smem:$0x3FD9]  }
0x89: {  	s3 =	sld [smem:$0x3FFE];
	_ =	sdelay $0x1  }
0x8a: {  	s1 =	srdreg.scid  }
0x8b: {  	s0 =	sand.u32 $0x1, s1  }
0x8c: {  	s17 =	sshll.u32 s0, $0xA;
	s2 =	sadd.s32 s3, s2  }
0x8d: {  	s2 =	sadd.s32 s2, s17  }
0x8e: {  	[smem:$0x3FBF] =	sst s2  }
0x8f: {  	_ = 	snop  }
0x90: {  	s2 =	sld [smem:$0x3FC7]  }
0x91: {  	s18 =	sld [smem:$0x3FD0];
	(tm) =	ssettm $0x1  }
0x92: {  	s4 =	sld [smem:$0x3FFB];
	_ =	sdelay $0x3  }
0x93: {  	_ =	strace s4  }
0x94: {  	s4 =	sld [smem:$0x3FFC];
	_ =	sdelay $0x3  }
0x95: {  	_ =	strace s4  }
0x96: {  	s4 =	sld [smem:$0x3FFD];
	_ =	sdelay $0x3  }
0x97: {  	_ =	strace s4  }
0x98: {  	_ =	strace $0x8FFFFFFF  }
0x99: {  	s19 =	sld [smem:$0x3FDB];
	_ =	sdelay $0x1  }
0x9a: {  	s5 =	simm.s32 $_scs_section_size  }
0x9b: {  	s6 =	simm.s32 $_size__tile_overlayer_lowered;
	s7 =	simm.s32 $_tile_overlayer_lowered  }
0x9c: {  	s22 =	simm.s32 $0x1BFF;
	s21 =	sshll.u32 s7, $0x1;
	s4 =	sadd.s32 s5, s19  }
0x9d: {  	s8 =	simm.s32 $0x0;
	s20 =	sshll.u32 s6, $0x1;
	s6 =	sadd.s32 s21, s4  }
0x9e: {  	[timem:s8], [sflag:s22] =	dma.local [hbm:s6], s20  }
0x9f: {  	_ =	swait.ge [sflag:s22], s20  }
0xa0: {  	s5 =	ssub.s32 $0x0, s20;
	[sflag:s22] =	ssyncset.done $0x0  }
0xa1: {  	[sflag:s22] =	ssyncadd.s32 s5;
	_ =	sdelay $0x1  }
0xa2: {  	s23 =	simm.s32 $0x1B8B  }
0xa3: {  	_ =	swait.ge [sflag:s23], $0x1  }
0xa4: {  	[sflag:s23] =	ssyncset.done $0x0  }
0xa5: {  	s25 =	simm.s32 $0x1B8E;
	s24 =	sld [smem:$0x3FFE];
	[sflag:s23] =	ssyncadd.s32 $0xFFFFFFFF  }
0xa6: {  	s26 =	simm.s32 $execute0_lowered;
	[smem:$0x3FD2] =	sst s25  }
0xa7: {  	s6 =	sshll.u32 s26, $0x1;
	_ =	strace $0x80000046;
	[dreg:$0x1] =	wrdreg $0xFFFFFFFF  }
0xa8: {  	s28 =	simm.s32 $_size_execute0_lowered;
	s4 =	sadd.s32 s4, s6;
	[dreg:$0x0] =	wrdreg $0x0  }
0xa9: {  	s6 =	sshll.u32 s28, $0x1;
	[dreg:$0x2] =	wrdreg s4  }
0xaa: {  	[dreg:$0x3] =	wrdreg s6  }
0xab: {  	[dreg:$0x4] =	wrdreg $0xC0  }
0xac: {  	_ =	task [dreg:s8], $0x5FFFF  }
0xad: {  	[dreg:$0x1] =	wrdreg $0xFFFFFFFF  }
0xae: {  	[dreg:$0x0] =	wrdreg $0x60  }
0xaf: {  	[dreg:$0x2] =	wrdreg s2  }
0xb0: {  	[dreg:$0x3] =	wrdreg s18  }
0xb1: {  	[dreg:$0x4] =	wrdreg s24  }
0xb2: {  	[dreg:$0x5] =	wrdreg $0x9  }
0xb3: {  	_ =	task.clear_ibuf [dreg:s8], $0x6FFFF;
	_ =	strace $0x90000046  }
0xb4: {  	s29 =	simm.s32 $0x9;
	_ =	strace $0x80000048  }
0xb5: {  	_ =	swait.ge [sflag:s29], $0x1  }
0xb6: {  	[sflag:s29] =	ssyncadd.s32 $0xFFFFFFFF  }
0xb7: {  	_ =	strace $0x90000048  }
0xb8: {  	_ =	sfence  }
0xb9: {  	s30 =	sld [smem:$0x0];
	_ =	sdelay $0x2  }
0xba: {  	s31 =	sshll.u32 s1, $0xD;
	s1 =	sshrl.u32 s1, $0x2  }
0xbb: {  	s3 =	sand.u32 $0x4000, s31;
	s1 =	sadd.s32 s1, s30  }
0xbc: {  	s0 =	sor.u32 s3, s0;
	s1 =	sshll.u32 s1, $0x11  }
0xbd: {  	s0 =	sor.u32 s1, s0  }
0xbe: {  	s0 =	sadd.s32 $0x8F2B, s0  }
0xbf: {  	[sflag:s0] =	ssyncadd.remote.s32 $0x1  }
0xc0: {  	_ =	sfence.sel $0xFFFF  }
0xc1: {  	[dreg:$0x0] =	wrdreg $0xFFFFFFFF;
	(pc) =	sbr.abs _section_cstart, $3  }
0xc2: {  	[dreg:$0x1] =	wrdreg $0xFFFFFFFF  }
0xc3: {  	_ =	task.clear_ibuf [dreg:s8], $0x2FFFF;
	_ =	strace $0x9FFFFFFF  }
0xc4: {  	(tm) =	ssettm $0x7FFFFFFF  }
0xc5: {  	_ =	shalt  }
tec
execute0_lowered:
.L_overlay_start_1:
0x0: {  	(tag) =	ssettag $0x1  }
0x1: {  	s3 =	rddreg [dreg:$0x0]  }
0x2: {  	s4 =	rddreg [dreg:$0x1]  }
0x3: {  	s1 =	rddreg [dreg:$0x2];
	s2 =	simm.s32 $0x0  }
0x4: {  	s0 =	srdreg.scid;
	s6 =	stileid.u32;
	p0 =	por $0x0, $0x0  }
0x5: {  	[smem:$0x7FF] =	sst s2;
	s5 =	sand.u32 $0x1, s0;
	s7 =	sadd.s32 $0x2000, s1  }
0x6: {  	s8 =	sshll.u32 s6, $0xB;
	s0 =	sadd.s32 $0x3000, s1;
	s9 =	sshll.u32 s5, $0xA  }
0x7: {  	s6 =	sadd.s32 $0x83000, s1;
	s5 =	ssub.s32 $0x2, s5;
	s1 =	sor.u32 s9, s8  }
0x8: {  	_ =	strace $0x80000047;
	s10 =	sshrl.u32 s5, $0x1;
	s8 =	sshrl.u32 s1, $0x3  }
0x9: {  	s9 =	sor.u32 $0x80, s1;
	s26 =	sshll.u32 s1, $0x4;
	s12 =	sor.u32 $0x100, s1  }
0xa: {  	s18 =	sor.u32 $0x180, s1;
	s24 =	sor.u32 $0x200, s1;
	s10 =	ssub.s32 s5, s10  }
0xb: {  	s8 =	sadd.s32 s7, s8;
	s11 =	sshrl.u32 s9, $0x3;
	s13 =	sadd.s32 s0, s26  }
0xc: {  	s14 =	sadd.s32 s6, s26;
	s15 =	sshrl.u32 s12, $0x3;
	[dreg:$0x4] =	wrdreg s8  }
0xd: {  	s9 =	sshll.u32 s9, $0x4;
	s20 =	sshrl.u32 s18, $0x3;
	[dreg:$0x6] =	wrdreg s13  }
0xe: {  	s22 =	sshll.u32 s12, $0x4;
	s25 =	sadd.s32 s7, s11;
	[dreg:$0x7] =	wrdreg s14  }
0xf: {  	s26 =	sshrl.u32 s24, $0x3;
	s16 =	sadd.s32 s7, s15;
	[dreg:$0x5] =	wrdreg s25  }
0x10: {  	s12 =	simm.s32 $0x7;
	s17 =	sadd.s32 s0, s9;
	[dreg:$0x8] =	wrdreg s16  }
0x11: {  	s19 =	sadd.s32 s6, s9;
	s21 =	sadd.s32 s7, s20;
	[dreg:$0x9] =	wrdreg s17  }
0x12: {  	s23 =	sadd.s32 s0, s22;
	s9 =	sadd.s32 s7, s26;
	[dreg:$0xa] =	wrdreg s19  }
0x13: {  	s13 =	sshll.u32 s18, $0x4;
	s15 =	sor.u32 $0x280, s1;
	[dreg:$0xb] =	wrdreg s21  }
0x14: {  	s18 =	sor.u32 $0x300, s1;
	s1 =	sor.u32 $0x380, s1;
	[dreg:$0xc] =	wrdreg s23  }
0x15: {  	s11 =	simm.s32 $0xC100;
	s25 =	sadd.s32 s6, s22;
	[dreg:$0xe] =	wrdreg s9  }
0x16: {  	s14 =	sadd.s32 s0, s13;
	s16 =	sshrl.u32 s15, $0x3;
	s31 =	sadd.s32 s6, s13  }
0x17: {  	s17 =	sshll.u32 s24, $0x4;
	s19 =	sshrl.u32 s18, $0x3;
	s20 =	sshll.u32 s15, $0x4  }
0x18: {  	s22 =	sshrl.u32 s1, $0x3;
	s5 =	sshll.u32 s18, $0x4;
	s1 =	sshll.u32 s1, $0x4  }
0x19: {  	s23 =	smax.u32 s10, $0x1;
	s15 =	simm.s32 $0x100;
	s10 =	simm.s32 $0x4100  }
0x1a: {  	s18 =	simm.s32 $0x4;
	s13 =	simm.s32 $0x6;
	[dreg:$0xd] =	wrdreg s25  }
0x1b: {  	s9 =	simm.s32 $0x8;
	[dreg:$0xf] =	wrdreg s14;
	s30 =	sadd.s32 s7, s16  }
0x1c: {  	s28 =	sadd.s32 s0, s17;
	s29 =	sadd.s32 s6, s17;
	s26 =	sadd.s32 s7, s19  }
0x1d: {  	s21 =	sadd.s32 s0, s20;
	s24 =	sadd.s32 s6, s20;
	p1 =	sne.s32 s23, $0x1  }
.Ltmp0:
0x1e: {  	s17 =	sadd.s32 s7, s22;
	s7 =	sadd.s32 s0, s5;
	(pc) =	sbr.rel @!p1 .LBB2_3-.Ltmp0, $4  }
0x1f: {  	s8 =	sadd.s32 s6, s5;
	s5 =	sadd.s32 s0, s1;
	s6 =	sadd.s32 s6, s1  }
0x20: {  	s22 =	simm.s32 $0x9;
	s19 =	simm.s32 $0x80;
	s16 =	simm.s32 $0x8100  }
0x21: {  	s25 =	simm.s32 $0x1;
	s20 =	simm.s32 $0x3;
	s0 =	sadd.s32 $0xFFFFFFFF, s23  }
0x22: {  	s14 =	simm.s32 $0x5;
	s23 =	simm.s32 $0x2;
	s1 =	rddreg [dreg:$0x4]  }
0x23: {  	[tilespmem:s2], [sflag:$0x9] =	stream.linear.gather [hbm4b:s1+s2], $0x80, $0x38;
	[tilespmem:$0x10100] =	vst v63  }
0x24: {  	_ =	swait.ge [sflag:s22], $0x80  }
0x25: {  	[sflag:s22] =	ssyncset.done $0x0  }
0x26: {  	[sflag:s22] =	ssyncadd.s32 $0xFFFFFF80  }
0x27: {  	[tilespmem:s15], [sflag:$0x1] =	stream.indirect.gather [hbm4b:s3+s19], $0x80, s2, s19, $0xb8;
	[tilespmem:$0x10100] =	vst v63  }
0x28: {  	_ = 	snop  }
0x29: {  	[tilespmem:s16], [sflag:$0x3] =	stream.indirect.gather [hbm4b:s4+s19], $0x80, s2, s19, $0xb8;
	[tilespmem:$0x10100] =	vst v63  }
0x2a: {  	s1 =	rddreg [dreg:$0x5]  }
0x2b: {  	[tilespmem:s19], [sflag:$0x9] =	stream.linear.gather [hbm4b:s1+s2], $0x80, $0x38;
	[tilespmem:$0x10100] =	vst v63  }
0x2c: {  	_ =	swait.ge [sflag:s22], $0x80  }
0x2d: {  	[sflag:s22] =	ssyncset.done $0x0  }
0x2e: {  	[sflag:s22] =	ssyncadd.s32 $0xFFFFFF80  }
0x2f: {  	[tilespmem:s10], [sflag:$0x2] =	stream.indirect.gather [hbm4b:s3+s19], $0x80, s19, s19, $0xb8;
	[tilespmem:$0x10100] =	vst v63  }
0x30: {  	_ = 	snop  }
0x31: {  	[tilespmem:s11], [sflag:$0x4] =	stream.indirect.gather [hbm4b:s4+s19], $0x80, s19, s19, $0xb8;
	[tilespmem:$0x10100] =	vst v63  }
0x32: {  	_ =	swait.ge [sflag:s25], $0x4000  }
0x33: {  	[sflag:s25] =	ssyncset.done $0x0  }
0x34: {  	[sflag:s25] =	ssyncadd.s32 $0xFFFFC000  }
0x35: {  	_ =	swait.ge [sflag:s20], $0x4000  }
0x36: {  	[dreg:$0x10] =	wrdreg s0;
	[sflag:s20] =	ssyncset.done $0x0  }
0x37: {  	s1 =	rddreg [dreg:$0x6];
	[sflag:s20] =	ssyncadd.s32 $0xFFFFC000  }
0x38: {  	[hbm4b:s1+s2] =	stream.linear.scatter [tilespmem:s15], [sflag:$0x5], $0x4000, $0x38;
	[tilespmem:$0x10100] =	vst v63  }
0x39: {  	s0 =	rddreg [dreg:$0x7]  }
0x3a: {  	[hbm4b:s0+s2] =	stream.linear.scatter [tilespmem:s16], [sflag:$0x7], $0x4000, $0x38;
	[tilespmem:$0x10100] =	vst v63  }
0x3b: {  	_ =	swait.ge [sflag:s14], $0x4000  }
0x3c: {  	[sflag:s14] =	ssyncset.done $0x0  }
0x3d: {  	[sflag:s14] =	ssyncadd.s32 $0xFFFFC000  }
0x3e: {  	_ =	swait.ge [sflag:s12], $0x4000  }
0x3f: {  	[sflag:s12] =	ssyncset.done $0x0  }
0x40: {  	s1 =	rddreg [dreg:$0x8];
	[sflag:s12] =	ssyncadd.s32 $0xFFFFC000  }
0x41: {  	[tilespmem:s2], [sflag:$0x9] =	stream.linear.gather [hbm4b:s1+s2], $0x80, $0x38;
	[tilespmem:$0x10100] =	vst v63  }
0x42: {  	_ =	swait.ge [sflag:s22], $0x80  }
0x43: {  	[sflag:s22] =	ssyncset.done $0x0  }
0x44: {  	[sflag:s22] =	ssyncadd.s32 $0xFFFFFF80  }
0x45: {  	[tilespmem:s15], [sflag:$0x1] =	stream.indirect.gather [hbm4b:s3+s19], $0x80, s2, s19, $0xb8;
	[tilespmem:$0x10100] =	vst v63  }
0x46: {  	_ = 	snop  }
0x47: {  	[tilespmem:s16], [sflag:$0x3] =	stream.indirect.gather [hbm4b:s4+s19], $0x80, s2, s19, $0xb8;
	[tilespmem:$0x10100] =	vst v63  }
0x48: {  	_ =	swait.ge [sflag:s23], $0x4000  }
0x49: {  	[sflag:s23] =	ssyncset.done $0x0  }
0x4a: {  	[sflag:s23] =	ssyncadd.s32 $0xFFFFC000  }
0x4b: {  	_ =	swait.ge [sflag:s18], $0x4000  }
0x4c: {  	[sflag:s18] =	ssyncset.done $0x0  }
0x4d: {  	s0 =	rddreg [dreg:$0x9];
	[sflag:s18] =	ssyncadd.s32 $0xFFFFC000  }
0x4e: {  	[hbm4b:s0+s2] =	stream.linear.scatter [tilespmem:s10], [sflag:$0x6], $0x4000, $0x38;
	[tilespmem:$0x10100] =	vst v63  }
0x4f: {  	s1 =	rddreg [dreg:$0xa]  }
0x50: {  	[hbm4b:s1+s2] =	stream.linear.scatter [tilespmem:s11], [sflag:$0x8], $0x4000, $0x38;
	[tilespmem:$0x10100] =	vst v63  }
0x51: {  	_ =	swait.ge [sflag:s13], $0x4000  }
0x52: {  	[sflag:s13] =	ssyncset.done $0x0  }
0x53: {  	[sflag:s13] =	ssyncadd.s32 $0xFFFFC000  }
0x54: {  	_ =	swait.ge [sflag:s9], $0x4000  }
0x55: {  	[sflag:s9] =	ssyncset.done $0x0  }
0x56: {  	s1 =	rddreg [dreg:$0xb];
	[sflag:s9] =	ssyncadd.s32 $0xFFFFC000  }
0x57: {  	[tilespmem:s19], [sflag:$0x9] =	stream.linear.gather [hbm4b:s1+s2], $0x80, $0x38;
	[tilespmem:$0x10100] =	vst v63  }
0x58: {  	_ =	swait.ge [sflag:s22], $0x80  }
0x59: {  	[sflag:s22] =	ssyncset.done $0x0  }
0x5a: {  	[sflag:s22] =	ssyncadd.s32 $0xFFFFFF80  }
0x5b: {  	[tilespmem:s10], [sflag:$0x2] =	stream.indirect.gather [hbm4b:s3+s19], $0x80, s19, s19, $0xb8;
	[tilespmem:$0x10100] =	vst v63  }
0x5c: {  	_ = 	snop  }
0x5d: {  	[tilespmem:s11], [sflag:$0x4] =	stream.indirect.gather [hbm4b:s4+s19], $0x80, s19, s19, $0xb8;
	[tilespmem:$0x10100] =	vst v63  }
0x5e: {  	_ =	swait.ge [sflag:s25], $0x4000  }
0x5f: {  	[sflag:s25] =	ssyncset.done $0x0  }
0x60: {  	[sflag:s25] =	ssyncadd.s32 $0xFFFFC000  }
0x61: {  	_ =	swait.ge [sflag:s20], $0x4000  }
0x62: {  	[sflag:s20] =	ssyncset.done $0x0  }
0x63: {  	s0 =	rddreg [dreg:$0xc];
	[sflag:s20] =	ssyncadd.s32 $0xFFFFC000  }
0x64: {  	[hbm4b:s0+s2] =	stream.linear.scatter [tilespmem:s15], [sflag:$0x5], $0x4000, $0x38;
	[tilespmem:$0x10100] =	vst v63  }
0x65: {  	s1 =	rddreg [dreg:$0xd]  }
0x66: {  	[hbm4b:s1+s2] =	stream.linear.scatter [tilespmem:s16], [sflag:$0x7], $0x4000, $0x38;
	[tilespmem:$0x10100] =	vst v63  }
0x67: {  	_ =	swait.ge [sflag:s14], $0x4000  }
0x68: {  	[sflag:s14] =	ssyncset.done $0x0  }
0x69: {  	[sflag:s14] =	ssyncadd.s32 $0xFFFFC000  }
0x6a: {  	_ =	swait.ge [sflag:s12], $0x4000  }
0x6b: {  	[sflag:s12] =	ssyncset.done $0x0  }
0x6c: {  	s1 =	rddreg [dreg:$0xe];
	[sflag:s12] =	ssyncadd.s32 $0xFFFFC000  }
0x6d: {  	[tilespmem:s2], [sflag:$0x9] =	stream.linear.gather [hbm4b:s1+s2], $0x80, $0x38;
	[tilespmem:$0x10100] =	vst v63  }
0x6e: {  	_ =	swait.ge [sflag:s22], $0x80  }
0x6f: {  	[sflag:s22] =	ssyncset.done $0x0  }
0x70: {  	[sflag:s22] =	ssyncadd.s32 $0xFFFFFF80  }
0x71: {  	[tilespmem:s15], [sflag:$0x1] =	stream.indirect.gather [hbm4b:s3+s19], $0x80, s2, s19, $0xb8;
	[tilespmem:$0x10100] =	vst v63  }
0x72: {  	_ = 	snop  }
0x73: {  	[tilespmem:s16], [sflag:$0x3] =	stream.indirect.gather [hbm4b:s4+s19], $0x80, s2, s19, $0xb8;
	[tilespmem:$0x10100] =	vst v63  }
0x74: {  	_ =	swait.ge [sflag:s23], $0x4000  }
0x75: {  	[sflag:s23] =	ssyncset.done $0x0  }
0x76: {  	[sflag:s23] =	ssyncadd.s32 $0xFFFFC000  }
0x77: {  	_ =	swait.ge [sflag:s18], $0x4000  }
0x78: {  	[sflag:s18] =	ssyncset.done $0x0  }
0x79: {  	s1 =	rddreg [dreg:$0xf];
	[sflag:s18] =	ssyncadd.s32 $0xFFFFC000  }
0x7a: {  	[hbm4b:s1+s2] =	stream.linear.scatter [tilespmem:s10], [sflag:$0x6], $0x4000, $0x38;
	[tilespmem:$0x10100] =	vst v63  }
0x7b: {  	_ = 	snop  }
0x7c: {  	[hbm4b:s31+s2] =	stream.linear.scatter [tilespmem:s11], [sflag:$0x8], $0x4000, $0x38;
	[tilespmem:$0x10100] =	vst v63  }
0x7d: {  	_ =	swait.ge [sflag:s13], $0x4000  }
0x7e: {  	[sflag:s13] =	ssyncset.done $0x0  }
0x7f: {  	[sflag:s13] =	ssyncadd.s32 $0xFFFFC000  }
0x80: {  	_ =	swait.ge [sflag:s9], $0x4000  }
0x81: {  	[sflag:s9] =	ssyncset.done $0x0  }
0x82: {  	[sflag:s9] =	ssyncadd.s32 $0xFFFFC000  }
0x83: {  	[tilespmem:s19], [sflag:$0x9] =	stream.linear.gather [hbm4b:s30+s2], $0x80, $0x38;
	[tilespmem:$0x10100] =	vst v63  }
0x84: {  	_ =	swait.ge [sflag:s22], $0x80  }
0x85: {  	[sflag:s22] =	ssyncset.done $0x0  }
0x86: {  	[sflag:s22] =	ssyncadd.s32 $0xFFFFFF80  }
0x87: {  	[tilespmem:s10], [sflag:$0x2] =	stream.indirect.gather [hbm4b:s3+s19], $0x80, s19, s19, $0xb8;
	[tilespmem:$0x10100] =	vst v63  }
0x88: {  	_ = 	snop  }
0x89: {  	[tilespmem:s11], [sflag:$0x4] =	stream.indirect.gather [hbm4b:s4+s19], $0x80, s19, s19, $0xb8;
	[tilespmem:$0x10100] =	vst v63  }
0x8a: {  	_ =	swait.ge [sflag:s25], $0x4000  }
0x8b: {  	[sflag:s25] =	ssyncset.done $0x0  }
0x8c: {  	[sflag:s25] =	ssyncadd.s32 $0xFFFFC000  }
0x8d: {  	_ =	swait.ge [sflag:s20], $0x4000  }
0x8e: {  	[sflag:s20] =	ssyncset.done $0x0  }
0x8f: {  	[sflag:s20] =	ssyncadd.s32 $0xFFFFC000  }
0x90: {  	[hbm4b:s28+s2] =	stream.linear.scatter [tilespmem:s15], [sflag:$0x5], $0x4000, $0x38;
	[tilespmem:$0x10100] =	vst v63  }
0x91: {  	_ = 	snop  }
0x92: {  	[hbm4b:s29+s2] =	stream.linear.scatter [tilespmem:s16], [sflag:$0x7], $0x4000, $0x38;
	[tilespmem:$0x10100] =	vst v63  }
0x93: {  	_ =	swait.ge [sflag:s14], $0x4000  }
0x94: {  	[sflag:s14] =	ssyncset.done $0x0  }
0x95: {  	[sflag:s14] =	ssyncadd.s32 $0xFFFFC000  }
0x96: {  	_ =	swait.ge [sflag:s12], $0x4000  }
0x97: {  	[sflag:s12] =	ssyncset.done $0x0  }
0x98: {  	[sflag:s12] =	ssyncadd.s32 $0xFFFFC000  }
0x99: {  	[tilespmem:s2], [sflag:$0x9] =	stream.linear.gather [hbm4b:s26+s2], $0x80, $0x38;
	[tilespmem:$0x10100] =	vst v63  }
0x9a: {  	_ =	swait.ge [sflag:s22], $0x80  }
0x9b: {  	[sflag:s22] =	ssyncset.done $0x0  }
0x9c: {  	[sflag:s22] =	ssyncadd.s32 $0xFFFFFF80  }
0x9d: {  	[tilespmem:s15], [sflag:$0x1] =	stream.indirect.gather [hbm4b:s3+s19], $0x80, s2, s19, $0xb8;
	[tilespmem:$0x10100] =	vst v63  }
0x9e: {  	_ = 	snop  }
0x9f: {  	[tilespmem:s16], [sflag:$0x3] =	stream.indirect.gather [hbm4b:s4+s19], $0x80, s2, s19, $0xb8;
	[tilespmem:$0x10100] =	vst v63  }
0xa0: {  	_ =	swait.ge [sflag:s23], $0x4000  }
0xa1: {  	[sflag:s23] =	ssyncset.done $0x0  }
0xa2: {  	[sflag:s23] =	ssyncadd.s32 $0xFFFFC000  }
0xa3: {  	_ =	swait.ge [sflag:s18], $0x4000  }
0xa4: {  	[sflag:s18] =	ssyncset.done $0x0  }
0xa5: {  	[sflag:s18] =	ssyncadd.s32 $0xFFFFC000  }
0xa6: {  	[hbm4b:s21+s2] =	stream.linear.scatter [tilespmem:s10], [sflag:$0x6], $0x4000, $0x38;
	[tilespmem:$0x10100] =	vst v63  }
0xa7: {  	_ = 	snop  }
0xa8: {  	[hbm4b:s24+s2] =	stream.linear.scatter [tilespmem:s11], [sflag:$0x8], $0x4000, $0x38;
	[tilespmem:$0x10100] =	vst v63  }
0xa9: {  	_ =	swait.ge [sflag:s13], $0x4000  }
0xaa: {  	[sflag:s13] =	ssyncset.done $0x0  }
0xab: {  	[sflag:s13] =	ssyncadd.s32 $0xFFFFC000  }
0xac: {  	_ =	swait.ge [sflag:s9], $0x4000  }
0xad: {  	[sflag:s9] =	ssyncset.done $0x0  }
0xae: {  	[sflag:s9] =	ssyncadd.s32 $0xFFFFC000  }
0xaf: {  	[tilespmem:s19], [sflag:$0x9] =	stream.linear.gather [hbm4b:s17+s2], $0x80, $0x38;
	[tilespmem:$0x10100] =	vst v63  }
0xb0: {  	_ =	swait.ge [sflag:s22], $0x80  }
0xb1: {  	[sflag:s22] =	ssyncset.done $0x0  }
0xb2: {  	[sflag:s22] =	ssyncadd.s32 $0xFFFFFF80  }
0xb3: {  	[tilespmem:s10], [sflag:$0x2] =	stream.indirect.gather [hbm4b:s3+s19], $0x80, s19, s19, $0xb8;
	[tilespmem:$0x10100] =	vst v63  }
0xb4: {  	_ = 	snop  }
0xb5: {  	[tilespmem:s11], [sflag:$0x4] =	stream.indirect.gather [hbm4b:s4+s19], $0x80, s19, s19, $0xb8;
	[tilespmem:$0x10100] =	vst v63  }
0xb6: {  	_ =	swait.ge [sflag:s25], $0x4000  }
0xb7: {  	[sflag:s25] =	ssyncset.done $0x0  }
0xb8: {  	[sflag:s25] =	ssyncadd.s32 $0xFFFFC000  }
0xb9: {  	_ =	swait.ge [sflag:s20], $0x4000  }
0xba: {  	[sflag:s20] =	ssyncset.done $0x0  }
0xbb: {  	[sflag:s20] =	ssyncadd.s32 $0xFFFFC000  }
0xbc: {  	[hbm4b:s7+s2] =	stream.linear.scatter [tilespmem:s15], [sflag:$0x5], $0x4000, $0x38;
	[tilespmem:$0x10100] =	vst v63  }
0xbd: {  	_ = 	snop  }
0xbe: {  	[hbm4b:s8+s2] =	stream.linear.scatter [tilespmem:s16], [sflag:$0x7], $0x4000, $0x38;
	[tilespmem:$0x10100] =	vst v63  }
0xbf: {  	_ =	swait.ge [sflag:s23], $0x4000  }
0xc0: {  	[sflag:s23] =	ssyncset.done $0x0  }
0xc1: {  	[sflag:s23] =	ssyncadd.s32 $0xFFFFC000  }
0xc2: {  	_ =	swait.ge [sflag:s18], $0x4000  }
0xc3: {  	[sflag:s18] =	ssyncset.done $0x0  }
0xc4: {  	[sflag:s18] =	ssyncadd.s32 $0xFFFFC000  }
0xc5: {  	[hbm4b:s5+s2] =	stream.linear.scatter [tilespmem:s10], [sflag:$0x6], $0x4000, $0x38;
	[tilespmem:$0x10100] =	vst v63  }
0xc6: {  	_ = 	snop  }
0xc7: {  	[hbm4b:s6+s2] =	stream.linear.scatter [tilespmem:s11], [sflag:$0x8], $0x4000, $0x38;
	[tilespmem:$0x10100] =	vst v63  }
0xc8: {  	_ =	swait.ge [sflag:s14], $0x4000  }
0xc9: {  	[sflag:s14] =	ssyncset.done $0x0  }
0xca: {  	[sflag:s14] =	ssyncadd.s32 $0xFFFFC000  }
0xcb: {  	_ =	swait.ge [sflag:s12], $0x4000  }
0xcc: {  	[sflag:s12] =	ssyncset.done $0x0  }
0xcd: {  	[sflag:s12] =	ssyncadd.s32 $0xFFFFC000  }
0xce: {  	_ =	swait.ge [sflag:s13], $0x4000  }
0xcf: {  	s1 =	rddreg [dreg:$0x10]  }
0xd0: {  	p1 =	sne.s32 s1, $0x1  }
.Ltmp1:
0xd1: {  	_ = 	snop;
	(pc) =	sbr.rel @!p1 .LBB2_3-.Ltmp1, $4  }
0xd2: {  	[sflag:s13] =	ssyncset.done $0x0  }
0xd3: {  	[sflag:s13] =	ssyncadd.s32 $0xFFFFC000  }
0xd4: {  	p0 =	por $0x1, $0x1;
	_ =	swait.ge [sflag:s9], $0x4000  }
0xd5: {  	s0 =	sadd.s32 $0xFFFFFFFF, s1;
	s1 =	rddreg [dreg:$0x4];
	[sflag:s9] =	ssyncset.done $0x0  }
.LBB2_2:
0xd6: {  	[sflag:s9] =	ssyncadd.s32 $0xFFFFC000  }
0xd7: {  	[tilespmem:s2], [sflag:$0x9] =	stream.linear.gather [hbm4b:s1+s2], $0x80, $0x38;
	[tilespmem:$0x10100] =	vst v63  }
0xd8: {  	_ =	swait.ge [sflag:s22], $0x80  }
0xd9: {  	[sflag:s22] =	ssyncset.done $0x0  }
0xda: {  	[sflag:s22] =	ssyncadd.s32 $0xFFFFFF80  }
0xdb: {  	[tilespmem:s15], [sflag:$0x1] =	stream.indirect.gather [hbm4b:s3+s19], $0x80, s2, s19, $0xb8;
	[tilespmem:$0x10100] =	vst v63  }
0xdc: {  	_ = 	snop  }
0xdd: {  	[tilespmem:s16], [sflag:$0x3] =	stream.indirect.gather [hbm4b:s4+s19], $0x80, s2, s19, $0xb8;
	[tilespmem:$0x10100] =	vst v63  }
0xde: {  	s15 =	rddreg [dreg:$0x5]  }
0xdf: {  	[tilespmem:s19], [sflag:$0x9] =	stream.linear.gather [hbm4b:s15+s2], $0x80, $0x38;
	[tilespmem:$0x10100] =	vst v63  }
0xe0: {  	_ =	swait.ge [sflag:s22], $0x80  }
0xe1: {  	[sflag:s22] =	ssyncset.done $0x0  }
0xe2: {  	[sflag:s22] =	ssyncadd.s32 $0xFFFFFF80  }
0xe3: {  	[tilespmem:s10], [sflag:$0x2] =	stream.indirect.gather [hbm4b:s3+s19], $0x80, s19, s19, $0xb8;
	[tilespmem:$0x10100] =	vst v63  }
0xe4: {  	s9 =	simm.s32 $0x8100  }
0xe5: {  	[tilespmem:s11], [sflag:$0x4] =	stream.indirect.gather [hbm4b:s4+s19], $0x80, s19, s19, $0xb8;
	[tilespmem:$0x10100] =	vst v63  }
0xe6: {  	s16 =	simm.s32 $0x100;
	s10 =	smov.u32 s31;
	_ =	swait.ge [sflag:s25], $0x4000  }
0xe7: {  	s31 =	smov.u32 s30;
	s30 =	smov.u32 s29;
	[sflag:s25] =	ssyncset.done $0x0  }
0xe8: {  	s29 =	smov.u32 s28;
	s28 =	smov.u32 s26;
	[sflag:s25] =	ssyncadd.s32 $0xFFFFC000  }
0xe9: {  	s26 =	smov.u32 s24;
	s24 =	smov.u32 s21;
	_ =	swait.ge [sflag:s20], $0x4000  }
0xea: {  	s21 =	smov.u32 s17;
	s17 =	smov.u32 s8;
	[sflag:s20] =	ssyncset.done $0x0  }
0xeb: {  	s8 =	smov.u32 s7;
	s1 =	rddreg [dreg:$0x6];
	[sflag:s20] =	ssyncadd.s32 $0xFFFFC000  }
0xec: {  	[hbm4b:s1+s2] =	stream.linear.scatter [tilespmem:s16], [sflag:$0x5], $0x4000, $0x38;
	[tilespmem:$0x10100] =	vst v63  }
0xed: {  	s7 =	smov.u32 s6;
	s6 =	smov.u32 s5;
	s5 =	rddreg [dreg:$0x7]  }
0xee: {  	[hbm4b:s5+s2] =	stream.linear.scatter [tilespmem:s9], [sflag:$0x7], $0x4000, $0x38;
	[tilespmem:$0x10100] =	vst v63  }
0xef: {  	_ =	swait.ge [sflag:s14], $0x4000  }
0xf0: {  	[sflag:s14] =	ssyncset.done $0x0  }
0xf1: {  	[sflag:s14] =	ssyncadd.s32 $0xFFFFC000  }
0xf2: {  	_ =	swait.ge [sflag:s12], $0x4000  }
0xf3: {  	[sflag:s12] =	ssyncset.done $0x0  }
0xf4: {  	s5 =	rddreg [dreg:$0x8];
	[sflag:s12] =	ssyncadd.s32 $0xFFFFC000  }
0xf5: {  	[tilespmem:s2], [sflag:$0x9] =	stream.linear.gather [hbm4b:s5+s2], $0x80, $0x38;
	[tilespmem:$0x10100] =	vst v63  }
0xf6: {  	_ =	swait.ge [sflag:s22], $0x80  }
0xf7: {  	[sflag:s22] =	ssyncset.done $0x0  }
0xf8: {  	[sflag:s22] =	ssyncadd.s32 $0xFFFFFF80  }
0xf9: {  	[tilespmem:s16], [sflag:$0x1] =	stream.indirect.gather [hbm4b:s3+s19], $0x80, s2, s19, $0xb8;
	[tilespmem:$0x10100] =	vst v63  }
0xfa: {  	s16 =	simm.s32 $0x8100  }
0xfb: {  	[tilespmem:s16], [sflag:$0x3] =	stream.indirect.gather [hbm4b:s4+s19], $0x80, s2, s19, $0xb8;
	[tilespmem:$0x10100] =	vst v63  }
0xfc: {  	_ =	swait.ge [sflag:s23], $0x4000  }
0xfd: {  	[sflag:s23] =	ssyncset.done $0x0  }
0xfe: {  	[sflag:s23] =	ssyncadd.s32 $0xFFFFC000  }
0xff: {  	_ =	swait.ge [sflag:s18], $0x4000  }
0x100: {  	[sflag:s18] =	ssyncset.done $0x0  }
0x101: {  	s11 =	simm.s32 $0x4100;
	s1 =	rddreg [dreg:$0x9];
	[sflag:s18] =	ssyncadd.s32 $0xFFFFC000  }
0x102: {  	[hbm4b:s1+s2] =	stream.linear.scatter [tilespmem:s11], [sflag:$0x6], $0x4000, $0x38;
	[tilespmem:$0x10100] =	vst v63  }
0x103: {  	s15 =	simm.s32 $0xC100;
	s5 =	rddreg [dreg:$0xa]  }
0x104: {  	[hbm4b:s5+s2] =	stream.linear.scatter [tilespmem:s15], [sflag:$0x8], $0x4000, $0x38;
	[tilespmem:$0x10100] =	vst v63  }
0x105: {  	_ =	swait.ge [sflag:s13], $0x4000  }
0x106: {  	[sflag:s13] =	ssyncset.done $0x0  }
0x107: {  	s9 =	simm.s32 $0x8;
	[sflag:s13] =	ssyncadd.s32 $0xFFFFC000  }
0x108: {  	_ =	swait.ge [sflag:s9], $0x4000  }
0x109: {  	[sflag:s9] =	ssyncset.done $0x0  }
0x10a: {  	s5 =	rddreg [dreg:$0xb];
	[sflag:s9] =	ssyncadd.s32 $0xFFFFC000  }
0x10b: {  	[tilespmem:s19], [sflag:$0x9] =	stream.linear.gather [hbm4b:s5+s2], $0x80, $0x38;
	[tilespmem:$0x10100] =	vst v63  }
0x10c: {  	_ =	swait.ge [sflag:s22], $0x80  }
0x10d: {  	[sflag:s22] =	ssyncset.done $0x0  }
0x10e: {  	[sflag:s22] =	ssyncadd.s32 $0xFFFFFF80  }
0x10f: {  	[tilespmem:s11], [sflag:$0x2] =	stream.indirect.gather [hbm4b:s3+s19], $0x80, s19, s19, $0xb8;
	[tilespmem:$0x10100] =	vst v63  }
0x110: {  	s11 =	simm.s32 $0xC100  }
0x111: {  	[tilespmem:s11], [sflag:$0x4] =	stream.indirect.gather [hbm4b:s4+s19], $0x80, s19, s19, $0xb8;
	[tilespmem:$0x10100] =	vst v63  }
0x112: {  	_ =	swait.ge [sflag:s25], $0x4000  }
0x113: {  	[sflag:s25] =	ssyncset.done $0x0  }
0x114: {  	[sflag:s25] =	ssyncadd.s32 $0xFFFFC000  }
0x115: {  	_ =	swait.ge [sflag:s20], $0x4000  }
0x116: {  	[sflag:s20] =	ssyncset.done $0x0  }
0x117: {  	s15 =	simm.s32 $0x100;
	s1 =	rddreg [dreg:$0xc];
	[sflag:s20] =	ssyncadd.s32 $0xFFFFC000  }
0x118: {  	[hbm4b:s1+s2] =	stream.linear.scatter [tilespmem:s15], [sflag:$0x5], $0x4000, $0x38;
	[tilespmem:$0x10100] =	vst v63  }
0x119: {  	s5 =	rddreg [dreg:$0xd]  }
0x11a: {  	[hbm4b:s5+s2] =	stream.linear.scatter [tilespmem:s16], [sflag:$0x7], $0x4000, $0x38;
	[tilespmem:$0x10100] =	vst v63  }
0x11b: {  	_ =	swait.ge [sflag:s14], $0x4000  }
0x11c: {  	[sflag:s14] =	ssyncset.done $0x0  }
0x11d: {  	[sflag:s14] =	ssyncadd.s32 $0xFFFFC000  }
0x11e: {  	_ =	swait.ge [sflag:s12], $0x4000  }
0x11f: {  	[sflag:s12] =	ssyncset.done $0x0  }
0x120: {  	s1 =	rddreg [dreg:$0xe];
	[sflag:s12] =	ssyncadd.s32 $0xFFFFC000  }
0x121: {  	[tilespmem:s2], [sflag:$0x9] =	stream.linear.gather [hbm4b:s1+s2], $0x80, $0x38;
	[tilespmem:$0x10100] =	vst v63  }
0x122: {  	_ =	swait.ge [sflag:s22], $0x80  }
0x123: {  	[sflag:s22] =	ssyncset.done $0x0  }
0x124: {  	[sflag:s22] =	ssyncadd.s32 $0xFFFFFF80  }
0x125: {  	[tilespmem:s15], [sflag:$0x1] =	stream.indirect.gather [hbm4b:s3+s19], $0x80, s2, s19, $0xb8;
	[tilespmem:$0x10100] =	vst v63  }
0x126: {  	s5 =	smov.u32 s6;
	s6 =	smov.u32 s7  }
0x127: {  	[tilespmem:s16], [sflag:$0x3] =	stream.indirect.gather [hbm4b:s4+s19], $0x80, s2, s19, $0xb8;
	[tilespmem:$0x10100] =	vst v63  }
0x128: {  	s7 =	smov.u32 s8;
	s8 =	smov.u32 s17;
	_ =	swait.ge [sflag:s23], $0x4000  }
0x129: {  	s17 =	smov.u32 s21;
	s21 =	smov.u32 s24;
	[sflag:s23] =	ssyncset.done $0x0  }
0x12a: {  	s24 =	smov.u32 s26;
	s26 =	smov.u32 s28;
	[sflag:s23] =	ssyncadd.s32 $0xFFFFC000  }
0x12b: {  	s28 =	smov.u32 s29;
	s29 =	smov.u32 s30;
	_ =	swait.ge [sflag:s18], $0x4000  }
0x12c: {  	s30 =	smov.u32 s31;
	s31 =	smov.u32 s10;
	[sflag:s18] =	ssyncset.done $0x0  }
0x12d: {  	s10 =	simm.s32 $0x4100;
	s1 =	rddreg [dreg:$0xf];
	[sflag:s18] =	ssyncadd.s32 $0xFFFFC000  }
0x12e: {  	[hbm4b:s1+s2] =	stream.linear.scatter [tilespmem:s10], [sflag:$0x6], $0x4000, $0x38;
	[tilespmem:$0x10100] =	vst v63  }
0x12f: {  	_ = 	snop  }
0x130: {  	[hbm4b:s31+s2] =	stream.linear.scatter [tilespmem:s11], [sflag:$0x8], $0x4000, $0x38;
	[tilespmem:$0x10100] =	vst v63  }
0x131: {  	_ =	swait.ge [sflag:s13], $0x4000  }
0x132: {  	[sflag:s13] =	ssyncset.done $0x0  }
0x133: {  	[sflag:s13] =	ssyncadd.s32 $0xFFFFC000  }
0x134: {  	_ =	swait.ge [sflag:s9], $0x4000  }
0x135: {  	[sflag:s9] =	ssyncset.done $0x0  }
0x136: {  	[sflag:s9] =	ssyncadd.s32 $0xFFFFC000  }
0x137: {  	[tilespmem:s19], [sflag:$0x9] =	stream.linear.gather [hbm4b:s30+s2], $0x80, $0x38;
	[tilespmem:$0x10100] =	vst v63  }
0x138: {  	_ =	swait.ge [sflag:s22], $0x80  }
0x139: {  	[sflag:s22] =	ssyncset.done $0x0  }
0x13a: {  	[sflag:s22] =	ssyncadd.s32 $0xFFFFFF80  }
0x13b: {  	[tilespmem:s10], [sflag:$0x2] =	stream.indirect.gather [hbm4b:s3+s19], $0x80, s19, s19, $0xb8;
	[tilespmem:$0x10100] =	vst v63  }
0x13c: {  	_ = 	snop  }
0x13d: {  	[tilespmem:s11], [sflag:$0x4] =	stream.indirect.gather [hbm4b:s4+s19], $0x80, s19, s19, $0xb8;
	[tilespmem:$0x10100] =	vst v63  }
0x13e: {  	_ =	swait.ge [sflag:s25], $0x4000  }
0x13f: {  	[sflag:s25] =	ssyncset.done $0x0  }
0x140: {  	[sflag:s25] =	ssyncadd.s32 $0xFFFFC000  }
0x141: {  	_ =	swait.ge [sflag:s20], $0x4000  }
0x142: {  	[sflag:s20] =	ssyncset.done $0x0  }
0x143: {  	[sflag:s20] =	ssyncadd.s32 $0xFFFFC000  }
0x144: {  	[hbm4b:s28+s2] =	stream.linear.scatter [tilespmem:s15], [sflag:$0x5], $0x4000, $0x38;
	[tilespmem:$0x10100] =	vst v63  }
0x145: {  	_ = 	snop  }
0x146: {  	[hbm4b:s29+s2] =	stream.linear.scatter [tilespmem:s16], [sflag:$0x7], $0x4000, $0x38;
	[tilespmem:$0x10100] =	vst v63  }
0x147: {  	_ =	swait.ge [sflag:s14], $0x4000  }
0x148: {  	[sflag:s14] =	ssyncset.done $0x0  }
0x149: {  	[sflag:s14] =	ssyncadd.s32 $0xFFFFC000  }
0x14a: {  	_ =	swait.ge [sflag:s12], $0x4000  }
0x14b: {  	[sflag:s12] =	ssyncset.done $0x0  }
0x14c: {  	[sflag:s12] =	ssyncadd.s32 $0xFFFFC000  }
0x14d: {  	[tilespmem:s2], [sflag:$0x9] =	stream.linear.gather [hbm4b:s26+s2], $0x80, $0x38;
	[tilespmem:$0x10100] =	vst v63  }
0x14e: {  	_ =	swait.ge [sflag:s22], $0x80  }
0x14f: {  	[sflag:s22] =	ssyncset.done $0x0  }
0x150: {  	[sflag:s22] =	ssyncadd.s32 $0xFFFFFF80  }
0x151: {  	[tilespmem:s15], [sflag:$0x1] =	stream.indirect.gather [hbm4b:s3+s19], $0x80, s2, s19, $0xb8;
	[tilespmem:$0x10100] =	vst v63  }
0x152: {  	_ = 	snop  }
0x153: {  	[tilespmem:s16], [sflag:$0x3] =	stream.indirect.gather [hbm4b:s4+s19], $0x80, s2, s19, $0xb8;
	[tilespmem:$0x10100] =	vst v63  }
0x154: {  	_ =	swait.ge [sflag:s23], $0x4000  }
0x155: {  	[sflag:s23] =	ssyncset.done $0x0  }
0x156: {  	[sflag:s23] =	ssyncadd.s32 $0xFFFFC000  }
0x157: {  	_ =	swait.ge [sflag:s18], $0x4000  }
0x158: {  	[sflag:s18] =	ssyncset.done $0x0  }
0x159: {  	[sflag:s18] =	ssyncadd.s32 $0xFFFFC000  }
0x15a: {  	[hbm4b:s21+s2] =	stream.linear.scatter [tilespmem:s10], [sflag:$0x6], $0x4000, $0x38;
	[tilespmem:$0x10100] =	vst v63  }
0x15b: {  	_ = 	snop  }
0x15c: {  	[hbm4b:s24+s2] =	stream.linear.scatter [tilespmem:s11], [sflag:$0x8], $0x4000, $0x38;
	[tilespmem:$0x10100] =	vst v63  }
0x15d: {  	_ =	swait.ge [sflag:s13], $0x4000  }
0x15e: {  	[sflag:s13] =	ssyncset.done $0x0  }
0x15f: {  	[sflag:s13] =	ssyncadd.s32 $0xFFFFC000  }
0x160: {  	_ =	swait.ge [sflag:s9], $0x4000  }
0x161: {  	[sflag:s9] =	ssyncset.done $0x0  }
0x162: {  	[sflag:s9] =	ssyncadd.s32 $0xFFFFC000  }
0x163: {  	[tilespmem:s19], [sflag:$0x9] =	stream.linear.gather [hbm4b:s17+s2], $0x80, $0x38;
	[tilespmem:$0x10100] =	vst v63  }
0x164: {  	_ =	swait.ge [sflag:s22], $0x80  }
0x165: {  	[sflag:s22] =	ssyncset.done $0x0  }
0x166: {  	[sflag:s22] =	ssyncadd.s32 $0xFFFFFF80  }
0x167: {  	[tilespmem:s10], [sflag:$0x2] =	stream.indirect.gather [hbm4b:s3+s19], $0x80, s19, s19, $0xb8;
	[tilespmem:$0x10100] =	vst v63  }
0x168: {  	_ = 	snop  }
0x169: {  	[tilespmem:s11], [sflag:$0x4] =	stream.indirect.gather [hbm4b:s4+s19], $0x80, s19, s19, $0xb8;
	[tilespmem:$0x10100] =	vst v63  }
0x16a: {  	_ =	swait.ge [sflag:s25], $0x4000  }
0x16b: {  	[sflag:s25] =	ssyncset.done $0x0  }
0x16c: {  	[sflag:s25] =	ssyncadd.s32 $0xFFFFC000  }
0x16d: {  	_ =	swait.ge [sflag:s20], $0x4000  }
0x16e: {  	[sflag:s20] =	ssyncset.done $0x0  }
0x16f: {  	[sflag:s20] =	ssyncadd.s32 $0xFFFFC000  }
0x170: {  	[hbm4b:s7+s2] =	stream.linear.scatter [tilespmem:s15], [sflag:$0x5], $0x4000, $0x38;
	[tilespmem:$0x10100] =	vst v63  }
0x171: {  	_ = 	snop  }
0x172: {  	[hbm4b:s8+s2] =	stream.linear.scatter [tilespmem:s16], [sflag:$0x7], $0x4000, $0x38;
	[tilespmem:$0x10100] =	vst v63  }
0x173: {  	_ =	swait.ge [sflag:s23], $0x4000  }
0x174: {  	[sflag:s23] =	ssyncset.done $0x0  }
0x175: {  	[sflag:s23] =	ssyncadd.s32 $0xFFFFC000  }
0x176: {  	_ =	swait.ge [sflag:s18], $0x4000  }
0x177: {  	[sflag:s18] =	ssyncset.done $0x0  }
0x178: {  	[sflag:s18] =	ssyncadd.s32 $0xFFFFC000  }
0x179: {  	[hbm4b:s5+s2] =	stream.linear.scatter [tilespmem:s10], [sflag:$0x6], $0x4000, $0x38;
	[tilespmem:$0x10100] =	vst v63  }
0x17a: {  	_ = 	snop  }
0x17b: {  	[hbm4b:s6+s2] =	stream.linear.scatter [tilespmem:s11], [sflag:$0x8], $0x4000, $0x38;
	[tilespmem:$0x10100] =	vst v63  }
0x17c: {  	_ =	swait.ge [sflag:s14], $0x4000  }
0x17d: {  	[sflag:s14] =	ssyncset.done $0x0  }
0x17e: {  	[sflag:s14] =	ssyncadd.s32 $0xFFFFC000  }
0x17f: {  	_ =	swait.ge [sflag:s12], $0x4000  }
0x180: {  	[sflag:s12] =	ssyncset.done $0x0  }
0x181: {  	p1 =	sne.s32 s0, $0x1;
	[sflag:s12] =	ssyncadd.s32 $0xFFFFC000  }
.Ltmp2:
0x182: {  	_ =	swait.ge [sflag:s13], $0x4000;
	(pc) =	sbr.rel @p1 .LBB2_2-.Ltmp2, $4  }
0x183: {  	[sflag:s13] =	ssyncset.done $0x0  }
0x184: {  	[sflag:s13] =	ssyncadd.s32 $0xFFFFC000  }
0x185: {  	_ =	swait.ge [sflag:s9], $0x4000  }
0x186: {  	s0 =	sadd.s32 $0xFFFFFFFF, s0;
	s1 =	rddreg [dreg:$0x4];
	[sflag:s9] =	ssyncset.done $0x0  }
.LBB2_3:
0x187: {  	[sflag:s9] =	ssyncadd.s32 @p0 $0xFFFFC000  }
0x188: {  	[tilespmem:s2], [sflag:$0x9] =	stream.linear.gather [hbm4b:s1+s2], $0x80, $0x38;
	[tilespmem:$0x10100] =	vst v63  }
0x189: {  	_ =	swait.ge [sflag:s22], $0x80  }
0x18a: {  	[sflag:s22] =	ssyncset.done $0x0  }
0x18b: {  	[sflag:s22] =	ssyncadd.s32 $0xFFFFFF80  }
0x18c: {  	[tilespmem:s15], [sflag:$0x1] =	stream.indirect.gather [hbm4b:s3+s19], $0x80, s2, s19, $0xb8;
	[tilespmem:$0x10100] =	vst v63  }
0x18d: {  	_ = 	snop  }
0x18e: {  	[tilespmem:s16], [sflag:$0x3] =	stream.indirect.gather [hbm4b:s4+s19], $0x80, s2, s19, $0xb8;
	[tilespmem:$0x10100] =	vst v63  }
0x18f: {  	s0 =	rddreg [dreg:$0x5]  }
0x190: {  	[tilespmem:s19], [sflag:$0x9] =	stream.linear.gather [hbm4b:s0+s2], $0x80, $0x38;
	[tilespmem:$0x10100] =	vst v63  }
0x191: {  	_ =	swait.ge [sflag:s22], $0x80  }
0x192: {  	[sflag:s22] =	ssyncset.done $0x0  }
0x193: {  	[sflag:s22] =	ssyncadd.s32 $0xFFFFFF80  }
0x194: {  	[tilespmem:s10], [sflag:$0x2] =	stream.indirect.gather [hbm4b:s3+s19], $0x80, s19, s19, $0xb8;
	[tilespmem:$0x10100] =	vst v63  }
0x195: {  	_ = 	snop  }
0x196: {  	[tilespmem:s11], [sflag:$0x4] =	stream.indirect.gather [hbm4b:s4+s19], $0x80, s19, s19, $0xb8;
	[tilespmem:$0x10100] =	vst v63  }
0x197: {  	_ =	swait.ge [sflag:s25], $0x4000  }
0x198: {  	[sflag:s25] =	ssyncset.done $0x0  }
0x199: {  	[sflag:s25] =	ssyncadd.s32 $0xFFFFC000  }
0x19a: {  	_ =	swait.ge [sflag:s20], $0x4000  }
0x19b: {  	[sflag:s20] =	ssyncset.done $0x0  }
0x19c: {  	s0 =	rddreg [dreg:$0x6];
	[sflag:s20] =	ssyncadd.s32 $0xFFFFC000  }
0x19d: {  	[hbm4b:s0+s2] =	stream.linear.scatter [tilespmem:s15], [sflag:$0x5], $0x4000, $0x38;
	[tilespmem:$0x10100] =	vst v63  }
0x19e: {  	s1 =	rddreg [dreg:$0x7]  }
0x19f: {  	[hbm4b:s1+s2] =	stream.linear.scatter [tilespmem:s16], [sflag:$0x7], $0x4000, $0x38;
	[tilespmem:$0x10100] =	vst v63  }
0x1a0: {  	_ =	swait.ge [sflag:s14], $0x4000  }
0x1a1: {  	[sflag:s14] =	ssyncset.done $0x0  }
0x1a2: {  	[sflag:s14] =	ssyncadd.s32 $0xFFFFC000  }
0x1a3: {  	_ =	swait.ge [sflag:s12], $0x4000  }
0x1a4: {  	[sflag:s12] =	ssyncset.done $0x0  }
0x1a5: {  	s1 =	rddreg [dreg:$0x8];
	[sflag:s12] =	ssyncadd.s32 $0xFFFFC000  }
0x1a6: {  	[tilespmem:s2], [sflag:$0x9] =	stream.linear.gather [hbm4b:s1+s2], $0x80, $0x38;
	[tilespmem:$0x10100] =	vst v63  }
0x1a7: {  	_ =	swait.ge [sflag:s22], $0x80  }
0x1a8: {  	[sflag:s22] =	ssyncset.done $0x0  }
0x1a9: {  	[sflag:s22] =	ssyncadd.s32 $0xFFFFFF80  }
0x1aa: {  	[tilespmem:s15], [sflag:$0x1] =	stream.indirect.gather [hbm4b:s3+s19], $0x80, s2, s19, $0xb8;
	[tilespmem:$0x10100] =	vst v63  }
0x1ab: {  	_ = 	snop  }
0x1ac: {  	[tilespmem:s16], [sflag:$0x3] =	stream.indirect.gather [hbm4b:s4+s19], $0x80, s2, s19, $0xb8;
	[tilespmem:$0x10100] =	vst v63  }
0x1ad: {  	_ =	swait.ge [sflag:s23], $0x4000  }
0x1ae: {  	[sflag:s23] =	ssyncset.done $0x0  }
0x1af: {  	[sflag:s23] =	ssyncadd.s32 $0xFFFFC000  }
0x1b0: {  	_ =	swait.ge [sflag:s18], $0x4000  }
0x1b1: {  	[sflag:s18] =	ssyncset.done $0x0  }
0x1b2: {  	s0 =	rddreg [dreg:$0x9];
	[sflag:s18] =	ssyncadd.s32 $0xFFFFC000  }
0x1b3: {  	[hbm4b:s0+s2] =	stream.linear.scatter [tilespmem:s10], [sflag:$0x6], $0x4000, $0x38;
	[tilespmem:$0x10100] =	vst v63  }
0x1b4: {  	s1 =	rddreg [dreg:$0xa]  }
0x1b5: {  	[hbm4b:s1+s2] =	stream.linear.scatter [tilespmem:s11], [sflag:$0x8], $0x4000, $0x38;
	[tilespmem:$0x10100] =	vst v63  }
0x1b6: {  	_ =	swait.ge [sflag:s13], $0x4000  }
0x1b7: {  	[sflag:s13] =	ssyncset.done $0x0  }
0x1b8: {  	[sflag:s13] =	ssyncadd.s32 $0xFFFFC000  }
0x1b9: {  	_ =	swait.ge [sflag:s9], $0x4000  }
0x1ba: {  	[sflag:s9] =	ssyncset.done $0x0  }
0x1bb: {  	s1 =	rddreg [dreg:$0xb];
	[sflag:s9] =	ssyncadd.s32 $0xFFFFC000  }
0x1bc: {  	[tilespmem:s19], [sflag:$0x9] =	stream.linear.gather [hbm4b:s1+s2], $0x80, $0x38;
	[tilespmem:$0x10100] =	vst v63  }
0x1bd: {  	_ =	swait.ge [sflag:s22], $0x80  }
0x1be: {  	[sflag:s22] =	ssyncset.done $0x0  }
0x1bf: {  	[sflag:s22] =	ssyncadd.s32 $0xFFFFFF80  }
0x1c0: {  	[tilespmem:s10], [sflag:$0x2] =	stream.indirect.gather [hbm4b:s3+s19], $0x80, s19, s19, $0xb8;
	[tilespmem:$0x10100] =	vst v63  }
0x1c1: {  	_ = 	snop  }
0x1c2: {  	[tilespmem:s11], [sflag:$0x4] =	stream.indirect.gather [hbm4b:s4+s19], $0x80, s19, s19, $0xb8;
	[tilespmem:$0x10100] =	vst v63  }
0x1c3: {  	_ =	swait.ge [sflag:s25], $0x4000  }
0x1c4: {  	[sflag:s25] =	ssyncset.done $0x0  }
0x1c5: {  	[sflag:s25] =	ssyncadd.s32 $0xFFFFC000  }
0x1c6: {  	_ =	swait.ge [sflag:s20], $0x4000  }
0x1c7: {  	[sflag:s20] =	ssyncset.done $0x0  }
0x1c8: {  	s0 =	rddreg [dreg:$0xc];
	[sflag:s20] =	ssyncadd.s32 $0xFFFFC000  }
0x1c9: {  	[hbm4b:s0+s2] =	stream.linear.scatter [tilespmem:s15], [sflag:$0x5], $0x4000, $0x38;
	[tilespmem:$0x10100] =	vst v63  }
0x1ca: {  	s1 =	rddreg [dreg:$0xd]  }
0x1cb: {  	[hbm4b:s1+s2] =	stream.linear.scatter [tilespmem:s16], [sflag:$0x7], $0x4000, $0x38;
	[tilespmem:$0x10100] =	vst v63  }
0x1cc: {  	_ =	swait.ge [sflag:s14], $0x4000  }
0x1cd: {  	[sflag:s14] =	ssyncset.done $0x0  }
0x1ce: {  	[sflag:s14] =	ssyncadd.s32 $0xFFFFC000  }
0x1cf: {  	_ =	swait.ge [sflag:s12], $0x4000  }
0x1d0: {  	[sflag:s12] =	ssyncset.done $0x0  }
0x1d1: {  	s1 =	rddreg [dreg:$0xe];
	[sflag:s12] =	ssyncadd.s32 $0xFFFFC000  }
0x1d2: {  	[tilespmem:s2], [sflag:$0x9] =	stream.linear.gather [hbm4b:s1+s2], $0x80, $0x38;
	[tilespmem:$0x10100] =	vst v63  }
0x1d3: {  	_ =	swait.ge [sflag:s22], $0x80  }
0x1d4: {  	[sflag:s22] =	ssyncset.done $0x0  }
0x1d5: {  	[sflag:s22] =	ssyncadd.s32 $0xFFFFFF80  }
0x1d6: {  	[tilespmem:s15], [sflag:$0x1] =	stream.indirect.gather [hbm4b:s3+s19], $0x80, s2, s19, $0xb8;
	[tilespmem:$0x10100] =	vst v63  }
0x1d7: {  	_ = 	snop  }
0x1d8: {  	[tilespmem:s16], [sflag:$0x3] =	stream.indirect.gather [hbm4b:s4+s19], $0x80, s2, s19, $0xb8;
	[tilespmem:$0x10100] =	vst v63  }
0x1d9: {  	_ =	swait.ge [sflag:s23], $0x4000  }
0x1da: {  	[sflag:s23] =	ssyncset.done $0x0  }
0x1db: {  	[sflag:s23] =	ssyncadd.s32 $0xFFFFC000  }
0x1dc: {  	_ =	swait.ge [sflag:s18], $0x4000  }
0x1dd: {  	[sflag:s18] =	ssyncset.done $0x0  }
0x1de: {  	s1 =	rddreg [dreg:$0xf];
	[sflag:s18] =	ssyncadd.s32 $0xFFFFC000  }
0x1df: {  	[hbm4b:s1+s2] =	stream.linear.scatter [tilespmem:s10], [sflag:$0x6], $0x4000, $0x38;
	[tilespmem:$0x10100] =	vst v63  }
0x1e0: {  	_ = 	snop  }
0x1e1: {  	[hbm4b:s31+s2] =	stream.linear.scatter [tilespmem:s11], [sflag:$0x8], $0x4000, $0x38;
	[tilespmem:$0x10100] =	vst v63  }
0x1e2: {  	_ =	swait.ge [sflag:s13], $0x4000  }
0x1e3: {  	[sflag:s13] =	ssyncset.done $0x0  }
0x1e4: {  	[sflag:s13] =	ssyncadd.s32 $0xFFFFC000  }
0x1e5: {  	_ =	swait.ge [sflag:s9], $0x4000  }
0x1e6: {  	[sflag:s9] =	ssyncset.done $0x0  }
0x1e7: {  	[sflag:s9] =	ssyncadd.s32 $0xFFFFC000  }
0x1e8: {  	[tilespmem:s19], [sflag:$0x9] =	stream.linear.gather [hbm4b:s30+s2], $0x80, $0x38;
	[tilespmem:$0x10100] =	vst v63  }
0x1e9: {  	_ =	swait.ge [sflag:s22], $0x80  }
0x1ea: {  	[sflag:s22] =	ssyncset.done $0x0  }
0x1eb: {  	[sflag:s22] =	ssyncadd.s32 $0xFFFFFF80  }
0x1ec: {  	[tilespmem:s10], [sflag:$0x2] =	stream.indirect.gather [hbm4b:s3+s19], $0x80, s19, s19, $0xb8;
	[tilespmem:$0x10100] =	vst v63  }
0x1ed: {  	_ = 	snop  }
0x1ee: {  	[tilespmem:s11], [sflag:$0x4] =	stream.indirect.gather [hbm4b:s4+s19], $0x80, s19, s19, $0xb8;
	[tilespmem:$0x10100] =	vst v63  }
0x1ef: {  	_ =	swait.ge [sflag:s25], $0x4000  }
0x1f0: {  	[sflag:s25] =	ssyncset.done $0x0  }
0x1f1: {  	[sflag:s25] =	ssyncadd.s32 $0xFFFFC000  }
0x1f2: {  	_ =	swait.ge [sflag:s20], $0x4000  }
0x1f3: {  	[sflag:s20] =	ssyncset.done $0x0  }
0x1f4: {  	[sflag:s20] =	ssyncadd.s32 $0xFFFFC000  }
0x1f5: {  	[hbm4b:s28+s2] =	stream.linear.scatter [tilespmem:s15], [sflag:$0x5], $0x4000, $0x38;
	[tilespmem:$0x10100] =	vst v63  }
0x1f6: {  	_ = 	snop  }
0x1f7: {  	[hbm4b:s29+s2] =	stream.linear.scatter [tilespmem:s16], [sflag:$0x7], $0x4000, $0x38;
	[tilespmem:$0x10100] =	vst v63  }
0x1f8: {  	_ =	swait.ge [sflag:s14], $0x4000  }
0x1f9: {  	[sflag:s14] =	ssyncset.done $0x0  }
0x1fa: {  	[sflag:s14] =	ssyncadd.s32 $0xFFFFC000  }
0x1fb: {  	_ =	swait.ge [sflag:s12], $0x4000  }
0x1fc: {  	[sflag:s12] =	ssyncset.done $0x0  }
0x1fd: {  	[sflag:s12] =	ssyncadd.s32 $0xFFFFC000  }
0x1fe: {  	[tilespmem:s2], [sflag:$0x9] =	stream.linear.gather [hbm4b:s26+s2], $0x80, $0x38;
	[tilespmem:$0x10100] =	vst v63  }
0x1ff: {  	_ =	swait.ge [sflag:s22], $0x80  }
0x200: {  	[sflag:s22] =	ssyncset.done $0x0  }
0x201: {  	[sflag:s22] =	ssyncadd.s32 $0xFFFFFF80  }
0x202: {  	[tilespmem:s15], [sflag:$0x1] =	stream.indirect.gather [hbm4b:s3+s19], $0x80, s2, s19, $0xb8;
	[tilespmem:$0x10100] =	vst v63  }
0x203: {  	_ = 	snop  }
0x204: {  	[tilespmem:s16], [sflag:$0x3] =	stream.indirect.gather [hbm4b:s4+s19], $0x80, s2, s19, $0xb8;
	[tilespmem:$0x10100] =	vst v63  }
0x205: {  	_ =	swait.ge [sflag:s23], $0x4000  }
0x206: {  	[sflag:s23] =	ssyncset.done $0x0  }
0x207: {  	[sflag:s23] =	ssyncadd.s32 $0xFFFFC000  }
0x208: {  	_ =	swait.ge [sflag:s18], $0x4000  }
0x209: {  	[sflag:s18] =	ssyncset.done $0x0  }
0x20a: {  	[sflag:s18] =	ssyncadd.s32 $0xFFFFC000  }
0x20b: {  	[hbm4b:s21+s2] =	stream.linear.scatter [tilespmem:s10], [sflag:$0x6], $0x4000, $0x38;
	[tilespmem:$0x10100] =	vst v63  }
0x20c: {  	_ = 	snop  }
0x20d: {  	[hbm4b:s24+s2] =	stream.linear.scatter [tilespmem:s11], [sflag:$0x8], $0x4000, $0x38;
	[tilespmem:$0x10100] =	vst v63  }
0x20e: {  	_ =	swait.ge [sflag:s13], $0x4000  }
0x20f: {  	[sflag:s13] =	ssyncset.done $0x0  }
0x210: {  	[sflag:s13] =	ssyncadd.s32 $0xFFFFC000  }
0x211: {  	_ =	swait.ge [sflag:s9], $0x4000  }
0x212: {  	[sflag:s9] =	ssyncset.done $0x0  }
0x213: {  	[sflag:s9] =	ssyncadd.s32 $0xFFFFC000  }
0x214: {  	[tilespmem:s19], [sflag:$0x9] =	stream.linear.gather [hbm4b:s17+s2], $0x80, $0x38;
	[tilespmem:$0x10100] =	vst v63  }
0x215: {  	_ =	swait.ge [sflag:s22], $0x80  }
0x216: {  	[sflag:s22] =	ssyncset.done $0x0  }
0x217: {  	[sflag:s22] =	ssyncadd.s32 $0xFFFFFF80  }
0x218: {  	[tilespmem:s10], [sflag:$0x2] =	stream.indirect.gather [hbm4b:s3+s19], $0x80, s19, s19, $0xb8;
	[tilespmem:$0x10100] =	vst v63  }
0x219: {  	_ = 	snop  }
0x21a: {  	[tilespmem:s11], [sflag:$0x4] =	stream.indirect.gather [hbm4b:s4+s19], $0x80, s19, s19, $0xb8;
	[tilespmem:$0x10100] =	vst v63  }
0x21b: {  	_ =	swait.ge [sflag:s25], $0x4000  }
0x21c: {  	[sflag:s25] =	ssyncset.done $0x0  }
0x21d: {  	[sflag:s25] =	ssyncadd.s32 $0xFFFFC000  }
0x21e: {  	_ =	swait.ge [sflag:s20], $0x4000  }
0x21f: {  	[sflag:s20] =	ssyncset.done $0x0  }
0x220: {  	[sflag:s20] =	ssyncadd.s32 $0xFFFFC000  }
0x221: {  	[hbm4b:s7+s2] =	stream.linear.scatter [tilespmem:s15], [sflag:$0x5], $0x4000, $0x38;
	[tilespmem:$0x10100] =	vst v63  }
0x222: {  	_ = 	snop  }
0x223: {  	[hbm4b:s8+s2] =	stream.linear.scatter [tilespmem:s16], [sflag:$0x7], $0x4000, $0x38;
	[tilespmem:$0x10100] =	vst v63  }
0x224: {  	_ =	swait.ge [sflag:s23], $0x4000  }
0x225: {  	[sflag:s23] =	ssyncset.done $0x0  }
0x226: {  	[sflag:s23] =	ssyncadd.s32 $0xFFFFC000  }
0x227: {  	_ =	swait.ge [sflag:s18], $0x4000  }
0x228: {  	[sflag:s18] =	ssyncset.done $0x0  }
0x229: {  	[sflag:s18] =	ssyncadd.s32 $0xFFFFC000  }
0x22a: {  	[hbm4b:s5+s2] =	stream.linear.scatter [tilespmem:s10], [sflag:$0x6], $0x4000, $0x38;
	[tilespmem:$0x10100] =	vst v63  }
0x22b: {  	_ = 	snop  }
0x22c: {  	[hbm4b:s6+s2] =	stream.linear.scatter [tilespmem:s11], [sflag:$0x8], $0x4000, $0x38;
	[tilespmem:$0x10100] =	vst v63  }
0x22d: {  	_ =	swait.ge [sflag:s14], $0x4000  }
0x22e: {  	[sflag:s14] =	ssyncset.done $0x0  }
0x22f: {  	[sflag:s14] =	ssyncadd.s32 $0xFFFFC000  }
0x230: {  	_ =	swait.ge [sflag:s12], $0x4000  }
0x231: {  	[sflag:s12] =	ssyncset.done $0x0  }
0x232: {  	[sflag:s12] =	ssyncadd.s32 $0xFFFFC000  }
0x233: {  	_ =	swait.ge [sflag:s13], $0x4000  }
0x234: {  	[sflag:s13] =	ssyncset.done $0x0  }
0x235: {  	[sflag:s13] =	ssyncadd.s32 $0xFFFFC000  }
0x236: {  	_ =	swait.ge [sflag:s9], $0x4000  }
0x237: {  	[sflag:s9] =	ssyncset.done $0x0  }
0x238: {  	[sflag:s9] =	ssyncadd.s32 $0xFFFFC000  }
0x239: {  	_ =	sfence.sel $0x180000  }
0x23a: {  	[bflag:$0x0] =	sbarrier.arrive $0xFFFF  }
0x23b: {  	_ =	strace $0x90000047  }
0x23c: {  	s31 =	stileid.u32;
	[bflag:$0x2] =	sbarrier.arrive $0xFFFF  }
0x23d: {  	p0 =	sne.s32 s31, $0x0;
	s0 =	rddreg [dreg:$0x3]  }
0x23e: {  	s0 =	sadd.s32 @!p0 $0x100000, s0  }
0x23f: {  	[sflag:s0] =	ssyncadd.tile.s32 @!p0 $0x1;
	_ =	shalt  }
.Lfunc_end2:
_tile_overlayer_lowered:
.L_overlay_start_2:
0x240: {  	(tag) =	ssettag $0x2  }
0x241: {  	s0 =	rddreg [dreg:$0x0];
	s2 =	stileid.u32  }
0x242: {  	s1 =	rddreg [dreg:$0x1];
	p0 =	sne.s32 s2, $0x0  }
0x243: {  	s3 =	rddreg [dreg:$0x2];
	[bflag:$0x3] =	sbarrier.arrive $0xFFFF;
	s2 =	simm.s32 @!p0 $0x1C09  }
0x244: {  	[timem:s3], [sflag:s2] =	dma.local @!p0 [hbm:s0], s1  }
0x245: {  	s0 =	simm.s32 @!p0 $0x9  }
0x246: {  	_ =	swait.ge @!p0 [sflag:s0], s1  }
0x247: {  	s1 =	ssub.s32 @!p0 $0x0, s1;
	[sflag:s0] =	ssyncset.done @!p0 $0x0  }
0x248: {  	[sflag:s0] =	ssyncadd.s32 @!p0 s1  }
0x249: {  	[bflag:$0x3] =	sbarrier.arrive $0xFFFF  }
0x24a: {  	_ =	shalt  }

</sc_bundles>
